<compile_context>
chip_gen: v7x
topology: tpu7x:2x2x1
jax: 0.10.2.dev20260603
libtpu: 0.0.44.dev20260713+nightly
codegen_flags: <defaults>
</compile_context>

<pallas_src>
import functools

import jax
import jax.numpy as jnp
from jax import lax
from jax.experimental import pallas as pl
from jax.experimental.pallas import tpu as pltpu
from jax.experimental.pallas import tpu_sc as plsc

N = 20000
E = 40000
ETOT = E + N
EPAD = 61440
NPAD = 20480
G = 512
IN_DIM = 64
HID = 128
OUT = 32
D48 = 48
NC, NS = 2, 16
NW = NC * NS

BE = 512
GBLK = EPAD // BE
BN = 800
NBLK = N // BN



def _make_sc_gather(n_chunks, d):
    rw = n_chunks * 128
    mesh = plsc.VectorSubcoreMesh(
        core_axis_name="c", subcore_axis_name="s", num_cores=NC,
        num_subcores=NS)

    @functools.partial(
        pl.kernel, mesh=mesh,
        compiler_params=pltpu.CompilerParams(use_tc_tiling_on_sc=False),
        out_type=jax.ShapeDtypeStruct((NW * rw, d), jnp.float32),
        scratch_types=[
            pltpu.VMEM((128,), jnp.int32),
            pltpu.VMEM((128, d), jnp.float32),
            pltpu.SemaphoreType.DMA,
        ],
    )
    def gather_k(table_hbm, idx_hbm, out_hbm, idxc, rbuf, sem):
        wid = lax.axis_index("s") * NC + lax.axis_index("c")

        def body(j, carry):
            pltpu.sync_copy(idx_hbm.at[wid, j], idxc)
            pltpu.async_copy(table_hbm.at[idxc], rbuf, sem).wait()
            pltpu.sync_copy(rbuf, out_hbm.at[pl.ds(wid * rw + j * 128, 128)])
            return carry

        lax.fori_loop(0, n_chunks, body, 0)

    return gather_k


def _make_sc_scatter(n_chunks, n_out):
    rw = n_chunks * 128
    stripe = n_out // NS
    mesh = plsc.VectorSubcoreMesh(
        core_axis_name="c", subcore_axis_name="s", num_cores=NC,
        num_subcores=NS)

    @functools.partial(
        pl.kernel, mesh=mesh,
        compiler_params=pltpu.CompilerParams(use_tc_tiling_on_sc=False),
        out_type=jax.ShapeDtypeStruct((NC, n_out, D48), jnp.float32),
        scratch_types=[
            pltpu.VMEM((128,), jnp.int32),
            pltpu.VMEM((128, D48), jnp.float32),
            pltpu.VMEM((stripe, D48), jnp.float32),
            pltpu.VMEM_SHARED((n_out, D48), jnp.float32),
        ],
    )
    def scatter_k(m_hbm, idx_hbm, zeros_hbm, out_hbm, idxc, mbuf, sbuf,
                  acc):
        cid = lax.axis_index("c")
        sid = lax.axis_index("s")
        wid = sid * NC + cid
        pltpu.sync_copy(zeros_hbm, sbuf)
        pltpu.sync_copy(sbuf, acc.at[pl.ds(sid * stripe, stripe)])
        plsc.subcore_barrier()

        def body(j, carry):
            pltpu.sync_copy(idx_hbm.at[wid, j], idxc)
            pltpu.sync_copy(m_hbm.at[pl.ds(wid * rw + j * 128, 128)], mbuf)
            pltpu.sync_copy(mbuf, acc.at[idxc], add=True)
            return carry

        lax.fori_loop(0, n_chunks, body, 0)
        plsc.subcore_barrier()
        pltpu.sync_copy(acc.at[pl.ds(sid * stripe, stripe)], sbuf)
        pltpu.sync_copy(sbuf, out_hbm.at[cid, pl.ds(sid * stripe, stripe)])

    return scatter_k


_sc_gather64 = _make_sc_gather(30, IN_DIM)
_sc_gather32 = _make_sc_gather(30, OUT)
_sc_scatter_conv = _make_sc_scatter(15, N)
_sc_scatter_pool = _make_sc_scatter(5, G)



def _bn_coefs(st_ref, gam_ref, bet_ref):
    mean = st_ref[0:1, :] * (1.0 / N)
    ex2 = st_ref[1:2, :] * (1.0 / N)
    var = ex2 - mean * mean
    a = gam_ref[...] * lax.rsqrt(var + 1e-5)
    b = bet_ref[...] - mean * a
    return a, b


def _msg_body(d_in, xs_ref, xd_ref, wf_ref, bf_ref, wo_ref, bo_ref, out_ref,
              *, normalize, st_ref=None, gam_ref=None, bet_ref=None):
    i = pl.program_id(0)
    xs = xs_ref[...]
    xd = xd_ref[...]
    if normalize:
        a, b = _bn_coefs(st_ref, gam_ref, bet_ref)
        xs = jnp.maximum(xs * a + b, 0.0)
        xd = jnp.maximum(xd * a + b, 0.0)
    freqs = jnp.dot(xd, wf_ref[...], preferred_element_type=jnp.float32)
    freqs = freqs + bf_ref[...]
    f3 = freqs.reshape(BE, OUT, d_in)
    proj = jnp.sum(f3 * xs[:, None, :], axis=2)
    s1 = jnp.sin(proj)
    c1 = jnp.cos(proj)
    s2 = 2.0 * s1 * c1
    c2 = c1 * c1 - s1 * s1
    s4 = 2.0 * s2 * c2
    c4 = c2 * c2 - s2 * s2
    emb = jnp.concatenate([s1, c1, s2, c2, s4, c4], axis=-1)
    m = jnp.dot(emb, wo_ref[...], preferred_element_type=jnp.float32)
    m = m + bo_ref[...]
    row = i * BE + lax.broadcasted_iota(jnp.int32, (BE, 1), 0)
    vf = (row < ETOT).astype(jnp.float32)
    out_ref[...] = jnp.concatenate(
        [m * vf, vf, jnp.zeros((BE, 15), jnp.float32)], axis=-1)


def _full(shape):
    return pl.BlockSpec(shape, lambda i: tuple(0 for _ in shape))


_msg1_call = pl.pallas_call(
    functools.partial(_msg_body, IN_DIM, normalize=False),
    grid=(GBLK,),
    in_specs=[
        pl.BlockSpec((BE, IN_DIM), lambda i: (i, 0)),
        pl.BlockSpec((BE, IN_DIM), lambda i: (i + GBLK, 0)),
        _full((IN_DIM, OUT * IN_DIM)),
        _full((1, OUT * IN_DIM)),
        _full((6 * OUT, OUT)),
        _full((1, OUT)),
    ],
    out_specs=pl.BlockSpec((BE, D48), lambda i: (i, 0)),
    out_shape=jax.ShapeDtypeStruct((EPAD, D48), jnp.float32),
)


def _msg2_body(xs_ref, xd_ref, wf_ref, bf_ref, wo_ref, bo_ref, st_ref,
               gam_ref, bet_ref, out_ref):
    _msg_body(OUT, xs_ref, xd_ref, wf_ref, bf_ref, wo_ref, bo_ref, out_ref,
              normalize=True, st_ref=st_ref, gam_ref=gam_ref, bet_ref=bet_ref)


_msg2_call = pl.pallas_call(
    _msg2_body,
    grid=(GBLK,),
    in_specs=[
        pl.BlockSpec((BE, OUT), lambda i: (i, 0)),
        pl.BlockSpec((BE, OUT), lambda i: (i + GBLK, 0)),
        _full((OUT, OUT * OUT)),
        _full((1, OUT * OUT)),
        _full((6 * OUT, OUT)),
        _full((1, OUT)),
        _full((8, OUT)),
        _full((1, OUT)),
        _full((1, OUT)),
    ],
    out_specs=pl.BlockSpec((BE, D48), lambda i: (i, 0)),
    out_shape=jax.ShapeDtypeStruct((EPAD, D48), jnp.float32),
)


def _upd_body(xin_ref, s_ref, wa_ref, ba_ref, wb_ref, bb_ref, u_ref, st_ref,
              *, normalize, st_in_ref=None, gam_ref=None, bet_ref=None):
    i = pl.program_id(0)
    xin = xin_ref[...]
    if normalize:
        a, b = _bn_coefs(st_in_ref, gam_ref, bet_ref)
        xin = jnp.maximum(xin * a + b, 0.0)
    s = s_ref[0, :, 0:OUT] + s_ref[1, :, 0:OUT]
    cnt = s_ref[0, :, OUT:OUT + 1] + s_ref[1, :, OUT:OUT + 1]
    agg = s / jnp.maximum(cnt, 1.0)
    cat = jnp.concatenate([xin, agg], axis=-1)
    hh = jnp.dot(cat, wa_ref[...], preferred_element_type=jnp.float32)
    hh = jnp.maximum(hh + ba_ref[...], 0.0)
    u = jnp.dot(hh, wb_ref[...], preferred_element_type=jnp.float32)
    u = u + bb_ref[...]
    u_ref[...] = u
    su = jnp.sum(u, axis=0, keepdims=True)
    sq = jnp.sum(u * u, axis=0, keepdims=True)

    @pl.when(i == 0)
    def _():
        st_ref[...] = jnp.zeros_like(st_ref)

    st_ref[0:1, :] = st_ref[0:1, :] + su
    st_ref[1:2, :] = st_ref[1:2, :] + sq


def _make_upd(d_in, normalize):
    if normalize:
        def body(xin_ref, st_in_ref, gam_ref, bet_ref, s_ref, wa_ref, ba_ref,
                 wb_ref, bb_ref, u_ref, st_ref):
            _upd_body(xin_ref, s_ref, wa_ref, ba_ref, wb_ref, bb_ref, u_ref,
                      st_ref, normalize=True, st_in_ref=st_in_ref,
                      gam_ref=gam_ref, bet_ref=bet_ref)
        extra = [_full((8, OUT)), _full((1, OUT)), _full((1, OUT))]
    else:
        def body(xin_ref, s_ref, wa_ref, ba_ref, wb_ref, bb_ref, u_ref,
                 st_ref):
            _upd_body(xin_ref, s_ref, wa_ref, ba_ref, wb_ref, bb_ref, u_ref,
                      st_ref, normalize=False)
        extra = []
    return pl.pallas_call(
        body,
        grid=(NBLK,),
        in_specs=[pl.BlockSpec((BN, d_in), lambda i: (i, 0))] + extra + [
            pl.BlockSpec((NC, BN, D48), lambda i: (0, i, 0)),
            _full((d_in + OUT, HID)),
            _full((1, HID)),
            _full((HID, OUT)),
            _full((1, OUT)),
        ],
        out_specs=[
            pl.BlockSpec((BN, OUT), lambda i: (i, 0)),
            pl.BlockSpec((8, OUT), lambda i: (0, 0)),
        ],
        out_shape=[
            jax.ShapeDtypeStruct((N, OUT), jnp.float32),
            jax.ShapeDtypeStruct((8, OUT), jnp.float32),
        ],
    )


_upd1_call = _make_upd(IN_DIM, normalize=False)
_upd2_call = _make_upd(OUT, normalize=True)


def _poolpre_body(u_ref, st_ref, gam_ref, bet_ref, wgt_ref, bg_ref, wn_ref,
                  bnn_ref, out_ref):
    a, b = _bn_coefs(st_ref, gam_ref, bet_ref)
    h = jnp.maximum(u_ref[...] * a + b, 0.0)
    gate = jnp.sum(h * wgt_ref[...], axis=-1, keepdims=True) + bg_ref[0, 0]
    gate = 1.0 / (1.0 + jnp.exp(-gate))
    e = jnp.exp(gate)
    hn = jnp.dot(h, wn_ref[...], preferred_element_type=jnp.float32)
    hn = jnp.maximum(hn + bnn_ref[...], 0.0)
    out_ref[...] = jnp.concatenate(
        [e * hn, e, jnp.zeros((BN, 15), jnp.float32)], axis=-1)


_poolpre_call = pl.pallas_call(
    _poolpre_body,
    grid=(NBLK,),
    in_specs=[
        pl.BlockSpec((BN, OUT), lambda i: (i, 0)),
        _full((8, OUT)),
        _full((1, OUT)),
        _full((1, OUT)),
        _full((1, OUT)),
        _full((1, 1)),
        _full((OUT, OUT)),
        _full((1, OUT)),
    ],
    out_specs=pl.BlockSpec((BN, D48), lambda i: (i, 0)),
    out_shape=jax.ShapeDtypeStruct((N, D48), jnp.float32),
)


def _final_body(p_ref, wc1_ref, bc1_ref, wc2_ref, bc2_ref, out_ref):
    p = p_ref[0] + p_ref[1]
    pooled = p[:, 0:OUT] / jnp.maximum(p[:, OUT:OUT + 1], 1e-16)
    hh = jnp.dot(pooled, wc1_ref[...], preferred_element_type=jnp.float32)
    hh = jnp.maximum(hh + bc1_ref[...], 0.0)
    o = jnp.dot(hh, wc2_ref[...], preferred_element_type=jnp.float32)
    out_ref[...] = o + bc2_ref[...]


_final_call = pl.pallas_call(
    _final_body,
    out_shape=jax.ShapeDtypeStruct((G, 10), jnp.float32),
)



def kernel(x, edge_index, batch, Wf1, bf1, Wo1, bo1, Wua1, bua1, Wub1, bub1,
           g1, be1, Wf2, bf2, Wo2, bo2, Wua2, bua2, Wub2, bub2, g2, be2, Wg,
           bg, Wn, bnn, Wc1, bc1, Wc2, bc2):
    loop = jnp.arange(N, dtype=jnp.int32)
    src = jnp.concatenate([edge_index[0], loop])
    dst = jnp.concatenate([edge_index[1], loop])
    pad_e = jnp.zeros((EPAD - ETOT,), jnp.int32)
    idx_g = jnp.concatenate([src, pad_e, dst, pad_e]).reshape(NW, 30, 128)
    idx_s = jnp.concatenate([dst, pad_e]).reshape(NW, 15, 128)
    idx_b = jnp.concatenate(
        [batch.astype(jnp.int32), jnp.zeros((NPAD - N,), jnp.int32)]
    ).reshape(NW, 5, 128)
    zconv = jnp.zeros((N // NS, D48), jnp.float32)
    zpool = jnp.zeros((G // NS, D48), jnp.float32)

    bf1r = bf1.reshape(1, -1)
    bo1r = bo1.reshape(1, -1)
    bua1r = bua1.reshape(1, -1)
    bub1r = bub1.reshape(1, -1)
    g1r = g1.reshape(1, -1)
    be1r = be1.reshape(1, -1)
    bf2r = bf2.reshape(1, -1)
    bo2r = bo2.reshape(1, -1)
    bua2r = bua2.reshape(1, -1)
    bub2r = bub2.reshape(1, -1)
    g2r = g2.reshape(1, -1)
    be2r = be2.reshape(1, -1)
    wgt = Wg.reshape(1, -1)
    bgr = bg.reshape(1, 1)
    bnnr = bnn.reshape(1, -1)
    bc1r = bc1.reshape(1, -1)
    bc2r = bc2.reshape(1, -1)

    gx = _sc_gather64(x, idx_g)
    m1 = _msg1_call(gx, gx, Wf1, bf1r, Wo1, bo1r)
    s1 = _sc_scatter_conv(m1, idx_s, zconv)
    u1, st1 = _upd1_call(x, s1, Wua1, bua1r, Wub1, bub1r)
    gh = _sc_gather32(u1, idx_g)
    m2 = _msg2_call(gh, gh, Wf2, bf2r, Wo2, bo2r, st1, g1r, be1r)
    s2 = _sc_scatter_conv(m2, idx_s, zconv)
    u2, st2 = _upd2_call(u1, st1, g1r, be1r, s2, Wua2, bua2r, Wub2, bub2r)
    pp = _poolpre_call(u2, st2, g2r, be2r, wgt, bgr, Wn, bnnr)
    ppad = jnp.pad(pp, ((0, NPAD - N), (0, 0)))
    pa = _sc_scatter_pool(ppad, idx_b, zpool)
    return _final_call(pa, Wc1, bc1r, Wc2, bc2r)

# --- scband reference (transcript-rebuilt; emitter-appended) ---
"""Pipeline reference for scband-molecule-gnn-fourier-15333033247498 (READ-ONLY COPY).

The authoritative reference and input builder live on the scoring server;
editing this copy changes nothing except your own understanding.
"""

import jax, jax.numpy as jnp
import numpy as np

N = 20000
E = 40000
G = 512
IN_DIM = 64
HID = 128
OUT = 32
NCLS = 10


def _w(key, i, shape, fan_in):
    return jax.random.normal(jax.random.fold_in(key, i), shape, dtype=jnp.float32) * (1.0 / np.sqrt(fan_in))


def setup_inputs(seed: int = 0):
    key = jax.random.key(seed)
    x = jax.random.normal(jax.random.fold_in(key, 0), (N, IN_DIM), dtype=jnp.float32)
    edge_index = jax.random.randint(jax.random.fold_in(key, 1), (2, E), 0, N, dtype=jnp.int32)
    batch = jnp.sort(jax.random.randint(jax.random.fold_in(key, 2), (N,), 0, G, dtype=jnp.int32))
    inp = {"x": x, "edge_index": edge_index, "batch": batch}
    inp["Wf1"] = _w(key, 10, (IN_DIM, OUT * IN_DIM), IN_DIM)
    inp["bf1"] = jnp.zeros((OUT * IN_DIM,), jnp.float32)
    inp["Wo1"] = _w(key, 11, (6 * OUT, OUT), 6 * OUT)
    inp["bo1"] = jnp.zeros((OUT,), jnp.float32)
    inp["Wua1"] = _w(key, 12, (IN_DIM + OUT, HID), IN_DIM + OUT)
    inp["bua1"] = jnp.zeros((HID,), jnp.float32)
    inp["Wub1"] = _w(key, 13, (HID, OUT), HID)
    inp["bub1"] = jnp.zeros((OUT,), jnp.float32)
    inp["g1"] = jnp.ones((OUT,), jnp.float32)
    inp["be1"] = jnp.zeros((OUT,), jnp.float32)
    inp["Wf2"] = _w(key, 14, (OUT, OUT * OUT), OUT)
    inp["bf2"] = jnp.zeros((OUT * OUT,), jnp.float32)
    inp["Wo2"] = _w(key, 15, (6 * OUT, OUT), 6 * OUT)
    inp["bo2"] = jnp.zeros((OUT,), jnp.float32)
    inp["Wua2"] = _w(key, 16, (OUT + OUT, HID), OUT + OUT)
    inp["bua2"] = jnp.zeros((HID,), jnp.float32)
    inp["Wub2"] = _w(key, 17, (HID, OUT), HID)
    inp["bub2"] = jnp.zeros((OUT,), jnp.float32)
    inp["g2"] = jnp.ones((OUT,), jnp.float32)
    inp["be2"] = jnp.zeros((OUT,), jnp.float32)
    inp["Wg"] = _w(key, 18, (OUT, 1), OUT)
    inp["bg"] = jnp.zeros((1,), jnp.float32)
    inp["Wn"] = _w(key, 19, (OUT, OUT), OUT)
    inp["bnn"] = jnp.zeros((OUT,), jnp.float32)
    inp["Wc1"] = _w(key, 20, (OUT, HID), OUT)
    inp["bc1"] = jnp.zeros((HID,), jnp.float32)
    inp["Wc2"] = _w(key, 21, (HID, NCLS), HID)
    inp["bc2"] = jnp.zeros((NCLS,), jnp.float32)
    return inp


def _fourier(h_src, h_i, Wf, bf, Wo, bo):
    En, D = h_src.shape
    F = Wo.shape[1]
    freqs = (h_i @ Wf + bf).reshape(En, F, D)
    proj = jnp.einsum('efd,ed->ef', freqs, h_src)
    emb = jnp.concatenate([jnp.sin(proj), jnp.cos(proj), jnp.sin(2.0 * proj), jnp.cos(2.0 * proj), jnp.sin(4.0 * proj), jnp.cos(4.0 * proj)], axis=-1)
    return emb @ Wo + bo


def _conv(x, src, dst, Wf, bf, Wo, bo, Wa, ba, Wb, bb):
    n = x.shape[0]
    m = _fourier(x[src], x[dst], Wf, bf, Wo, bo)
    s = jax.ops.segment_sum(m, dst, num_segments=n)
    cnt = jax.ops.segment_sum(jnp.ones((dst.shape[0],), x.dtype), dst, num_segments=n)
    agg = s / jnp.maximum(cnt, 1.0)[:, None]
    h = jax.nn.relu(jnp.concatenate([x, agg], axis=-1) @ Wa + ba)
    return h @ Wb + bb


def _bn(x, g, b):
    m = jnp.mean(x, axis=0)
    v = jnp.var(x, axis=0)
    return g * (x - m) * jax.lax.rsqrt(v + 1e-5) + b


def _forward(x, edge_index, batch, Wf1, bf1, Wo1, bo1, Wua1, bua1, Wub1, bub1, g1, be1, Wf2, bf2, Wo2, bo2, Wua2, bua2, Wub2, bub2, g2, be2, Wg, bg, Wn, bnn, Wc1, bc1, Wc2, bc2):
    n = x.shape[0]
    loop = jnp.arange(n, dtype=edge_index.dtype)
    ei = jnp.concatenate([edge_index, jnp.stack([loop, loop])], axis=1)
    src, dst = ei[0], ei[1]
    h = _conv(x, src, dst, Wf1, bf1, Wo1, bo1, Wua1, bua1, Wub1, bub1)
    h = jax.nn.relu(_bn(h, g1, be1))
    h = _conv(h, src, dst, Wf2, bf2, Wo2, bo2, Wua2, bua2, Wub2, bub2)
    h = jax.nn.relu(_bn(h, g2, be2))
    gate = jax.nn.sigmoid(h @ Wg + bg)
    gmax = jax.ops.segment_max(gate, batch, num_segments=G)
    gmax = jnp.where(jnp.isfinite(gmax), gmax, 0.0)
    e = jnp.exp(gate - gmax[batch])
    denom = jax.ops.segment_sum(e, batch, num_segments=G)
    alpha = e / jnp.maximum(denom[batch], 1e-16)
    hn = jax.nn.relu(h @ Wn + bnn)
    pooled = jax.ops.segment_sum(alpha * hn, batch, num_segments=G)
    return jax.nn.relu(pooled @ Wc1 + bc1) @ Wc2 + bc2


def reference(x, edge_index, batch, Wf1, bf1, Wo1, bo1, Wua1, bua1, Wub1, bub1, g1, be1, Wf2, bf2, Wo2, bo2, Wua2, bua2, Wub2, bub2, g2, be2, Wg, bg, Wn, bnn, Wc1, bc1, Wc2, bc2):
    return _forward(x, edge_index, batch, Wf1, bf1, Wo1, bo1, Wua1, bua1, Wub1, bub1, g1, be1, Wf2, bf2, Wo2, bo2, Wua2, bua2, Wub2, bub2, g2, be2, Wg, bg, Wn, bnn, Wc1, bc1, Wc2, bc2)

if __name__ == "__main__":
    import jax
    _d = setup_inputs()
    print(jax.jit(kernel)(*tuple(_d.values())))

</pallas_src>

<mosaic_0001>
#map = affine_map<(d0, d1) -> (0, 0)>
#map1 = affine_map<(d0, d1) -> (0, 0, 0)>
module attributes {stable_mosaic.version = 14 : i64} {
  func.func @gather_k(%arg0: i32, %arg1: i32, %arg2: memref<20000x64xf32, #tpu.memory_space<hbm>>, %arg3: memref<32x30x128xi32, #tpu.memory_space<hbm>>, %arg4: memref<122880x64xf32, #tpu.memory_space<hbm>>, %arg5: memref<128xi32, #tpu.memory_space<vmem>>, %arg6: memref<128x64xf32, #tpu.memory_space<vmem>>, %arg7: memref<!tpu.dma_semaphore, #tpu.memory_space<semaphore_mem>>) attributes {dimension_semantics = [#tpu.dimension_semantics<core_parallel>, #tpu.dimension_semantics<subcore_parallel>], iteration_bounds = array<i64: 2, 16>, scalar_prefetch = 0 : i64, scratch_operands = 3 : i64, tpu.core_type = #tpu.core_type<sc_vector_subcore>, window_params = [{transform_indices = #map}, {transform_indices = #map1}, {transform_indices = #map}]} {
    %mul3A = arith.constant 2 : i32
    %mul3A_0 = arith.muli %arg1, %mul3A : i32
    %add3A = arith.addi %mul3A_0, %arg0 : i32
    %scan3A = arith.constant 0 : i32
    %scan3A_1 = arith.constant 0 : i32
    %scan3A_2 = arith.constant 30 : i32
    %scan3A_3 = arith.addi %scan3A_1, %scan3A_2 : i32
    %scan3A_4 = arith.constant 1 : i32
    scf.for %scan3A_6 = %scan3A_1 to %scan3A_3 step %scan3A_4  : i32 {
      "tpu.region"() ({
        %run_scoped3A = tpu.sem_alloc : memref<!tpu.dma_semaphore, #tpu.memory_space<semaphore_mem>>
        %dma_start3A_16 = arith.constant 0 : i32
        %dma_start3A_17 = tpu.memref_slice %arg3[%add3A, %scan3A_6, %dma_start3A_16] : memref<32x30x128xi32, #tpu.memory_space<hbm>> -> memref<1x1x128xi32, #tpu.memory_space<hbm>>
        %dma_start3A_18 = tpu.memref_squeeze %dma_start3A_17 : memref<1x1x128xi32, #tpu.memory_space<hbm>> -> memref<128xi32, #tpu.memory_space<hbm>>
        %dma_start3A_19 = arith.constant 0 : i32
        %dma_start3A_20 = tpu.memref_slice %arg3[%add3A, %scan3A_6, %dma_start3A_19] : memref<32x30x128xi32, #tpu.memory_space<hbm>> -> memref<1x1x128xi32, #tpu.memory_space<hbm>>
        %dma_start3A_21 = tpu.memref_squeeze %dma_start3A_20 : memref<1x1x128xi32, #tpu.memory_space<hbm>> -> memref<128xi32, #tpu.memory_space<hbm>>
        tpu.enqueue_dma source(%dma_start3A_21 : memref<128xi32, #tpu.memory_space<hbm>>) target(%arg5 : memref<128xi32, #tpu.memory_space<vmem>>) target_semaphore(%run_scoped3A : memref<!tpu.dma_semaphore, #tpu.memory_space<semaphore_mem>>)
        %dma_wait3A_22 = arith.constant 0 : i32
        %dma_wait3A_23 = tpu.memref_slice %arg3[%add3A, %scan3A_6, %dma_wait3A_22] : memref<32x30x128xi32, #tpu.memory_space<hbm>> -> memref<1x1x128xi32, #tpu.memory_space<hbm>>
        %dma_wait3A_24 = tpu.memref_squeeze %dma_wait3A_23 : memref<1x1x128xi32, #tpu.memory_space<hbm>> -> memref<128xi32, #tpu.memory_space<hbm>>
        %dma_wait3A_25 = arith.constant 0 : i32
        %dma_wait3A_26 = tpu.memref_slice %arg3[%add3A, %scan3A_6, %dma_wait3A_25] : memref<32x30x128xi32, #tpu.memory_space<hbm>> -> memref<1x1x128xi32, #tpu.memory_space<hbm>>
        %dma_wait3A_27 = tpu.memref_squeeze %dma_wait3A_26 : memref<1x1x128xi32, #tpu.memory_space<hbm>> -> memref<128xi32, #tpu.memory_space<hbm>>
        tpu.wait_dma2 semaphore(%run_scoped3A : memref<!tpu.dma_semaphore, #tpu.memory_space<semaphore_mem>>) src(%dma_wait3A_27 : memref<128xi32, #tpu.memory_space<hbm>>) dst(%arg5 : memref<128xi32, #tpu.memory_space<vmem>>)
        tpu.yield
      }) : () -> ()
      %dma_start3A = arith.constant 0 : i32
      %dma_start3A_7 = arith.constant 0 : i32
      %dma_start3A_8 = tpu.memref_slice %arg2[%dma_start3A, %dma_start3A_7] : memref<20000x64xf32, #tpu.memory_space<hbm>> -> memref<20000x64xf32, #tpu.memory_space<hbm>>
      tpu.enqueue_indirect_dma source(%dma_start3A_8 : memref<20000x64xf32, #tpu.memory_space<hbm>>) target(%arg6 : memref<128x64xf32, #tpu.memory_space<vmem>>) offsets(%arg5 : memref<128xi32, #tpu.memory_space<vmem>>) semaphore(%arg7 : memref<!tpu.dma_semaphore, #tpu.memory_space<semaphore_mem>>)
      %dma_wait3A = arith.constant 0 : i32
      %dma_wait3A_9 = arith.constant 0 : i32
      %dma_wait3A_10 = tpu.memref_slice %arg2[%dma_wait3A, %dma_wait3A_9] : memref<20000x64xf32, #tpu.memory_space<hbm>> -> memref<20000x64xf32, #tpu.memory_space<hbm>>
      tpu.wait_indirect_dma semaphore(%arg7 : memref<!tpu.dma_semaphore, #tpu.memory_space<semaphore_mem>>) src(%dma_wait3A_10 : memref<20000x64xf32, #tpu.memory_space<hbm>>) dst(%arg6 : memref<128x64xf32, #tpu.memory_space<vmem>>)
      %mul3A_11 = arith.constant 3840 : i32
      %mul3A_12 = arith.muli %add3A, %mul3A_11 : i32
      %mul3A_13 = arith.constant 128 : i32
      %mul3A_14 = arith.muli %scan3A_6, %mul3A_13 : i32
      %add3A_15 = arith.addi %mul3A_12, %mul3A_14 : i32
      "tpu.region"() ({
        %run_scoped3A = tpu.sem_alloc : memref<!tpu.dma_semaphore, #tpu.memory_space<semaphore_mem>>
        %dma_start3A_16 = arith.constant 0 : i32
        %dma_start3A_17 = tpu.memref_slice %arg4[%add3A_15, %dma_start3A_16] : memref<122880x64xf32, #tpu.memory_space<hbm>> -> memref<128x64xf32, #tpu.memory_space<hbm>>
        %dma_start3A_18 = arith.constant 0 : i32
        %dma_start3A_19 = tpu.memref_slice %arg4[%add3A_15, %dma_start3A_18] : memref<122880x64xf32, #tpu.memory_space<hbm>> -> memref<128x64xf32, #tpu.memory_space<hbm>>
        tpu.enqueue_dma source(%arg6 : memref<128x64xf32, #tpu.memory_space<vmem>>) target(%dma_start3A_19 : memref<128x64xf32, #tpu.memory_space<hbm>>) target_semaphore(%run_scoped3A : memref<!tpu.dma_semaphore, #tpu.memory_space<semaphore_mem>>)
        %dma_wait3A_20 = arith.constant 0 : i32
        %dma_wait3A_21 = tpu.memref_slice %arg4[%add3A_15, %dma_wait3A_20] : memref<122880x64xf32, #tpu.memory_space<hbm>> -> memref<128x64xf32, #tpu.memory_space<hbm>>
        %dma_wait3A_22 = arith.constant 0 : i32
        %dma_wait3A_23 = tpu.memref_slice %arg4[%add3A_15, %dma_wait3A_22] : memref<122880x64xf32, #tpu.memory_space<hbm>> -> memref<128x64xf32, #tpu.memory_space<hbm>>
        tpu.wait_dma2 semaphore(%run_scoped3A : memref<!tpu.dma_semaphore, #tpu.memory_space<semaphore_mem>>) src(%arg6 : memref<128x64xf32, #tpu.memory_space<vmem>>) dst(%dma_wait3A_23 : memref<128x64xf32, #tpu.memory_space<hbm>>)
        tpu.yield
      }) : () -> ()
    }
    %scan3A_5 = arith.constant 30 : i32
    return
  }
}

#map = affine_map<(d0, d1) -> (0, 0)>
#map1 = affine_map<(d0, d1) -> (0, 0, 0)>
module attributes {stable_mosaic.version = 14 : i64} {
  func.func @gather_k(%arg0: i32, %arg1: i32, %arg2: memref<20000x32xf32, #tpu.memory_space<hbm>>, %arg3: memref<32x30x128xi32, #tpu.memory_space<hbm>>, %arg4: memref<122880x32xf32, #tpu.memory_space<hbm>>, %arg5: memref<128xi32, #tpu.memory_space<vmem>>, %arg6: memref<128x32xf32, #tpu.memory_space<vmem>>, %arg7: memref<!tpu.dma_semaphore, #tpu.memory_space<semaphore_mem>>) attributes {dimension_semantics = [#tpu.dimension_semantics<core_parallel>, #tpu.dimension_semantics<subcore_parallel>], iteration_bounds = array<i64: 2, 16>, scalar_prefetch = 0 : i64, scratch_operands = 3 : i64, tpu.core_type = #tpu.core_type<sc_vector_subcore>, window_params = [{transform_indices = #map}, {transform_indices = #map1}, {transform_indices = #map}]} {
    %mul3A = arith.constant 2 : i32
    %mul3A_0 = arith.muli %arg1, %mul3A : i32
    %add3A = arith.addi %mul3A_0, %arg0 : i32
    %scan3A = arith.constant 0 : i32
    %scan3A_1 = arith.constant 0 : i32
    %scan3A_2 = arith.constant 30 : i32
    %scan3A_3 = arith.addi %scan3A_1, %scan3A_2 : i32
    %scan3A_4 = arith.constant 1 : i32
    scf.for %scan3A_6 = %scan3A_1 to %scan3A_3 step %scan3A_4  : i32 {
      "tpu.region"() ({
        %run_scoped3A = tpu.sem_alloc : memref<!tpu.dma_semaphore, #tpu.memory_space<semaphore_mem>>
        %dma_start3A_16 = arith.constant 0 : i32
        %dma_start3A_17 = tpu.memref_slice %arg3[%add3A, %scan3A_6, %dma_start3A_16] : memref<32x30x128xi32, #tpu.memory_space<hbm>> -> memref<1x1x128xi32, #tpu.memory_space<hbm>>
        %dma_start3A_18 = tpu.memref_squeeze %dma_start3A_17 : memref<1x1x128xi32, #tpu.memory_space<hbm>> -> memref<128xi32, #tpu.memory_space<hbm>>
        %dma_start3A_19 = arith.constant 0 : i32
        %dma_start3A_20 = tpu.memref_slice %arg3[%add3A, %scan3A_6, %dma_start3A_19] : memref<32x30x128xi32, #tpu.memory_space<hbm>> -> memref<1x1x128xi32, #tpu.memory_space<hbm>>
        %dma_start3A_21 = tpu.memref_squeeze %dma_start3A_20 : memref<1x1x128xi32, #tpu.memory_space<hbm>> -> memref<128xi32, #tpu.memory_space<hbm>>
        tpu.enqueue_dma source(%dma_start3A_21 : memref<128xi32, #tpu.memory_space<hbm>>) target(%arg5 : memref<128xi32, #tpu.memory_space<vmem>>) target_semaphore(%run_scoped3A : memref<!tpu.dma_semaphore, #tpu.memory_space<semaphore_mem>>)
        %dma_wait3A_22 = arith.constant 0 : i32
        %dma_wait3A_23 = tpu.memref_slice %arg3[%add3A, %scan3A_6, %dma_wait3A_22] : memref<32x30x128xi32, #tpu.memory_space<hbm>> -> memref<1x1x128xi32, #tpu.memory_space<hbm>>
        %dma_wait3A_24 = tpu.memref_squeeze %dma_wait3A_23 : memref<1x1x128xi32, #tpu.memory_space<hbm>> -> memref<128xi32, #tpu.memory_space<hbm>>
        %dma_wait3A_25 = arith.constant 0 : i32
        %dma_wait3A_26 = tpu.memref_slice %arg3[%add3A, %scan3A_6, %dma_wait3A_25] : memref<32x30x128xi32, #tpu.memory_space<hbm>> -> memref<1x1x128xi32, #tpu.memory_space<hbm>>
        %dma_wait3A_27 = tpu.memref_squeeze %dma_wait3A_26 : memref<1x1x128xi32, #tpu.memory_space<hbm>> -> memref<128xi32, #tpu.memory_space<hbm>>
        tpu.wait_dma2 semaphore(%run_scoped3A : memref<!tpu.dma_semaphore, #tpu.memory_space<semaphore_mem>>) src(%dma_wait3A_27 : memref<128xi32, #tpu.memory_space<hbm>>) dst(%arg5 : memref<128xi32, #tpu.memory_space<vmem>>)
        tpu.yield
      }) : () -> ()
      %dma_start3A = arith.constant 0 : i32
      %dma_start3A_7 = arith.constant 0 : i32
      %dma_start3A_8 = tpu.memref_slice %arg2[%dma_start3A, %dma_start3A_7] : memref<20000x32xf32, #tpu.memory_space<hbm>> -> memref<20000x32xf32, #tpu.memory_space<hbm>>
      tpu.enqueue_indirect_dma source(%dma_start3A_8 : memref<20000x32xf32, #tpu.memory_space<hbm>>) target(%arg6 : memref<128x32xf32, #tpu.memory_space<vmem>>) offsets(%arg5 : memref<128xi32, #tpu.memory_space<vmem>>) semaphore(%arg7 : memref<!tpu.dma_semaphore, #tpu.memory_space<semaphore_mem>>)
      %dma_wait3A = arith.constant 0 : i32
      %dma_wait3A_9 = arith.constant 0 : i32
      %dma_wait3A_10 = tpu.memref_slice %arg2[%dma_wait3A, %dma_wait3A_9] : memref<20000x32xf32, #tpu.memory_space<hbm>> -> memref<20000x32xf32, #tpu.memory_space<hbm>>
      tpu.wait_indirect_dma semaphore(%arg7 : memref<!tpu.dma_semaphore, #tpu.memory_space<semaphore_mem>>) src(%dma_wait3A_10 : memref<20000x32xf32, #tpu.memory_space<hbm>>) dst(%arg6 : memref<128x32xf32, #tpu.memory_space<vmem>>)
      %mul3A_11 = arith.constant 3840 : i32
      %mul3A_12 = arith.muli %add3A, %mul3A_11 : i32
      %mul3A_13 = arith.constant 128 : i32
      %mul3A_14 = arith.muli %scan3A_6, %mul3A_13 : i32
      %add3A_15 = arith.addi %mul3A_12, %mul3A_14 : i32
      "tpu.region"() ({
        %run_scoped3A = tpu.sem_alloc : memref<!tpu.dma_semaphore, #tpu.memory_space<semaphore_mem>>
        %dma_start3A_16 = arith.constant 0 : i32
        %dma_start3A_17 = tpu.memref_slice %arg4[%add3A_15, %dma_start3A_16] : memref<122880x32xf32, #tpu.memory_space<hbm>> -> memref<128x32xf32, #tpu.memory_space<hbm>>
        %dma_start3A_18 = arith.constant 0 : i32
        %dma_start3A_19 = tpu.memref_slice %arg4[%add3A_15, %dma_start3A_18] : memref<122880x32xf32, #tpu.memory_space<hbm>> -> memref<128x32xf32, #tpu.memory_space<hbm>>
        tpu.enqueue_dma source(%arg6 : memref<128x32xf32, #tpu.memory_space<vmem>>) target(%dma_start3A_19 : memref<128x32xf32, #tpu.memory_space<hbm>>) target_semaphore(%run_scoped3A : memref<!tpu.dma_semaphore, #tpu.memory_space<semaphore_mem>>)
        %dma_wait3A_20 = arith.constant 0 : i32
        %dma_wait3A_21 = tpu.memref_slice %arg4[%add3A_15, %dma_wait3A_20] : memref<122880x32xf32, #tpu.memory_space<hbm>> -> memref<128x32xf32, #tpu.memory_space<hbm>>
        %dma_wait3A_22 = arith.constant 0 : i32
        %dma_wait3A_23 = tpu.memref_slice %arg4[%add3A_15, %dma_wait3A_22] : memref<122880x32xf32, #tpu.memory_space<hbm>> -> memref<128x32xf32, #tpu.memory_space<hbm>>
        tpu.wait_dma2 semaphore(%run_scoped3A : memref<!tpu.dma_semaphore, #tpu.memory_space<semaphore_mem>>) src(%arg6 : memref<128x32xf32, #tpu.memory_space<vmem>>) dst(%dma_wait3A_23 : memref<128x32xf32, #tpu.memory_space<hbm>>)
        tpu.yield
      }) : () -> ()
    }
    %scan3A_5 = arith.constant 30 : i32
    return
  }
}

#map = affine_map<(d0, d1) -> (0, 0)>
#map1 = affine_map<(d0, d1) -> (0, 0, 0)>
module attributes {stable_mosaic.version = 14 : i64} {
  func.func @scatter_k(%arg0: i32, %arg1: i32, %arg2: memref<61440x48xf32, #tpu.memory_space<hbm>>, %arg3: memref<32x15x128xi32, #tpu.memory_space<hbm>>, %arg4: memref<1250x48xf32, #tpu.memory_space<hbm>>, %arg5: memref<2x20000x48xf32, #tpu.memory_space<hbm>>, %arg6: memref<128xi32, #tpu.memory_space<vmem>>, %arg7: memref<128x48xf32, #tpu.memory_space<vmem>>, %arg8: memref<1250x48xf32, #tpu.memory_space<vmem>>, %arg9: memref<20000x48xf32, #tpu.memory_space<vmem_shared>>) attributes {dimension_semantics = [#tpu.dimension_semantics<core_parallel>, #tpu.dimension_semantics<subcore_parallel>], iteration_bounds = array<i64: 2, 16>, scalar_prefetch = 0 : i64, scratch_operands = 4 : i64, tpu.core_type = #tpu.core_type<sc_vector_subcore>, window_params = [{transform_indices = #map}, {transform_indices = #map1}, {transform_indices = #map}, {transform_indices = #map1}]} {
    %mul3A = arith.constant 2 : i32
    %mul3A_0 = arith.muli %arg1, %mul3A : i32
    %add3A = arith.addi %mul3A_0, %arg0 : i32
    "tpu.region"() ({
      %run_scoped3A = tpu.sem_alloc : memref<!tpu.dma_semaphore, #tpu.memory_space<semaphore_mem>>
      tpu.enqueue_dma source(%arg4 : memref<1250x48xf32, #tpu.memory_space<hbm>>) target(%arg8 : memref<1250x48xf32, #tpu.memory_space<vmem>>) target_semaphore(%run_scoped3A : memref<!tpu.dma_semaphore, #tpu.memory_space<semaphore_mem>>)
      tpu.wait_dma2 semaphore(%run_scoped3A : memref<!tpu.dma_semaphore, #tpu.memory_space<semaphore_mem>>) src(%arg4 : memref<1250x48xf32, #tpu.memory_space<hbm>>) dst(%arg8 : memref<1250x48xf32, #tpu.memory_space<vmem>>)
      tpu.yield
    }) : () -> ()
    %mul3A_1 = arith.constant 1250 : i32
    %mul3A_2 = arith.muli %arg1, %mul3A_1 : i32
    "tpu.region"() ({
      %run_scoped3A = tpu.sem_alloc : memref<!tpu.dma_semaphore, #tpu.memory_space<semaphore_mem>>
      %dma_start3A = arith.constant 0 : i32
      %dma_start3A_13 = tpu.memref_slice %arg9[%mul3A_2, %dma_start3A] : memref<20000x48xf32, #tpu.memory_space<vmem_shared>> -> memref<1250x48xf32, #tpu.memory_space<vmem_shared>>
      %dma_start3A_14 = arith.constant 0 : i32
      %dma_start3A_15 = tpu.memref_slice %arg9[%mul3A_2, %dma_start3A_14] : memref<20000x48xf32, #tpu.memory_space<vmem_shared>> -> memref<1250x48xf32, #tpu.memory_space<vmem_shared>>
      tpu.enqueue_dma source(%arg8 : memref<1250x48xf32, #tpu.memory_space<vmem>>) target(%dma_start3A_15 : memref<1250x48xf32, #tpu.memory_space<vmem_shared>>) target_semaphore(%run_scoped3A : memref<!tpu.dma_semaphore, #tpu.memory_space<semaphore_mem>>)
      %dma_wait3A = arith.constant 0 : i32
      %dma_wait3A_16 = tpu.memref_slice %arg9[%mul3A_2, %dma_wait3A] : memref<20000x48xf32, #tpu.memory_space<vmem_shared>> -> memref<1250x48xf32, #tpu.memory_space<vmem_shared>>
      %dma_wait3A_17 = arith.constant 0 : i32
      %dma_wait3A_18 = tpu.memref_slice %arg9[%mul3A_2, %dma_wait3A_17] : memref<20000x48xf32, #tpu.memory_space<vmem_shared>> -> memref<1250x48xf32, #tpu.memory_space<vmem_shared>>
      tpu.wait_dma2 semaphore(%run_scoped3A : memref<!tpu.dma_semaphore, #tpu.memory_space<semaphore_mem>>) src(%arg8 : memref<1250x48xf32, #tpu.memory_space<vmem>>) dst(%dma_wait3A_18 : memref<1250x48xf32, #tpu.memory_space<vmem_shared>>)
      tpu.yield
    }) : () -> ()
    %barrier3A = arith.constant 0 : index
    tpu.barrier barrier_id(%barrier3A)
    %scan3A = arith.constant 0 : i32
    %scan3A_3 = arith.constant 0 : i32
    %scan3A_4 = arith.constant 15 : i32
    %scan3A_5 = arith.addi %scan3A_3, %scan3A_4 : i32
    %scan3A_6 = arith.constant 1 : i32
    scf.for %scan3A_13 = %scan3A_3 to %scan3A_5 step %scan3A_6  : i32 {
      "tpu.region"() ({
        %run_scoped3A = tpu.sem_alloc : memref<!tpu.dma_semaphore, #tpu.memory_space<semaphore_mem>>
        %dma_start3A = arith.constant 0 : i32
        %dma_start3A_19 = tpu.memref_slice %arg3[%add3A, %scan3A_13, %dma_start3A] : memref<32x15x128xi32, #tpu.memory_space<hbm>> -> memref<1x1x128xi32, #tpu.memory_space<hbm>>
        %dma_start3A_20 = tpu.memref_squeeze %dma_start3A_19 : memref<1x1x128xi32, #tpu.memory_space<hbm>> -> memref<128xi32, #tpu.memory_space<hbm>>
        %dma_start3A_21 = arith.constant 0 : i32
        %dma_start3A_22 = tpu.memref_slice %arg3[%add3A, %scan3A_13, %dma_start3A_21] : memref<32x15x128xi32, #tpu.memory_space<hbm>> -> memref<1x1x128xi32, #tpu.memory_space<hbm>>
        %dma_start3A_23 = tpu.memref_squeeze %dma_start3A_22 : memref<1x1x128xi32, #tpu.memory_space<hbm>> -> memref<128xi32, #tpu.memory_space<hbm>>
        tpu.enqueue_dma source(%dma_start3A_23 : memref<128xi32, #tpu.memory_space<hbm>>) target(%arg6 : memref<128xi32, #tpu.memory_space<vmem>>) target_semaphore(%run_scoped3A : memref<!tpu.dma_semaphore, #tpu.memory_space<semaphore_mem>>)
        %dma_wait3A = arith.constant 0 : i32
        %dma_wait3A_24 = tpu.memref_slice %arg3[%add3A, %scan3A_13, %dma_wait3A] : memref<32x15x128xi32, #tpu.memory_space<hbm>> -> memref<1x1x128xi32, #tpu.memory_space<hbm>>
        %dma_wait3A_25 = tpu.memref_squeeze %dma_wait3A_24 : memref<1x1x128xi32, #tpu.memory_space<hbm>> -> memref<128xi32, #tpu.memory_space<hbm>>
        %dma_wait3A_26 = arith.constant 0 : i32
        %dma_wait3A_27 = tpu.memref_slice %arg3[%add3A, %scan3A_13, %dma_wait3A_26] : memref<32x15x128xi32, #tpu.memory_space<hbm>> -> memref<1x1x128xi32, #tpu.memory_space<hbm>>
        %dma_wait3A_28 = tpu.memref_squeeze %dma_wait3A_27 : memref<1x1x128xi32, #tpu.memory_space<hbm>> -> memref<128xi32, #tpu.memory_space<hbm>>
        tpu.wait_dma2 semaphore(%run_scoped3A : memref<!tpu.dma_semaphore, #tpu.memory_space<semaphore_mem>>) src(%dma_wait3A_28 : memref<128xi32, #tpu.memory_space<hbm>>) dst(%arg6 : memref<128xi32, #tpu.memory_space<vmem>>)
        tpu.yield
      }) : () -> ()
      %mul3A_14 = arith.constant 1920 : i32
      %mul3A_15 = arith.muli %add3A, %mul3A_14 : i32
      %mul3A_16 = arith.constant 128 : i32
      %mul3A_17 = arith.muli %scan3A_13, %mul3A_16 : i32
      %add3A_18 = arith.addi %mul3A_15, %mul3A_17 : i32
      "tpu.region"() ({
        %run_scoped3A = tpu.sem_alloc : memref<!tpu.dma_semaphore, #tpu.memory_space<semaphore_mem>>
        %dma_start3A = arith.constant 0 : i32
        %dma_start3A_19 = tpu.memref_slice %arg2[%add3A_18, %dma_start3A] : memref<61440x48xf32, #tpu.memory_space<hbm>> -> memref<128x48xf32, #tpu.memory_space<hbm>>
        %dma_start3A_20 = arith.constant 0 : i32
        %dma_start3A_21 = tpu.memref_slice %arg2[%add3A_18, %dma_start3A_20] : memref<61440x48xf32, #tpu.memory_space<hbm>> -> memref<128x48xf32, #tpu.memory_space<hbm>>
        tpu.enqueue_dma source(%dma_start3A_21 : memref<128x48xf32, #tpu.memory_space<hbm>>) target(%arg7 : memref<128x48xf32, #tpu.memory_space<vmem>>) target_semaphore(%run_scoped3A : memref<!tpu.dma_semaphore, #tpu.memory_space<semaphore_mem>>)
        %dma_wait3A = arith.constant 0 : i32
        %dma_wait3A_22 = tpu.memref_slice %arg2[%add3A_18, %dma_wait3A] : memref<61440x48xf32, #tpu.memory_space<hbm>> -> memref<128x48xf32, #tpu.memory_space<hbm>>
        %dma_wait3A_23 = arith.constant 0 : i32
        %dma_wait3A_24 = tpu.memref_slice %arg2[%add3A_18, %dma_wait3A_23] : memref<61440x48xf32, #tpu.memory_space<hbm>> -> memref<128x48xf32, #tpu.memory_space<hbm>>
        tpu.wait_dma2 semaphore(%run_scoped3A : memref<!tpu.dma_semaphore, #tpu.memory_space<semaphore_mem>>) src(%dma_wait3A_24 : memref<128x48xf32, #tpu.memory_space<hbm>>) dst(%arg7 : memref<128x48xf32, #tpu.memory_space<vmem>>)
        tpu.yield
      }) : () -> ()
      "tpu.region"() ({
        %run_scoped3A = tpu.sem_alloc : memref<!tpu.dma_semaphore, #tpu.memory_space<semaphore_mem>>
        %dma_start3A = arith.constant 0 : i32
        %dma_start3A_19 = arith.constant 0 : i32
        %dma_start3A_20 = tpu.memref_slice %arg9[%dma_start3A, %dma_start3A_19] : memref<20000x48xf32, #tpu.memory_space<vmem_shared>> -> memref<20000x48xf32, #tpu.memory_space<vmem_shared>>
        tpu.enqueue_indirect_dma source(%arg7 : memref<128x48xf32, #tpu.memory_space<vmem>>) target(%dma_start3A_20 : memref<20000x48xf32, #tpu.memory_space<vmem_shared>>) offsets(%arg6 : memref<128xi32, #tpu.memory_space<vmem>>) semaphore(%run_scoped3A : memref<!tpu.dma_semaphore, #tpu.memory_space<semaphore_mem>>) {add = true}
        %dma_wait3A = arith.constant 0 : i32
        %dma_wait3A_21 = arith.constant 0 : i32
        %dma_wait3A_22 = tpu.memref_slice %arg9[%dma_wait3A, %dma_wait3A_21] : memref<20000x48xf32, #tpu.memory_space<vmem_shared>> -> memref<20000x48xf32, #tpu.memory_space<vmem_shared>>
        tpu.wait_indirect_dma semaphore(%run_scoped3A : memref<!tpu.dma_semaphore, #tpu.memory_space<semaphore_mem>>) src(%arg7 : memref<128x48xf32, #tpu.memory_space<vmem>>) dst(%dma_wait3A_22 : memref<20000x48xf32, #tpu.memory_space<vmem_shared>>)
        tpu.yield
      }) : () -> ()
    }
    %scan3A_7 = arith.constant 15 : i32
    %barrier3A_8 = arith.constant 0 : index
    tpu.barrier barrier_id(%barrier3A_8)
    %mul3A_9 = arith.constant 1250 : i32
    %mul3A_10 = arith.muli %arg1, %mul3A_9 : i32
    "tpu.region"() ({
      %run_scoped3A = tpu.sem_alloc : memref<!tpu.dma_semaphore, #tpu.memory_space<semaphore_mem>>
      %dma_start3A = arith.constant 0 : i32
      %dma_start3A_13 = tpu.memref_slice %arg9[%mul3A_10, %dma_start3A] : memref<20000x48xf32, #tpu.memory_space<vmem_shared>> -> memref<1250x48xf32, #tpu.memory_space<vmem_shared>>
      %dma_start3A_14 = arith.constant 0 : i32
      %dma_start3A_15 = tpu.memref_slice %arg9[%mul3A_10, %dma_start3A_14] : memref<20000x48xf32, #tpu.memory_space<vmem_shared>> -> memref<1250x48xf32, #tpu.memory_space<vmem_shared>>
      tpu.enqueue_dma source(%dma_start3A_15 : memref<1250x48xf32, #tpu.memory_space<vmem_shared>>) target(%arg8 : memref<1250x48xf32, #tpu.memory_space<vmem>>) target_semaphore(%run_scoped3A : memref<!tpu.dma_semaphore, #tpu.memory_space<semaphore_mem>>)
      %dma_wait3A = arith.constant 0 : i32
      %dma_wait3A_16 = tpu.memref_slice %arg9[%mul3A_10, %dma_wait3A] : memref<20000x48xf32, #tpu.memory_space<vmem_shared>> -> memref<1250x48xf32, #tpu.memory_space<vmem_shared>>
      %dma_wait3A_17 = arith.constant 0 : i32
      %dma_wait3A_18 = tpu.memref_slice %arg9[%mul3A_10, %dma_wait3A_17] : memref<20000x48xf32, #tpu.memory_space<vmem_shared>> -> memref<1250x48xf32, #tpu.memory_space<vmem_shared>>
      tpu.wait_dma2 semaphore(%run_scoped3A : memref<!tpu.dma_semaphore, #tpu.memory_space<semaphore_mem>>) src(%dma_wait3A_18 : memref<1250x48xf32, #tpu.memory_space<vmem_shared>>) dst(%arg8 : memref<1250x48xf32, #tpu.memory_space<vmem>>)
      tpu.yield
    }) : () -> ()
    %mul3A_11 = arith.constant 1250 : i32
    %mul3A_12 = arith.muli %arg1, %mul3A_11 : i32
    "tpu.region"() ({
      %run_scoped3A = tpu.sem_alloc : memref<!tpu.dma_semaphore, #tpu.memory_space<semaphore_mem>>
      %dma_start3A = arith.constant 0 : i32
      %dma_start3A_13 = tpu.memref_slice %arg5[%arg0, %mul3A_12, %dma_start3A] : memref<2x20000x48xf32, #tpu.memory_space<hbm>> -> memref<1x1250x48xf32, #tpu.memory_space<hbm>>
      %dma_start3A_14 = tpu.memref_squeeze %dma_start3A_13 : memref<1x1250x48xf32, #tpu.memory_space<hbm>> -> memref<1250x48xf32, #tpu.memory_space<hbm>>
      %dma_start3A_15 = arith.constant 0 : i32
      %dma_start3A_16 = tpu.memref_slice %arg5[%arg0, %mul3A_12, %dma_start3A_15] : memref<2x20000x48xf32, #tpu.memory_space<hbm>> -> memref<1x1250x48xf32, #tpu.memory_space<hbm>>
      %dma_start3A_17 = tpu.memref_squeeze %dma_start3A_16 : memref<1x1250x48xf32, #tpu.memory_space<hbm>> -> memref<1250x48xf32, #tpu.memory_space<hbm>>
      tpu.enqueue_dma source(%arg8 : memref<1250x48xf32, #tpu.memory_space<vmem>>) target(%dma_start3A_17 : memref<1250x48xf32, #tpu.memory_space<hbm>>) target_semaphore(%run_scoped3A : memref<!tpu.dma_semaphore, #tpu.memory_space<semaphore_mem>>)
      %dma_wait3A = arith.constant 0 : i32
      %dma_wait3A_18 = tpu.memref_slice %arg5[%arg0, %mul3A_12, %dma_wait3A] : memref<2x20000x48xf32, #tpu.memory_space<hbm>> -> memref<1x1250x48xf32, #tpu.memory_space<hbm>>
      %dma_wait3A_19 = tpu.memref_squeeze %dma_wait3A_18 : memref<1x1250x48xf32, #tpu.memory_space<hbm>> -> memref<1250x48xf32, #tpu.memory_space<hbm>>
      %dma_wait3A_20 = arith.constant 0 : i32
      %dma_wait3A_21 = tpu.memref_slice %arg5[%arg0, %mul3A_12, %dma_wait3A_20] : memref<2x20000x48xf32, #tpu.memory_space<hbm>> -> memref<1x1250x48xf32, #tpu.memory_space<hbm>>
      %dma_wait3A_22 = tpu.memref_squeeze %dma_wait3A_21 : memref<1x1250x48xf32, #tpu.memory_space<hbm>> -> memref<1250x48xf32, #tpu.memory_space<hbm>>
      tpu.wait_dma2 semaphore(%run_scoped3A : memref<!tpu.dma_semaphore, #tpu.memory_space<semaphore_mem>>) src(%arg8 : memref<1250x48xf32, #tpu.memory_space<vmem>>) dst(%dma_wait3A_22 : memref<1250x48xf32, #tpu.memory_space<hbm>>)
      tpu.yield
    }) : () -> ()
    return
  }
}

#map = affine_map<(d0, d1) -> (0, 0)>
#map1 = affine_map<(d0, d1) -> (0, 0, 0)>
module attributes {stable_mosaic.version = 14 : i64} {
  func.func @scatter_k(%arg0: i32, %arg1: i32, %arg2: memref<61440x48xf32, #tpu.memory_space<hbm>>, %arg3: memref<32x15x128xi32, #tpu.memory_space<hbm>>, %arg4: memref<1250x48xf32, #tpu.memory_space<hbm>>, %arg5: memref<2x20000x48xf32, #tpu.memory_space<hbm>>, %arg6: memref<128xi32, #tpu.memory_space<vmem>>, %arg7: memref<128x48xf32, #tpu.memory_space<vmem>>, %arg8: memref<1250x48xf32, #tpu.memory_space<vmem>>, %arg9: memref<20000x48xf32, #tpu.memory_space<vmem_shared>>) attributes {dimension_semantics = [#tpu.dimension_semantics<core_parallel>, #tpu.dimension_semantics<subcore_parallel>], iteration_bounds = array<i64: 2, 16>, scalar_prefetch = 0 : i64, scratch_operands = 4 : i64, tpu.core_type = #tpu.core_type<sc_vector_subcore>, window_params = [{transform_indices = #map}, {transform_indices = #map1}, {transform_indices = #map}, {transform_indices = #map1}]} {
    %mul3A = arith.constant 2 : i32
    %mul3A_0 = arith.muli %arg1, %mul3A : i32
    %add3A = arith.addi %mul3A_0, %arg0 : i32
    "tpu.region"() ({
      %run_scoped3A = tpu.sem_alloc : memref<!tpu.dma_semaphore, #tpu.memory_space<semaphore_mem>>
      tpu.enqueue_dma source(%arg4 : memref<1250x48xf32, #tpu.memory_space<hbm>>) target(%arg8 : memref<1250x48xf32, #tpu.memory_space<vmem>>) target_semaphore(%run_scoped3A : memref<!tpu.dma_semaphore, #tpu.memory_space<semaphore_mem>>)
      tpu.wait_dma2 semaphore(%run_scoped3A : memref<!tpu.dma_semaphore, #tpu.memory_space<semaphore_mem>>) src(%arg4 : memref<1250x48xf32, #tpu.memory_space<hbm>>) dst(%arg8 : memref<1250x48xf32, #tpu.memory_space<vmem>>)
      tpu.yield
    }) : () -> ()
    %mul3A_1 = arith.constant 1250 : i32
    %mul3A_2 = arith.muli %arg1, %mul3A_1 : i32
    "tpu.region"() ({
      %run_scoped3A = tpu.sem_alloc : memref<!tpu.dma_semaphore, #tpu.memory_space<semaphore_mem>>
      %dma_start3A = arith.constant 0 : i32
      %dma_start3A_13 = tpu.memref_slice %arg9[%mul3A_2, %dma_start3A] : memref<20000x48xf32, #tpu.memory_space<vmem_shared>> -> memref<1250x48xf32, #tpu.memory_space<vmem_shared>>
      %dma_start3A_14 = arith.constant 0 : i32
      %dma_start3A_15 = tpu.memref_slice %arg9[%mul3A_2, %dma_start3A_14] : memref<20000x48xf32, #tpu.memory_space<vmem_shared>> -> memref<1250x48xf32, #tpu.memory_space<vmem_shared>>
      tpu.enqueue_dma source(%arg8 : memref<1250x48xf32, #tpu.memory_space<vmem>>) target(%dma_start3A_15 : memref<1250x48xf32, #tpu.memory_space<vmem_shared>>) target_semaphore(%run_scoped3A : memref<!tpu.dma_semaphore, #tpu.memory_space<semaphore_mem>>)
      %dma_wait3A = arith.constant 0 : i32
      %dma_wait3A_16 = tpu.memref_slice %arg9[%mul3A_2, %dma_wait3A] : memref<20000x48xf32, #tpu.memory_space<vmem_shared>> -> memref<1250x48xf32, #tpu.memory_space<vmem_shared>>
      %dma_wait3A_17 = arith.constant 0 : i32
      %dma_wait3A_18 = tpu.memref_slice %arg9[%mul3A_2, %dma_wait3A_17] : memref<20000x48xf32, #tpu.memory_space<vmem_shared>> -> memref<1250x48xf32, #tpu.memory_space<vmem_shared>>
      tpu.wait_dma2 semaphore(%run_scoped3A : memref<!tpu.dma_semaphore, #tpu.memory_space<semaphore_mem>>) src(%arg8 : memref<1250x48xf32, #tpu.memory_space<vmem>>) dst(%dma_wait3A_18 : memref<1250x48xf32, #tpu.memory_space<vmem_shared>>)
      tpu.yield
    }) : () -> ()
    %barrier3A = arith.constant 0 : index
    tpu.barrier barrier_id(%barrier3A)
    %scan3A = arith.constant 0 : i32
    %scan3A_3 = arith.constant 0 : i32
    %scan3A_4 = arith.constant 15 : i32
    %scan3A_5 = arith.addi %scan3A_3, %scan3A_4 : i32
    %scan3A_6 = arith.constant 1 : i32
    scf.for %scan3A_13 = %scan3A_3 to %scan3A_5 step %scan3A_6  : i32 {
      "tpu.region"() ({
        %run_scoped3A = tpu.sem_alloc : memref<!tpu.dma_semaphore, #tpu.memory_space<semaphore_mem>>
        %dma_start3A = arith.constant 0 : i32
        %dma_start3A_19 = tpu.memref_slice %arg3[%add3A, %scan3A_13, %dma_start3A] : memref<32x15x128xi32, #tpu.memory_space<hbm>> -> memref<1x1x128xi32, #tpu.memory_space<hbm>>
        %dma_start3A_20 = tpu.memref_squeeze %dma_start3A_19 : memref<1x1x128xi32, #tpu.memory_space<hbm>> -> memref<128xi32, #tpu.memory_space<hbm>>
        %dma_start3A_21 = arith.constant 0 : i32
        %dma_start3A_22 = tpu.memref_slice %arg3[%add3A, %scan3A_13, %dma_start3A_21] : memref<32x15x128xi32, #tpu.memory_space<hbm>> -> memref<1x1x128xi32, #tpu.memory_space<hbm>>
        %dma_start3A_23 = tpu.memref_squeeze %dma_start3A_22 : memref<1x1x128xi32, #tpu.memory_space<hbm>> -> memref<128xi32, #tpu.memory_space<hbm>>
        tpu.enqueue_dma source(%dma_start3A_23 : memref<128xi32, #tpu.memory_space<hbm>>) target(%arg6 : memref<128xi32, #tpu.memory_space<vmem>>) target_semaphore(%run_scoped3A : memref<!tpu.dma_semaphore, #tpu.memory_space<semaphore_mem>>)
        %dma_wait3A = arith.constant 0 : i32
        %dma_wait3A_24 = tpu.memref_slice %arg3[%add3A, %scan3A_13, %dma_wait3A] : memref<32x15x128xi32, #tpu.memory_space<hbm>> -> memref<1x1x128xi32, #tpu.memory_space<hbm>>
        %dma_wait3A_25 = tpu.memref_squeeze %dma_wait3A_24 : memref<1x1x128xi32, #tpu.memory_space<hbm>> -> memref<128xi32, #tpu.memory_space<hbm>>
        %dma_wait3A_26 = arith.constant 0 : i32
        %dma_wait3A_27 = tpu.memref_slice %arg3[%add3A, %scan3A_13, %dma_wait3A_26] : memref<32x15x128xi32, #tpu.memory_space<hbm>> -> memref<1x1x128xi32, #tpu.memory_space<hbm>>
        %dma_wait3A_28 = tpu.memref_squeeze %dma_wait3A_27 : memref<1x1x128xi32, #tpu.memory_space<hbm>> -> memref<128xi32, #tpu.memory_space<hbm>>
        tpu.wait_dma2 semaphore(%run_scoped3A : memref<!tpu.dma_semaphore, #tpu.memory_space<semaphore_mem>>) src(%dma_wait3A_28 : memref<128xi32, #tpu.memory_space<hbm>>) dst(%arg6 : memref<128xi32, #tpu.memory_space<vmem>>)
        tpu.yield
      }) : () -> ()
      %mul3A_14 = arith.constant 1920 : i32
      %mul3A_15 = arith.muli %add3A, %mul3A_14 : i32
      %mul3A_16 = arith.constant 128 : i32
      %mul3A_17 = arith.muli %scan3A_13, %mul3A_16 : i32
      %add3A_18 = arith.addi %mul3A_15, %mul3A_17 : i32
      "tpu.region"() ({
        %run_scoped3A = tpu.sem_alloc : memref<!tpu.dma_semaphore, #tpu.memory_space<semaphore_mem>>
        %dma_start3A = arith.constant 0 : i32
        %dma_start3A_19 = tpu.memref_slice %arg2[%add3A_18, %dma_start3A] : memref<61440x48xf32, #tpu.memory_space<hbm>> -> memref<128x48xf32, #tpu.memory_space<hbm>>
        %dma_start3A_20 = arith.constant 0 : i32
        %dma_start3A_21 = tpu.memref_slice %arg2[%add3A_18, %dma_start3A_20] : memref<61440x48xf32, #tpu.memory_space<hbm>> -> memref<128x48xf32, #tpu.memory_space<hbm>>
        tpu.enqueue_dma source(%dma_start3A_21 : memref<128x48xf32, #tpu.memory_space<hbm>>) target(%arg7 : memref<128x48xf32, #tpu.memory_space<vmem>>) target_semaphore(%run_scoped3A : memref<!tpu.dma_semaphore, #tpu.memory_space<semaphore_mem>>)
        %dma_wait3A = arith.constant 0 : i32
        %dma_wait3A_22 = tpu.memref_slice %arg2[%add3A_18, %dma_wait3A] : memref<61440x48xf32, #tpu.memory_space<hbm>> -> memref<128x48xf32, #tpu.memory_space<hbm>>
        %dma_wait3A_23 = arith.constant 0 : i32
        %dma_wait3A_24 = tpu.memref_slice %arg2[%add3A_18, %dma_wait3A_23] : memref<61440x48xf32, #tpu.memory_space<hbm>> -> memref<128x48xf32, #tpu.memory_space<hbm>>
        tpu.wait_dma2 semaphore(%run_scoped3A : memref<!tpu.dma_semaphore, #tpu.memory_space<semaphore_mem>>) src(%dma_wait3A_24 : memref<128x48xf32, #tpu.memory_space<hbm>>) dst(%arg7 : memref<128x48xf32, #tpu.memory_space<vmem>>)
        tpu.yield
      }) : () -> ()
      "tpu.region"() ({
        %run_scoped3A = tpu.sem_alloc : memref<!tpu.dma_semaphore, #tpu.memory_space<semaphore_mem>>
        %dma_start3A = arith.constant 0 : i32
        %dma_start3A_19 = arith.constant 0 : i32
        %dma_start3A_20 = tpu.memref_slice %arg9[%dma_start3A, %dma_start3A_19] : memref<20000x48xf32, #tpu.memory_space<vmem_shared>> -> memref<20000x48xf32, #tpu.memory_space<vmem_shared>>
        tpu.enqueue_indirect_dma source(%arg7 : memref<128x48xf32, #tpu.memory_space<vmem>>) target(%dma_start3A_20 : memref<20000x48xf32, #tpu.memory_space<vmem_shared>>) offsets(%arg6 : memref<128xi32, #tpu.memory_space<vmem>>) semaphore(%run_scoped3A : memref<!tpu.dma_semaphore, #tpu.memory_space<semaphore_mem>>) {add = true}
        %dma_wait3A = arith.constant 0 : i32
        %dma_wait3A_21 = arith.constant 0 : i32
        %dma_wait3A_22 = tpu.memref_slice %arg9[%dma_wait3A, %dma_wait3A_21] : memref<20000x48xf32, #tpu.memory_space<vmem_shared>> -> memref<20000x48xf32, #tpu.memory_space<vmem_shared>>
        tpu.wait_indirect_dma semaphore(%run_scoped3A : memref<!tpu.dma_semaphore, #tpu.memory_space<semaphore_mem>>) src(%arg7 : memref<128x48xf32, #tpu.memory_space<vmem>>) dst(%dma_wait3A_22 : memref<20000x48xf32, #tpu.memory_space<vmem_shared>>)
        tpu.yield
      }) : () -> ()
    }
    %scan3A_7 = arith.constant 15 : i32
    %barrier3A_8 = arith.constant 0 : index
    tpu.barrier barrier_id(%barrier3A_8)
    %mul3A_9 = arith.constant 1250 : i32
    %mul3A_10 = arith.muli %arg1, %mul3A_9 : i32
    "tpu.region"() ({
      %run_scoped3A = tpu.sem_alloc : memref<!tpu.dma_semaphore, #tpu.memory_space<semaphore_mem>>
      %dma_start3A = arith.constant 0 : i32
      %dma_start3A_13 = tpu.memref_slice %arg9[%mul3A_10, %dma_start3A] : memref<20000x48xf32, #tpu.memory_space<vmem_shared>> -> memref<1250x48xf32, #tpu.memory_space<vmem_shared>>
      %dma_start3A_14 = arith.constant 0 : i32
      %dma_start3A_15 = tpu.memref_slice %arg9[%mul3A_10, %dma_start3A_14] : memref<20000x48xf32, #tpu.memory_space<vmem_shared>> -> memref<1250x48xf32, #tpu.memory_space<vmem_shared>>
      tpu.enqueue_dma source(%dma_start3A_15 : memref<1250x48xf32, #tpu.memory_space<vmem_shared>>) target(%arg8 : memref<1250x48xf32, #tpu.memory_space<vmem>>) target_semaphore(%run_scoped3A : memref<!tpu.dma_semaphore, #tpu.memory_space<semaphore_mem>>)
      %dma_wait3A = arith.constant 0 : i32
      %dma_wait3A_16 = tpu.memref_slice %arg9[%mul3A_10, %dma_wait3A] : memref<20000x48xf32, #tpu.memory_space<vmem_shared>> -> memref<1250x48xf32, #tpu.memory_space<vmem_shared>>
      %dma_wait3A_17 = arith.constant 0 : i32
      %dma_wait3A_18 = tpu.memref_slice %arg9[%mul3A_10, %dma_wait3A_17] : memref<20000x48xf32, #tpu.memory_space<vmem_shared>> -> memref<1250x48xf32, #tpu.memory_space<vmem_shared>>
      tpu.wait_dma2 semaphore(%run_scoped3A : memref<!tpu.dma_semaphore, #tpu.memory_space<semaphore_mem>>) src(%dma_wait3A_18 : memref<1250x48xf32, #tpu.memory_space<vmem_shared>>) dst(%arg8 : memref<1250x48xf32, #tpu.memory_space<vmem>>)
      tpu.yield
    }) : () -> ()
    %mul3A_11 = arith.constant 1250 : i32
    %mul3A_12 = arith.muli %arg1, %mul3A_11 : i32
    "tpu.region"() ({
      %run_scoped3A = tpu.sem_alloc : memref<!tpu.dma_semaphore, #tpu.memory_space<semaphore_mem>>
      %dma_start3A = arith.constant 0 : i32
      %dma_start3A_13 = tpu.memref_slice %arg5[%arg0, %mul3A_12, %dma_start3A] : memref<2x20000x48xf32, #tpu.memory_space<hbm>> -> memref<1x1250x48xf32, #tpu.memory_space<hbm>>
      %dma_start3A_14 = tpu.memref_squeeze %dma_start3A_13 : memref<1x1250x48xf32, #tpu.memory_space<hbm>> -> memref<1250x48xf32, #tpu.memory_space<hbm>>
      %dma_start3A_15 = arith.constant 0 : i32
      %dma_start3A_16 = tpu.memref_slice %arg5[%arg0, %mul3A_12, %dma_start3A_15] : memref<2x20000x48xf32, #tpu.memory_space<hbm>> -> memref<1x1250x48xf32, #tpu.memory_space<hbm>>
      %dma_start3A_17 = tpu.memref_squeeze %dma_start3A_16 : memref<1x1250x48xf32, #tpu.memory_space<hbm>> -> memref<1250x48xf32, #tpu.memory_space<hbm>>
      tpu.enqueue_dma source(%arg8 : memref<1250x48xf32, #tpu.memory_space<vmem>>) target(%dma_start3A_17 : memref<1250x48xf32, #tpu.memory_space<hbm>>) target_semaphore(%run_scoped3A : memref<!tpu.dma_semaphore, #tpu.memory_space<semaphore_mem>>)
      %dma_wait3A = arith.constant 0 : i32
      %dma_wait3A_18 = tpu.memref_slice %arg5[%arg0, %mul3A_12, %dma_wait3A] : memref<2x20000x48xf32, #tpu.memory_space<hbm>> -> memref<1x1250x48xf32, #tpu.memory_space<hbm>>
      %dma_wait3A_19 = tpu.memref_squeeze %dma_wait3A_18 : memref<1x1250x48xf32, #tpu.memory_space<hbm>> -> memref<1250x48xf32, #tpu.memory_space<hbm>>
      %dma_wait3A_20 = arith.constant 0 : i32
      %dma_wait3A_21 = tpu.memref_slice %arg5[%arg0, %mul3A_12, %dma_wait3A_20] : memref<2x20000x48xf32, #tpu.memory_space<hbm>> -> memref<1x1250x48xf32, #tpu.memory_space<hbm>>
      %dma_wait3A_22 = tpu.memref_squeeze %dma_wait3A_21 : memref<1x1250x48xf32, #tpu.memory_space<hbm>> -> memref<1250x48xf32, #tpu.memory_space<hbm>>
      tpu.wait_dma2 semaphore(%run_scoped3A : memref<!tpu.dma_semaphore, #tpu.memory_space<semaphore_mem>>) src(%arg8 : memref<1250x48xf32, #tpu.memory_space<vmem>>) dst(%dma_wait3A_22 : memref<1250x48xf32, #tpu.memory_space<hbm>>)
      tpu.yield
    }) : () -> ()
    return
  }
}

#map = affine_map<(d0, d1) -> (0, 0)>
#map1 = affine_map<(d0, d1) -> (0, 0, 0)>
module attributes {stable_mosaic.version = 14 : i64} {
  func.func @scatter_k(%arg0: i32, %arg1: i32, %arg2: memref<20480x48xf32, #tpu.memory_space<hbm>>, %arg3: memref<32x5x128xi32, #tpu.memory_space<hbm>>, %arg4: memref<32x48xf32, #tpu.memory_space<hbm>>, %arg5: memref<2x512x48xf32, #tpu.memory_space<hbm>>, %arg6: memref<128xi32, #tpu.memory_space<vmem>>, %arg7: memref<128x48xf32, #tpu.memory_space<vmem>>, %arg8: memref<32x48xf32, #tpu.memory_space<vmem>>, %arg9: memref<512x48xf32, #tpu.memory_space<vmem_shared>>) attributes {dimension_semantics = [#tpu.dimension_semantics<core_parallel>, #tpu.dimension_semantics<subcore_parallel>], iteration_bounds = array<i64: 2, 16>, scalar_prefetch = 0 : i64, scratch_operands = 4 : i64, tpu.core_type = #tpu.core_type<sc_vector_subcore>, window_params = [{transform_indices = #map}, {transform_indices = #map1}, {transform_indices = #map}, {transform_indices = #map1}]} {
    %mul3A = arith.constant 2 : i32
    %mul3A_0 = arith.muli %arg1, %mul3A : i32
    %add3A = arith.addi %mul3A_0, %arg0 : i32
    "tpu.region"() ({
      %run_scoped3A = tpu.sem_alloc : memref<!tpu.dma_semaphore, #tpu.memory_space<semaphore_mem>>
      tpu.enqueue_dma source(%arg4 : memref<32x48xf32, #tpu.memory_space<hbm>>) target(%arg8 : memref<32x48xf32, #tpu.memory_space<vmem>>) target_semaphore(%run_scoped3A : memref<!tpu.dma_semaphore, #tpu.memory_space<semaphore_mem>>)
      tpu.wait_dma2 semaphore(%run_scoped3A : memref<!tpu.dma_semaphore, #tpu.memory_space<semaphore_mem>>) src(%arg4 : memref<32x48xf32, #tpu.memory_space<hbm>>) dst(%arg8 : memref<32x48xf32, #tpu.memory_space<vmem>>)
      tpu.yield
    }) : () -> ()
    %mul3A_1 = arith.constant 32 : i32
    %mul3A_2 = arith.muli %arg1, %mul3A_1 : i32
    "tpu.region"() ({
      %run_scoped3A = tpu.sem_alloc : memref<!tpu.dma_semaphore, #tpu.memory_space<semaphore_mem>>
      %dma_start3A = arith.constant 0 : i32
      %dma_start3A_13 = tpu.memref_slice %arg9[%mul3A_2, %dma_start3A] : memref<512x48xf32, #tpu.memory_space<vmem_shared>> -> memref<32x48xf32, #tpu.memory_space<vmem_shared>>
      %dma_start3A_14 = arith.constant 0 : i32
      %dma_start3A_15 = tpu.memref_slice %arg9[%mul3A_2, %dma_start3A_14] : memref<512x48xf32, #tpu.memory_space<vmem_shared>> -> memref<32x48xf32, #tpu.memory_space<vmem_shared>>
      tpu.enqueue_dma source(%arg8 : memref<32x48xf32, #tpu.memory_space<vmem>>) target(%dma_start3A_15 : memref<32x48xf32, #tpu.memory_space<vmem_shared>>) target_semaphore(%run_scoped3A : memref<!tpu.dma_semaphore, #tpu.memory_space<semaphore_mem>>)
      %dma_wait3A = arith.constant 0 : i32
      %dma_wait3A_16 = tpu.memref_slice %arg9[%mul3A_2, %dma_wait3A] : memref<512x48xf32, #tpu.memory_space<vmem_shared>> -> memref<32x48xf32, #tpu.memory_space<vmem_shared>>
      %dma_wait3A_17 = arith.constant 0 : i32
      %dma_wait3A_18 = tpu.memref_slice %arg9[%mul3A_2, %dma_wait3A_17] : memref<512x48xf32, #tpu.memory_space<vmem_shared>> -> memref<32x48xf32, #tpu.memory_space<vmem_shared>>
      tpu.wait_dma2 semaphore(%run_scoped3A : memref<!tpu.dma_semaphore, #tpu.memory_space<semaphore_mem>>) src(%arg8 : memref<32x48xf32, #tpu.memory_space<vmem>>) dst(%dma_wait3A_18 : memref<32x48xf32, #tpu.memory_space<vmem_shared>>)
      tpu.yield
    }) : () -> ()
    %barrier3A = arith.constant 0 : index
    tpu.barrier barrier_id(%barrier3A)
    %scan3A = arith.constant 0 : i32
    %scan3A_3 = arith.constant 0 : i32
    %scan3A_4 = arith.constant 5 : i32
    %scan3A_5 = arith.addi %scan3A_3, %scan3A_4 : i32
    %scan3A_6 = arith.constant 1 : i32
    scf.for %scan3A_13 = %scan3A_3 to %scan3A_5 step %scan3A_6  : i32 {
      "tpu.region"() ({
        %run_scoped3A = tpu.sem_alloc : memref<!tpu.dma_semaphore, #tpu.memory_space<semaphore_mem>>
        %dma_start3A = arith.constant 0 : i32
        %dma_start3A_19 = tpu.memref_slice %arg3[%add3A, %scan3A_13, %dma_start3A] : memref<32x5x128xi32, #tpu.memory_space<hbm>> -> memref<1x1x128xi32, #tpu.memory_space<hbm>>
        %dma_start3A_20 = tpu.memref_squeeze %dma_start3A_19 : memref<1x1x128xi32, #tpu.memory_space<hbm>> -> memref<128xi32, #tpu.memory_space<hbm>>
        %dma_start3A_21 = arith.constant 0 : i32
        %dma_start3A_22 = tpu.memref_slice %arg3[%add3A, %scan3A_13, %dma_start3A_21] : memref<32x5x128xi32, #tpu.memory_space<hbm>> -> memref<1x1x128xi32, #tpu.memory_space<hbm>>
        %dma_start3A_23 = tpu.memref_squeeze %dma_start3A_22 : memref<1x1x128xi32, #tpu.memory_space<hbm>> -> memref<128xi32, #tpu.memory_space<hbm>>
        tpu.enqueue_dma source(%dma_start3A_23 : memref<128xi32, #tpu.memory_space<hbm>>) target(%arg6 : memref<128xi32, #tpu.memory_space<vmem>>) target_semaphore(%run_scoped3A : memref<!tpu.dma_semaphore, #tpu.memory_space<semaphore_mem>>)
        %dma_wait3A = arith.constant 0 : i32
        %dma_wait3A_24 = tpu.memref_slice %arg3[%add3A, %scan3A_13, %dma_wait3A] : memref<32x5x128xi32, #tpu.memory_space<hbm>> -> memref<1x1x128xi32, #tpu.memory_space<hbm>>
        %dma_wait3A_25 = tpu.memref_squeeze %dma_wait3A_24 : memref<1x1x128xi32, #tpu.memory_space<hbm>> -> memref<128xi32, #tpu.memory_space<hbm>>
        %dma_wait3A_26 = arith.constant 0 : i32
        %dma_wait3A_27 = tpu.memref_slice %arg3[%add3A, %scan3A_13, %dma_wait3A_26] : memref<32x5x128xi32, #tpu.memory_space<hbm>> -> memref<1x1x128xi32, #tpu.memory_space<hbm>>
        %dma_wait3A_28 = tpu.memref_squeeze %dma_wait3A_27 : memref<1x1x128xi32, #tpu.memory_space<hbm>> -> memref<128xi32, #tpu.memory_space<hbm>>
        tpu.wait_dma2 semaphore(%run_scoped3A : memref<!tpu.dma_semaphore, #tpu.memory_space<semaphore_mem>>) src(%dma_wait3A_28 : memref<128xi32, #tpu.memory_space<hbm>>) dst(%arg6 : memref<128xi32, #tpu.memory_space<vmem>>)
        tpu.yield
      }) : () -> ()
      %mul3A_14 = arith.constant 640 : i32
      %mul3A_15 = arith.muli %add3A, %mul3A_14 : i32
      %mul3A_16 = arith.constant 128 : i32
      %mul3A_17 = arith.muli %scan3A_13, %mul3A_16 : i32
      %add3A_18 = arith.addi %mul3A_15, %mul3A_17 : i32
      "tpu.region"() ({
        %run_scoped3A = tpu.sem_alloc : memref<!tpu.dma_semaphore, #tpu.memory_space<semaphore_mem>>
        %dma_start3A = arith.constant 0 : i32
        %dma_start3A_19 = tpu.memref_slice %arg2[%add3A_18, %dma_start3A] : memref<20480x48xf32, #tpu.memory_space<hbm>> -> memref<128x48xf32, #tpu.memory_space<hbm>>
        %dma_start3A_20 = arith.constant 0 : i32
        %dma_start3A_21 = tpu.memref_slice %arg2[%add3A_18, %dma_start3A_20] : memref<20480x48xf32, #tpu.memory_space<hbm>> -> memref<128x48xf32, #tpu.memory_space<hbm>>
        tpu.enqueue_dma source(%dma_start3A_21 : memref<128x48xf32, #tpu.memory_space<hbm>>) target(%arg7 : memref<128x48xf32, #tpu.memory_space<vmem>>) target_semaphore(%run_scoped3A : memref<!tpu.dma_semaphore, #tpu.memory_space<semaphore_mem>>)
        %dma_wait3A = arith.constant 0 : i32
        %dma_wait3A_22 = tpu.memref_slice %arg2[%add3A_18, %dma_wait3A] : memref<20480x48xf32, #tpu.memory_space<hbm>> -> memref<128x48xf32, #tpu.memory_space<hbm>>
        %dma_wait3A_23 = arith.constant 0 : i32
        %dma_wait3A_24 = tpu.memref_slice %arg2[%add3A_18, %dma_wait3A_23] : memref<20480x48xf32, #tpu.memory_space<hbm>> -> memref<128x48xf32, #tpu.memory_space<hbm>>
        tpu.wait_dma2 semaphore(%run_scoped3A : memref<!tpu.dma_semaphore, #tpu.memory_space<semaphore_mem>>) src(%dma_wait3A_24 : memref<128x48xf32, #tpu.memory_space<hbm>>) dst(%arg7 : memref<128x48xf32, #tpu.memory_space<vmem>>)
        tpu.yield
      }) : () -> ()
      "tpu.region"() ({
        %run_scoped3A = tpu.sem_alloc : memref<!tpu.dma_semaphore, #tpu.memory_space<semaphore_mem>>
        %dma_start3A = arith.constant 0 : i32
        %dma_start3A_19 = arith.constant 0 : i32
        %dma_start3A_20 = tpu.memref_slice %arg9[%dma_start3A, %dma_start3A_19] : memref<512x48xf32, #tpu.memory_space<vmem_shared>> -> memref<512x48xf32, #tpu.memory_space<vmem_shared>>
        tpu.enqueue_indirect_dma source(%arg7 : memref<128x48xf32, #tpu.memory_space<vmem>>) target(%dma_start3A_20 : memref<512x48xf32, #tpu.memory_space<vmem_shared>>) offsets(%arg6 : memref<128xi32, #tpu.memory_space<vmem>>) semaphore(%run_scoped3A : memref<!tpu.dma_semaphore, #tpu.memory_space<semaphore_mem>>) {add = true}
        %dma_wait3A = arith.constant 0 : i32
        %dma_wait3A_21 = arith.constant 0 : i32
        %dma_wait3A_22 = tpu.memref_slice %arg9[%dma_wait3A, %dma_wait3A_21] : memref<512x48xf32, #tpu.memory_space<vmem_shared>> -> memref<512x48xf32, #tpu.memory_space<vmem_shared>>
        tpu.wait_indirect_dma semaphore(%run_scoped3A : memref<!tpu.dma_semaphore, #tpu.memory_space<semaphore_mem>>) src(%arg7 : memref<128x48xf32, #tpu.memory_space<vmem>>) dst(%dma_wait3A_22 : memref<512x48xf32, #tpu.memory_space<vmem_shared>>)
        tpu.yield
      }) : () -> ()
    }
    %scan3A_7 = arith.constant 5 : i32
    %barrier3A_8 = arith.constant 0 : index
    tpu.barrier barrier_id(%barrier3A_8)
    %mul3A_9 = arith.constant 32 : i32
    %mul3A_10 = arith.muli %arg1, %mul3A_9 : i32
    "tpu.region"() ({
      %run_scoped3A = tpu.sem_alloc : memref<!tpu.dma_semaphore, #tpu.memory_space<semaphore_mem>>
      %dma_start3A = arith.constant 0 : i32
      %dma_start3A_13 = tpu.memref_slice %arg9[%mul3A_10, %dma_start3A] : memref<512x48xf32, #tpu.memory_space<vmem_shared>> -> memref<32x48xf32, #tpu.memory_space<vmem_shared>>
      %dma_start3A_14 = arith.constant 0 : i32
      %dma_start3A_15 = tpu.memref_slice %arg9[%mul3A_10, %dma_start3A_14] : memref<512x48xf32, #tpu.memory_space<vmem_shared>> -> memref<32x48xf32, #tpu.memory_space<vmem_shared>>
      tpu.enqueue_dma source(%dma_start3A_15 : memref<32x48xf32, #tpu.memory_space<vmem_shared>>) target(%arg8 : memref<32x48xf32, #tpu.memory_space<vmem>>) target_semaphore(%run_scoped3A : memref<!tpu.dma_semaphore, #tpu.memory_space<semaphore_mem>>)
      %dma_wait3A = arith.constant 0 : i32
      %dma_wait3A_16 = tpu.memref_slice %arg9[%mul3A_10, %dma_wait3A] : memref<512x48xf32, #tpu.memory_space<vmem_shared>> -> memref<32x48xf32, #tpu.memory_space<vmem_shared>>
      %dma_wait3A_17 = arith.constant 0 : i32
      %dma_wait3A_18 = tpu.memref_slice %arg9[%mul3A_10, %dma_wait3A_17] : memref<512x48xf32, #tpu.memory_space<vmem_shared>> -> memref<32x48xf32, #tpu.memory_space<vmem_shared>>
      tpu.wait_dma2 semaphore(%run_scoped3A : memref<!tpu.dma_semaphore, #tpu.memory_space<semaphore_mem>>) src(%dma_wait3A_18 : memref<32x48xf32, #tpu.memory_space<vmem_shared>>) dst(%arg8 : memref<32x48xf32, #tpu.memory_space<vmem>>)
      tpu.yield
    }) : () -> ()
    %mul3A_11 = arith.constant 32 : i32
    %mul3A_12 = arith.muli %arg1, %mul3A_11 : i32
    "tpu.region"() ({
      %run_scoped3A = tpu.sem_alloc : memref<!tpu.dma_semaphore, #tpu.memory_space<semaphore_mem>>
      %dma_start3A = arith.constant 0 : i32
      %dma_start3A_13 = tpu.memref_slice %arg5[%arg0, %mul3A_12, %dma_start3A] : memref<2x512x48xf32, #tpu.memory_space<hbm>> -> memref<1x32x48xf32, #tpu.memory_space<hbm>>
      %dma_start3A_14 = tpu.memref_squeeze %dma_start3A_13 : memref<1x32x48xf32, #tpu.memory_space<hbm>> -> memref<32x48xf32, #tpu.memory_space<hbm>>
      %dma_start3A_15 = arith.constant 0 : i32
      %dma_start3A_16 = tpu.memref_slice %arg5[%arg0, %mul3A_12, %dma_start3A_15] : memref<2x512x48xf32, #tpu.memory_space<hbm>> -> memref<1x32x48xf32, #tpu.memory_space<hbm>>
      %dma_start3A_17 = tpu.memref_squeeze %dma_start3A_16 : memref<1x32x48xf32, #tpu.memory_space<hbm>> -> memref<32x48xf32, #tpu.memory_space<hbm>>
      tpu.enqueue_dma source(%arg8 : memref<32x48xf32, #tpu.memory_space<vmem>>) target(%dma_start3A_17 : memref<32x48xf32, #tpu.memory_space<hbm>>) target_semaphore(%run_scoped3A : memref<!tpu.dma_semaphore, #tpu.memory_space<semaphore_mem>>)
      %dma_wait3A = arith.constant 0 : i32
      %dma_wait3A_18 = tpu.memref_slice %arg5[%arg0, %mul3A_12, %dma_wait3A] : memref<2x512x48xf32, #tpu.memory_space<hbm>> -> memref<1x32x48xf32, #tpu.memory_space<hbm>>
      %dma_wait3A_19 = tpu.memref_squeeze %dma_wait3A_18 : memref<1x32x48xf32, #tpu.memory_space<hbm>> -> memref<32x48xf32, #tpu.memory_space<hbm>>
      %dma_wait3A_20 = arith.constant 0 : i32
      %dma_wait3A_21 = tpu.memref_slice %arg5[%arg0, %mul3A_12, %dma_wait3A_20] : memref<2x512x48xf32, #tpu.memory_space<hbm>> -> memref<1x32x48xf32, #tpu.memory_space<hbm>>
      %dma_wait3A_22 = tpu.memref_squeeze %dma_wait3A_21 : memref<1x32x48xf32, #tpu.memory_space<hbm>> -> memref<32x48xf32, #tpu.memory_space<hbm>>
      tpu.wait_dma2 semaphore(%run_scoped3A : memref<!tpu.dma_semaphore, #tpu.memory_space<semaphore_mem>>) src(%arg8 : memref<32x48xf32, #tpu.memory_space<vmem>>) dst(%dma_wait3A_22 : memref<32x48xf32, #tpu.memory_space<hbm>>)
      tpu.yield
    }) : () -> ()
    return
  }
}

module attributes {stable_mosaic.version = 14 : i64} {
  func.func @_msg_body(%arg0: i32, %arg1: memref<512x64xf32, #tpu.memory_space<vmem>>, %arg2: memref<512x64xf32, #tpu.memory_space<vmem>>, %arg3: memref<64x2048xf32, #tpu.memory_space<vmem>>, %arg4: memref<1x2048xf32, #tpu.memory_space<vmem>>, %arg5: memref<192x32xf32, #tpu.memory_space<vmem>>, %arg6: memref<1x32xf32, #tpu.memory_space<vmem>>, %arg7: memref<512x48xf32, #tpu.memory_space<vmem>>) attributes {dimension_semantics = [#tpu.dimension_semantics<arbitrary>], iteration_bounds = array<i64: 120>, scalar_prefetch = 0 : i64, scratch_operands = 0 : i64, tpu.core_type = #tpu.core_type<tc>, window_params = [{transform_indices = @transform_0, window_bounds = array<i64: 512, 64>}, {transform_indices = @transform_1, window_bounds = array<i64: 512, 64>}, {pipeline_mode = #tpu.pipeline_mode<synchronous>, transform_indices = @transform_2, window_bounds = array<i64: 64, 2048>}, {pipeline_mode = #tpu.pipeline_mode<synchronous>, transform_indices = @transform_3, window_bounds = array<i64: 1, 2048>}, {pipeline_mode = #tpu.pipeline_mode<synchronous>, transform_indices = @transform_4, window_bounds = array<i64: 192, 32>}, {pipeline_mode = #tpu.pipeline_mode<synchronous>, transform_indices = @transform_5, window_bounds = array<i64: 1, 32>}, {transform_indices = @transform_6, window_bounds = array<i64: 512, 48>}]} {
    %get3A = arith.constant 0 : index
    %get3A_0 = arith.constant 0 : index
    %get3A_1 = vector.load %arg1[%get3A, %get3A_0] : memref<512x64xf32, #tpu.memory_space<vmem>>, vector<512x64xf32>
    %get3A_2 = arith.constant 0 : index
    %get3A_3 = arith.constant 0 : index
    %get3A_4 = vector.load %arg2[%get3A_2, %get3A_3] : memref<512x64xf32, #tpu.memory_space<vmem>>, vector<512x64xf32>
    %get3A_5 = arith.constant 0 : index
    %get3A_6 = arith.constant 0 : index
    %get3A_7 = vector.load %arg3[%get3A_5, %get3A_6] : memref<64x2048xf32, #tpu.memory_space<vmem>>, vector<64x2048xf32>
    %dot_general3A = arith.constant dense<0.000000e+00> : vector<512x2048xf32>
    %dot_general3A_8 = tpu.matmul %get3A_4, %get3A_7, %dot_general3A {dimension_numbers = #tpu.dot_dimension_numbers<[1], [0], [0], [1], [0, 0, 1, 1], [], []>, transpose_lhs_hint = false} : vector<512x64xf32>, vector<64x2048xf32>, vector<512x2048xf32> -> vector<512x2048xf32>
    %get3A_9 = arith.constant 0 : index
    %get3A_10 = arith.constant 0 : index
    %get3A_11 = vector.load %arg4[%get3A_9, %get3A_10] : memref<1x2048xf32, #tpu.memory_space<vmem>>, vector<1x2048xf32>
    %add3A = vector.broadcast %get3A_11 : vector<1x2048xf32> to vector<512x2048xf32>
    %add3A_12 = arith.addf %dot_general3A_8, %add3A : vector<512x2048xf32>
    %reshape3A = vector.shape_cast %add3A_12 : vector<512x2048xf32> to vector<512x32x64xf32>
    %broadcast_in_dim3A = vector.shape_cast %get3A_1 : vector<512x64xf32> to vector<512x1x64xf32>
    %mul3A = vector.broadcast %broadcast_in_dim3A : vector<512x1x64xf32> to vector<512x32x64xf32>
    %mul3A_13 = arith.mulf %reshape3A, %mul3A : vector<512x32x64xf32>
    %reduce_sum3A = arith.constant dense<0.000000e+00> : vector<512x32xf32>
    %reduce_sum3A_14 = vector.multi_reduction <add>, %mul3A_13, %reduce_sum3A [2] : vector<512x32x64xf32> to vector<512x32xf32>
    %sin3A = math.sin %reduce_sum3A_14 : vector<512x32xf32>
    %cos3A = math.cos %reduce_sum3A_14 : vector<512x32xf32>
    %mul3A_15 = arith.constant 2.000000e+00 : f32
    %mul3A_16 = vector.broadcast %mul3A_15 : f32 to vector<512x32xf32>
    %mul3A_17 = arith.mulf %mul3A_16, %sin3A : vector<512x32xf32>
    %mul3A_18 = arith.mulf %mul3A_17, %cos3A : vector<512x32xf32>
    %mul3A_19 = arith.mulf %cos3A, %cos3A : vector<512x32xf32>
    %mul3A_20 = arith.mulf %sin3A, %sin3A : vector<512x32xf32>
    %sub3A = arith.subf %mul3A_19, %mul3A_20 : vector<512x32xf32>
    %mul3A_21 = arith.constant 2.000000e+00 : f32
    %mul3A_22 = vector.broadcast %mul3A_21 : f32 to vector<512x32xf32>
    %mul3A_23 = arith.mulf %mul3A_22, %mul3A_18 : vector<512x32xf32>
    %mul3A_24 = arith.mulf %mul3A_23, %sub3A : vector<512x32xf32>
    %mul3A_25 = arith.mulf %sub3A, %sub3A : vector<512x32xf32>
    %mul3A_26 = arith.mulf %mul3A_18, %mul3A_18 : vector<512x32xf32>
    %sub3A_27 = arith.subf %mul3A_25, %mul3A_26 : vector<512x32xf32>
    %concatenate3A = tpu.concatenate %sin3A, %cos3A, %mul3A_18, %sub3A, %mul3A_24, %sub3A_27 in 1 : vector<512x32xf32>, vector<512x32xf32>, vector<512x32xf32>, vector<512x32xf32>, vector<512x32xf32>, vector<512x32xf32> -> vector<512x192xf32>
    %get3A_28 = arith.constant 0 : index
    %get3A_29 = arith.constant 0 : index
    %get3A_30 = vector.load %arg5[%get3A_28, %get3A_29] : memref<192x32xf32, #tpu.memory_space<vmem>>, vector<192x32xf32>
    %dot_general3A_31 = arith.constant dense<0.000000e+00> : vector<512x32xf32>
    %dot_general3A_32 = tpu.matmul %concatenate3A, %get3A_30, %dot_general3A_31 {dimension_numbers = #tpu.dot_dimension_numbers<[1], [0], [0], [1], [0, 0, 1, 1], [], []>, transpose_lhs_hint = false} : vector<512x192xf32>, vector<192x32xf32>, vector<512x32xf32> -> vector<512x32xf32>
    %get3A_33 = arith.constant 0 : index
    %get3A_34 = arith.constant 0 : index
    %get3A_35 = vector.load %arg6[%get3A_33, %get3A_34] : memref<1x32xf32, #tpu.memory_space<vmem>>, vector<1x32xf32>
    %add3A_36 = vector.broadcast %get3A_35 : vector<1x32xf32> to vector<512x32xf32>
    %add3A_37 = arith.addf %dot_general3A_32, %add3A_36 : vector<512x32xf32>
    %mul3A_38 = arith.constant 512 : i32
    %mul3A_39 = arith.muli %arg0, %mul3A_38 : i32
    %iota3A = tpu.iota {dimensions = array<i32: 0>} : vector<512x1xi32>
    %add3A_40 = vector.broadcast %mul3A_39 : i32 to vector<512x1xi32>
    %add3A_41 = arith.addi %add3A_40, %iota3A : vector<512x1xi32>
    %lt3A = arith.constant 60000 : i32
    %lt3A_42 = vector.broadcast %lt3A : i32 to vector<512x1xi32>
    %lt3A_43 = arith.cmpi slt, %add3A_41, %lt3A_42 : vector<512x1xi32>
    %convert_element_type3A = arith.extui %lt3A_43 : vector<512x1xi1> to vector<512x1xi32>
    %convert_element_type3A_44 = arith.sitofp %convert_element_type3A : vector<512x1xi32> to vector<512x1xf32>
    %mul3A_45 = vector.broadcast %convert_element_type3A_44 : vector<512x1xf32> to vector<512x32xf32>
    %mul3A_46 = arith.mulf %add3A_37, %mul3A_45 : vector<512x32xf32>
    %broadcast_in_dim3A_47 = arith.constant 0.000000e+00 : f32
    %broadcast_in_dim3A_48 = vector.broadcast %broadcast_in_dim3A_47 : f32 to vector<512x15xf32>
    %concatenate3A_49 = tpu.concatenate %mul3A_46, %convert_element_type3A_44, %broadcast_in_dim3A_48 in 1 : vector<512x32xf32>, vector<512x1xf32>, vector<512x15xf32> -> vector<512x48xf32>
    %swap3A = arith.constant 0 : index
    %swap3A_50 = arith.constant 0 : index
    %swap3A_51 = vector.load %arg7[%swap3A, %swap3A_50] : memref<512x48xf32, #tpu.memory_space<vmem>>, vector<512x48xf32>
    tpu.vector_store %arg7[%swap3A, %swap3A_50], %concatenate3A_49 {strides = array<i32>} : memref<512x48xf32, #tpu.memory_space<vmem>>, vector<512x48xf32>,
    return
  }
  func.func @transform_0(%arg0: i32) -> (i32, i32) {
    %c0_i32 = arith.constant 0 : i32
    %c0_i32_0 = arith.constant 0 : i32
    return %arg0, %c0_i32 : i32, i32
  }
  func.func @transform_1(%arg0: i32) -> (i32, i32) {
    %add3A = arith.constant 120 : i32
    %add3A_0 = arith.addi %arg0, %add3A : i32
    %c0_i32 = arith.constant 0 : i32
    %c0_i32_1 = arith.constant 0 : i32
    return %add3A_0, %c0_i32 : i32, i32
  }
  func.func @transform_2(%arg0: i32) -> (i32, i32) {
    %c0_i32 = arith.constant 0 : i32
    %c0_i32_0 = arith.constant 0 : i32
    %c0_i32_1 = arith.constant 0 : i32
    return %c0_i32, %c0_i32_0 : i32, i32
  }
  func.func @transform_3(%arg0: i32) -> (i32, i32) {
    %c0_i32 = arith.constant 0 : i32
    %c0_i32_0 = arith.constant 0 : i32
    %c0_i32_1 = arith.constant 0 : i32
    return %c0_i32, %c0_i32_0 : i32, i32
  }
  func.func @transform_4(%arg0: i32) -> (i32, i32) {
    %c0_i32 = arith.constant 0 : i32
    %c0_i32_0 = arith.constant 0 : i32
    %c0_i32_1 = arith.constant 0 : i32
    return %c0_i32, %c0_i32_0 : i32, i32
  }
  func.func @transform_5(%arg0: i32) -> (i32, i32) {
    %c0_i32 = arith.constant 0 : i32
    %c0_i32_0 = arith.constant 0 : i32
    %c0_i32_1 = arith.constant 0 : i32
    return %c0_i32, %c0_i32_0 : i32, i32
  }
  func.func @transform_6(%arg0: i32) -> (i32, i32) {
    %c0_i32 = arith.constant 0 : i32
    %c0_i32_0 = arith.constant 0 : i32
    return %arg0, %c0_i32 : i32, i32
  }
}

module attributes {stable_mosaic.version = 14 : i64} {
  func.func @body(%arg0: i32, %arg1: memref<800x64xf32, #tpu.memory_space<vmem>>, %arg2: memref<2x800x48xf32, #tpu.memory_space<vmem>>, %arg3: memref<96x128xf32, #tpu.memory_space<vmem>>, %arg4: memref<1x128xf32, #tpu.memory_space<vmem>>, %arg5: memref<128x32xf32, #tpu.memory_space<vmem>>, %arg6: memref<1x32xf32, #tpu.memory_space<vmem>>, %arg7: memref<800x32xf32, #tpu.memory_space<vmem>>, %arg8: memref<8x32xf32, #tpu.memory_space<vmem>>) attributes {dimension_semantics = [#tpu.dimension_semantics<arbitrary>], iteration_bounds = array<i64: 25>, scalar_prefetch = 0 : i64, scratch_operands = 0 : i64, tpu.core_type = #tpu.core_type<tc>, window_params = [{transform_indices = @transform_0, window_bounds = array<i64: 800, 64>}, {transform_indices = @transform_1, window_bounds = array<i64: 2, 800, 48>}, {pipeline_mode = #tpu.pipeline_mode<synchronous>, transform_indices = @transform_2, window_bounds = array<i64: 96, 128>}, {pipeline_mode = #tpu.pipeline_mode<synchronous>, transform_indices = @transform_3, window_bounds = array<i64: 1, 128>}, {pipeline_mode = #tpu.pipeline_mode<synchronous>, transform_indices = @transform_4, window_bounds = array<i64: 128, 32>}, {pipeline_mode = #tpu.pipeline_mode<synchronous>, transform_indices = @transform_5, window_bounds = array<i64: 1, 32>}, {transform_indices = @transform_6, window_bounds = array<i64: 800, 32>}, {pipeline_mode = #tpu.pipeline_mode<synchronous>, transform_indices = @transform_7, window_bounds = array<i64: 8, 32>}]} {
    %get3A = arith.constant 0 : index
    %get3A_0 = arith.constant 0 : index
    %get3A_1 = vector.load %arg1[%get3A, %get3A_0] : memref<800x64xf32, #tpu.memory_space<vmem>>, vector<800x64xf32>
    %get3A_2 = arith.constant 0 : index
    %get3A_3 = arith.constant 0 : index
    %get3A_4 = arith.constant 0 : index
    %get3A_5 = vector.load %arg2[%get3A_2, %get3A_3, %get3A_4] : memref<2x800x48xf32, #tpu.memory_space<vmem>>, vector<1x800x32xf32>
    %get3A_6 = vector.shape_cast %get3A_5 : vector<1x800x32xf32> to vector<800x32xf32>
    %get3A_7 = arith.constant 1 : index
    %get3A_8 = arith.constant 0 : index
    %get3A_9 = arith.constant 0 : index
    %get3A_10 = vector.load %arg2[%get3A_7, %get3A_8, %get3A_9] : memref<2x800x48xf32, #tpu.memory_space<vmem>>, vector<1x800x32xf32>
    %get3A_11 = vector.shape_cast %get3A_10 : vector<1x800x32xf32> to vector<800x32xf32>
    %add3A = arith.addf %get3A_6, %get3A_11 : vector<800x32xf32>
    %get3A_12 = arith.constant 0 : index
    %get3A_13 = arith.constant 0 : index
    %get3A_14 = arith.constant 32 : index
    %get3A_15 = vector.load %arg2[%get3A_12, %get3A_13, %get3A_14] : memref<2x800x48xf32, #tpu.memory_space<vmem>>, vector<1x800x1xf32>
    %get3A_16 = vector.shape_cast %get3A_15 : vector<1x800x1xf32> to vector<800x1xf32>
    %get3A_17 = arith.constant 1 : index
    %get3A_18 = arith.constant 0 : index
    %get3A_19 = arith.constant 32 : index
    %get3A_20 = vector.load %arg2[%get3A_17, %get3A_18, %get3A_19] : memref<2x800x48xf32, #tpu.memory_space<vmem>>, vector<1x800x1xf32>
    %get3A_21 = vector.shape_cast %get3A_20 : vector<1x800x1xf32> to vector<800x1xf32>
    %add3A_22 = arith.addf %get3A_16, %get3A_21 : vector<800x1xf32>
    %max3A = arith.constant 1.000000e+00 : f32
    %max3A_23 = vector.broadcast %max3A : f32 to vector<800x1xf32>
    %max3A_24 = arith.maximumf %add3A_22, %max3A_23 : vector<800x1xf32>
    %div3A = vector.broadcast %max3A_24 : vector<800x1xf32> to vector<800x32xf32>
    %div3A_25 = arith.divf %add3A, %div3A : vector<800x32xf32>
    %concatenate3A = tpu.concatenate %get3A_1, %div3A_25 in 1 : vector<800x64xf32>, vector<800x32xf32> -> vector<800x96xf32>
    %get3A_26 = arith.constant 0 : index
    %get3A_27 = arith.constant 0 : index
    %get3A_28 = vector.load %arg3[%get3A_26, %get3A_27] : memref<96x128xf32, #tpu.memory_space<vmem>>, vector<96x128xf32>
    %dot_general3A = arith.constant dense<0.000000e+00> : vector<800x128xf32>
    %dot_general3A_29 = tpu.matmul %concatenate3A, %get3A_28, %dot_general3A {dimension_numbers = #tpu.dot_dimension_numbers<[1], [0], [0], [1], [0, 0, 1, 1], [], []>, transpose_lhs_hint = false} : vector<800x96xf32>, vector<96x128xf32>, vector<800x128xf32> -> vector<800x128xf32>
    %get3A_30 = arith.constant 0 : index
    %get3A_31 = arith.constant 0 : index
    %get3A_32 = vector.load %arg4[%get3A_30, %get3A_31] : memref<1x128xf32, #tpu.memory_space<vmem>>, vector<1x128xf32>
    %add3A_33 = vector.broadcast %get3A_32 : vector<1x128xf32> to vector<800x128xf32>
    %add3A_34 = arith.addf %dot_general3A_29, %add3A_33 : vector<800x128xf32>
    %max3A_35 = arith.constant 0.000000e+00 : f32
    %max3A_36 = vector.broadcast %max3A_35 : f32 to vector<800x128xf32>
    %max3A_37 = arith.maximumf %add3A_34, %max3A_36 : vector<800x128xf32>
    %get3A_38 = arith.constant 0 : index
    %get3A_39 = arith.constant 0 : index
    %get3A_40 = vector.load %arg5[%get3A_38, %get3A_39] : memref<128x32xf32, #tpu.memory_space<vmem>>, vector<128x32xf32>
    %dot_general3A_41 = arith.constant dense<0.000000e+00> : vector<800x32xf32>
    %dot_general3A_42 = tpu.matmul %max3A_37, %get3A_40, %dot_general3A_41 {dimension_numbers = #tpu.dot_dimension_numbers<[1], [0], [0], [1], [0, 0, 1, 1], [], []>, transpose_lhs_hint = false} : vector<800x128xf32>, vector<128x32xf32>, vector<800x32xf32> -> vector<800x32xf32>
    %get3A_43 = arith.constant 0 : index
    %get3A_44 = arith.constant 0 : index
    %get3A_45 = vector.load %arg6[%get3A_43, %get3A_44] : memref<1x32xf32, #tpu.memory_space<vmem>>, vector<1x32xf32>
    %add3A_46 = vector.broadcast %get3A_45 : vector<1x32xf32> to vector<800x32xf32>
    %add3A_47 = arith.addf %dot_general3A_42, %add3A_46 : vector<800x32xf32>
    %swap3A = arith.constant 0 : index
    %swap3A_48 = arith.constant 0 : index
    %swap3A_49 = vector.load %arg7[%swap3A, %swap3A_48] : memref<800x32xf32, #tpu.memory_space<vmem>>, vector<800x32xf32>
    tpu.vector_store %arg7[%swap3A, %swap3A_48], %add3A_47 {strides = array<i32>} : memref<800x32xf32, #tpu.memory_space<vmem>>, vector<800x32xf32>,
    %reduce_sum3A = arith.constant dense<0.000000e+00> : vector<32xf32>
    %reduce_sum3A_50 = vector.multi_reduction <add>, %add3A_47, %reduce_sum3A [0] : vector<800x32xf32> to vector<32xf32>
    %broadcast_in_dim3A = vector.shape_cast %reduce_sum3A_50 : vector<32xf32> to vector<1x32xf32>
    %mul3A = arith.mulf %add3A_47, %add3A_47 : vector<800x32xf32>
    %reduce_sum3A_51 = arith.constant dense<0.000000e+00> : vector<32xf32>
    %reduce_sum3A_52 = vector.multi_reduction <add>, %mul3A, %reduce_sum3A_51 [0] : vector<800x32xf32> to vector<32xf32>
    %broadcast_in_dim3A_53 = vector.shape_cast %reduce_sum3A_52 : vector<32xf32> to vector<1x32xf32>
    %eq3A = arith.constant 0 : i32
    %eq3A_54 = arith.cmpi eq, %arg0, %eq3A : i32
    %convert_element_type3A = arith.extui %eq3A_54 : i1 to i32
    %cond3A = arith.constant 0 : i32
    %cond3A_55 = arith.cmpi ne, %convert_element_type3A, %cond3A : i32
    scf.if %cond3A_55 {
      %broadcast_in_dim3A_70 = arith.constant 0.000000e+00 : f32
      %broadcast_in_dim3A_71 = vector.broadcast %broadcast_in_dim3A_70 : f32 to vector<8x32xf32>
      %swap3A_72 = arith.constant 0 : index
      %swap3A_73 = arith.constant 0 : index
      %swap3A_74 = vector.load %arg8[%swap3A_72, %swap3A_73] : memref<8x32xf32, #tpu.memory_space<vmem>>, vector<8x32xf32>
      tpu.vector_store %arg8[%swap3A_72, %swap3A_73], %broadcast_in_dim3A_71 {strides = array<i32>} : memref<8x32xf32, #tpu.memory_space<vmem>>, vector<8x32xf32>,
    } else {
    }
    %get3A_56 = arith.constant 0 : index
    %get3A_57 = arith.constant 0 : index
    %get3A_58 = vector.load %arg8[%get3A_56, %get3A_57] : memref<8x32xf32, #tpu.memory_space<vmem>>, vector<1x32xf32>
    %add3A_59 = arith.addf %get3A_58, %broadcast_in_dim3A : vector<1x32xf32>
    %swap3A_60 = arith.constant 0 : index
    %swap3A_61 = arith.constant 0 : index
    %swap3A_62 = vector.load %arg8[%swap3A_60, %swap3A_61] : memref<8x32xf32, #tpu.memory_space<vmem>>, vector<1x32xf32>
    tpu.vector_store %arg8[%swap3A_60, %swap3A_61], %add3A_59 {strides = array<i32>} : memref<8x32xf32, #tpu.memory_space<vmem>>, vector<1x32xf32>,
    %get3A_63 = arith.constant 1 : index
    %get3A_64 = arith.constant 0 : index
    %get3A_65 = vector.load %arg8[%get3A_63, %get3A_64] : memref<8x32xf32, #tpu.memory_space<vmem>>, vector<1x32xf32>
    %add3A_66 = arith.addf %get3A_65, %broadcast_in_dim3A_53 : vector<1x32xf32>
    %swap3A_67 = arith.constant 1 : index
    %swap3A_68 = arith.constant 0 : index
    %swap3A_69 = vector.load %arg8[%swap3A_67, %swap3A_68] : memref<8x32xf32, #tpu.memory_space<vmem>>, vector<1x32xf32>
    tpu.vector_store %arg8[%swap3A_67, %swap3A_68], %add3A_66 {strides = array<i32>} : memref<8x32xf32, #tpu.memory_space<vmem>>, vector<1x32xf32>,
    return
  }
  func.func @transform_0(%arg0: i32) -> (i32, i32) {
    %c0_i32 = arith.constant 0 : i32
    %c0_i32_0 = arith.constant 0 : i32
    return %arg0, %c0_i32 : i32, i32
  }
  func.func @transform_1(%arg0: i32) -> (i32, i32, i32) {
    %c0_i32 = arith.constant 0 : i32
    %c0_i32_0 = arith.constant 0 : i32
    %c0_i32_1 = arith.constant 0 : i32
    return %c0_i32, %arg0, %c0_i32_0 : i32, i32, i32
  }
  func.func @transform_2(%arg0: i32) -> (i32, i32) {
    %c0_i32 = arith.constant 0 : i32
    %c0_i32_0 = arith.constant 0 : i32
    %c0_i32_1 = arith.constant 0 : i32
    return %c0_i32, %c0_i32_0 : i32, i32
  }
  func.func @transform_3(%arg0: i32) -> (i32, i32) {
    %c0_i32 = arith.constant 0 : i32
    %c0_i32_0 = arith.constant 0 : i32
    %c0_i32_1 = arith.constant 0 : i32
    return %c0_i32, %c0_i32_0 : i32, i32
  }
  func.func @transform_4(%arg0: i32) -> (i32, i32) {
    %c0_i32 = arith.constant 0 : i32
    %c0_i32_0 = arith.constant 0 : i32
    %c0_i32_1 = arith.constant 0 : i32
    return %c0_i32, %c0_i32_0 : i32, i32
  }
  func.func @transform_5(%arg0: i32) -> (i32, i32) {
    %c0_i32 = arith.constant 0 : i32
    %c0_i32_0 = arith.constant 0 : i32
    %c0_i32_1 = arith.constant 0 : i32
    return %c0_i32, %c0_i32_0 : i32, i32
  }
  func.func @transform_6(%arg0: i32) -> (i32, i32) {
    %c0_i32 = arith.constant 0 : i32
    %c0_i32_0 = arith.constant 0 : i32
    return %arg0, %c0_i32 : i32, i32
  }
  func.func @transform_7(%arg0: i32) -> (i32, i32) {
    %c0_i32 = arith.constant 0 : i32
    %c0_i32_0 = arith.constant 0 : i32
    %c0_i32_1 = arith.constant 0 : i32
    return %c0_i32, %c0_i32_0 : i32, i32
  }
}

module attributes {stable_mosaic.version = 14 : i64} {
  func.func @_msg2_body(%arg0: i32, %arg1: memref<512x32xf32, #tpu.memory_space<vmem>>, %arg2: memref<512x32xf32, #tpu.memory_space<vmem>>, %arg3: memref<32x1024xf32, #tpu.memory_space<vmem>>, %arg4: memref<1x1024xf32, #tpu.memory_space<vmem>>, %arg5: memref<192x32xf32, #tpu.memory_space<vmem>>, %arg6: memref<1x32xf32, #tpu.memory_space<vmem>>, %arg7: memref<8x32xf32, #tpu.memory_space<vmem>>, %arg8: memref<1x32xf32, #tpu.memory_space<vmem>>, %arg9: memref<1x32xf32, #tpu.memory_space<vmem>>, %arg10: memref<512x48xf32, #tpu.memory_space<vmem>>) attributes {dimension_semantics = [#tpu.dimension_semantics<arbitrary>], iteration_bounds = array<i64: 120>, scalar_prefetch = 0 : i64, scratch_operands = 0 : i64, tpu.core_type = #tpu.core_type<tc>, window_params = [{transform_indices = @transform_0, window_bounds = array<i64: 512, 32>}, {transform_indices = @transform_1, window_bounds = array<i64: 512, 32>}, {pipeline_mode = #tpu.pipeline_mode<synchronous>, transform_indices = @transform_2, window_bounds = array<i64: 32, 1024>}, {pipeline_mode = #tpu.pipeline_mode<synchronous>, transform_indices = @transform_3, window_bounds = array<i64: 1, 1024>}, {pipeline_mode = #tpu.pipeline_mode<synchronous>, transform_indices = @transform_4, window_bounds = array<i64: 192, 32>}, {pipeline_mode = #tpu.pipeline_mode<synchronous>, transform_indices = @transform_5, window_bounds = array<i64: 1, 32>}, {pipeline_mode = #tpu.pipeline_mode<synchronous>, transform_indices = @transform_6, window_bounds = array<i64: 8, 32>}, {pipeline_mode = #tpu.pipeline_mode<synchronous>, transform_indices = @transform_7, window_bounds = array<i64: 1, 32>}, {pipeline_mode = #tpu.pipeline_mode<synchronous>, transform_indices = @transform_8, window_bounds = array<i64: 1, 32>}, {transform_indices = @transform_9, window_bounds = array<i64: 512, 48>}]} {
    %get3A = arith.constant 0 : index
    %get3A_0 = arith.constant 0 : index
    %get3A_1 = vector.load %arg1[%get3A, %get3A_0] : memref<512x32xf32, #tpu.memory_space<vmem>>, vector<512x32xf32>
    %get3A_2 = arith.constant 0 : index
    %get3A_3 = arith.constant 0 : index
    %get3A_4 = vector.load %arg2[%get3A_2, %get3A_3] : memref<512x32xf32, #tpu.memory_space<vmem>>, vector<512x32xf32>
    %get3A_5 = arith.constant 0 : index
    %get3A_6 = arith.constant 0 : index
    %get3A_7 = vector.load %arg7[%get3A_5, %get3A_6] : memref<8x32xf32, #tpu.memory_space<vmem>>, vector<1x32xf32>
    %mul3A = arith.constant 5.000000e-05 : f32
    %mul3A_8 = vector.broadcast %mul3A : f32 to vector<1x32xf32>
    %mul3A_9 = arith.mulf %get3A_7, %mul3A_8 : vector<1x32xf32>
    %get3A_10 = arith.constant 1 : index
    %get3A_11 = arith.constant 0 : index
    %get3A_12 = vector.load %arg7[%get3A_10, %get3A_11] : memref<8x32xf32, #tpu.memory_space<vmem>>, vector<1x32xf32>
    %mul3A_13 = arith.constant 5.000000e-05 : f32
    %mul3A_14 = vector.broadcast %mul3A_13 : f32 to vector<1x32xf32>
    %mul3A_15 = arith.mulf %get3A_12, %mul3A_14 : vector<1x32xf32>
    %mul3A_16 = arith.mulf %mul3A_9, %mul3A_9 : vector<1x32xf32>
    %sub3A = arith.subf %mul3A_15, %mul3A_16 : vector<1x32xf32>
    %get3A_17 = arith.constant 0 : index
    %get3A_18 = arith.constant 0 : index
    %get3A_19 = vector.load %arg8[%get3A_17, %get3A_18] : memref<1x32xf32, #tpu.memory_space<vmem>>, vector<1x32xf32>
    %add3A = arith.constant 9.99999974E-6 : f32
    %add3A_20 = vector.broadcast %add3A : f32 to vector<1x32xf32>
    %add3A_21 = arith.addf %sub3A, %add3A_20 : vector<1x32xf32>
    %rsqrt3A = math.rsqrt %add3A_21 : vector<1x32xf32>
    %mul3A_22 = arith.mulf %get3A_19, %rsqrt3A : vector<1x32xf32>
    %get3A_23 = arith.constant 0 : index
    %get3A_24 = arith.constant 0 : index
    %get3A_25 = vector.load %arg9[%get3A_23, %get3A_24] : memref<1x32xf32, #tpu.memory_space<vmem>>, vector<1x32xf32>
    %mul3A_26 = arith.mulf %mul3A_9, %mul3A_22 : vector<1x32xf32>
    %sub3A_27 = arith.subf %get3A_25, %mul3A_26 : vector<1x32xf32>
    %mul3A_28 = vector.broadcast %mul3A_22 : vector<1x32xf32> to vector<512x32xf32>
    %mul3A_29 = arith.mulf %get3A_1, %mul3A_28 : vector<512x32xf32>
    %add3A_30 = vector.broadcast %sub3A_27 : vector<1x32xf32> to vector<512x32xf32>
    %add3A_31 = arith.addf %mul3A_29, %add3A_30 : vector<512x32xf32>
    %max3A = arith.constant 0.000000e+00 : f32
    %max3A_32 = vector.broadcast %max3A : f32 to vector<512x32xf32>
    %max3A_33 = arith.maximumf %add3A_31, %max3A_32 : vector<512x32xf32>
    %mul3A_34 = vector.broadcast %mul3A_22 : vector<1x32xf32> to vector<512x32xf32>
    %mul3A_35 = arith.mulf %get3A_4, %mul3A_34 : vector<512x32xf32>
    %add3A_36 = vector.broadcast %sub3A_27 : vector<1x32xf32> to vector<512x32xf32>
    %add3A_37 = arith.addf %mul3A_35, %add3A_36 : vector<512x32xf32>
    %max3A_38 = arith.constant 0.000000e+00 : f32
    %max3A_39 = vector.broadcast %max3A_38 : f32 to vector<512x32xf32>
    %max3A_40 = arith.maximumf %add3A_37, %max3A_39 : vector<512x32xf32>
    %get3A_41 = arith.constant 0 : index
    %get3A_42 = arith.constant 0 : index
    %get3A_43 = vector.load %arg3[%get3A_41, %get3A_42] : memref<32x1024xf32, #tpu.memory_space<vmem>>, vector<32x1024xf32>
    %dot_general3A = arith.constant dense<0.000000e+00> : vector<512x1024xf32>
    %dot_general3A_44 = tpu.matmul %max3A_40, %get3A_43, %dot_general3A {dimension_numbers = #tpu.dot_dimension_numbers<[1], [0], [0], [1], [0, 0, 1, 1], [], []>, transpose_lhs_hint = false} : vector<512x32xf32>, vector<32x1024xf32>, vector<512x1024xf32> -> vector<512x1024xf32>
    %get3A_45 = arith.constant 0 : index
    %get3A_46 = arith.constant 0 : index
    %get3A_47 = vector.load %arg4[%get3A_45, %get3A_46] : memref<1x1024xf32, #tpu.memory_space<vmem>>, vector<1x1024xf32>
    %add3A_48 = vector.broadcast %get3A_47 : vector<1x1024xf32> to vector<512x1024xf32>
    %add3A_49 = arith.addf %dot_general3A_44, %add3A_48 : vector<512x1024xf32>
    %reshape3A = vector.shape_cast %add3A_49 : vector<512x1024xf32> to vector<512x32x32xf32>
    %broadcast_in_dim3A = vector.shape_cast %max3A_33 : vector<512x32xf32> to vector<512x1x32xf32>
    %mul3A_50 = vector.broadcast %broadcast_in_dim3A : vector<512x1x32xf32> to vector<512x32x32xf32>
    %mul3A_51 = arith.mulf %reshape3A, %mul3A_50 : vector<512x32x32xf32>
    %reduce_sum3A = arith.constant dense<0.000000e+00> : vector<512x32xf32>
    %reduce_sum3A_52 = vector.multi_reduction <add>, %mul3A_51, %reduce_sum3A [2] : vector<512x32x32xf32> to vector<512x32xf32>
    %sin3A = math.sin %reduce_sum3A_52 : vector<512x32xf32>
    %cos3A = math.cos %reduce_sum3A_52 : vector<512x32xf32>
    %mul3A_53 = arith.constant 2.000000e+00 : f32
    %mul3A_54 = vector.broadcast %mul3A_53 : f32 to vector<512x32xf32>
    %mul3A_55 = arith.mulf %mul3A_54, %sin3A : vector<512x32xf32>
    %mul3A_56 = arith.mulf %mul3A_55, %cos3A : vector<512x32xf32>
    %mul3A_57 = arith.mulf %cos3A, %cos3A : vector<512x32xf32>
    %mul3A_58 = arith.mulf %sin3A, %sin3A : vector<512x32xf32>
    %sub3A_59 = arith.subf %mul3A_57, %mul3A_58 : vector<512x32xf32>
    %mul3A_60 = arith.constant 2.000000e+00 : f32
    %mul3A_61 = vector.broadcast %mul3A_60 : f32 to vector<512x32xf32>
    %mul3A_62 = arith.mulf %mul3A_61, %mul3A_56 : vector<512x32xf32>
    %mul3A_63 = arith.mulf %mul3A_62, %sub3A_59 : vector<512x32xf32>
    %mul3A_64 = arith.mulf %sub3A_59, %sub3A_59 : vector<512x32xf32>
    %mul3A_65 = arith.mulf %mul3A_56, %mul3A_56 : vector<512x32xf32>
    %sub3A_66 = arith.subf %mul3A_64, %mul3A_65 : vector<512x32xf32>
    %concatenate3A = tpu.concatenate %sin3A, %cos3A, %mul3A_56, %sub3A_59, %mul3A_63, %sub3A_66 in 1 : vector<512x32xf32>, vector<512x32xf32>, vector<512x32xf32>, vector<512x32xf32>, vector<512x32xf32>, vector<512x32xf32> -> vector<512x192xf32>
    %get3A_67 = arith.constant 0 : index
    %get3A_68 = arith.constant 0 : index
    %get3A_69 = vector.load %arg5[%get3A_67, %get3A_68] : memref<192x32xf32, #tpu.memory_space<vmem>>, vector<192x32xf32>
    %dot_general3A_70 = arith.constant dense<0.000000e+00> : vector<512x32xf32>
    %dot_general3A_71 = tpu.matmul %concatenate3A, %get3A_69, %dot_general3A_70 {dimension_numbers = #tpu.dot_dimension_numbers<[1], [0], [0], [1], [0, 0, 1, 1], [], []>, transpose_lhs_hint = false} : vector<512x192xf32>, vector<192x32xf32>, vector<512x32xf32> -> vector<512x32xf32>
    %get3A_72 = arith.constant 0 : index
    %get3A_73 = arith.constant 0 : index
    %get3A_74 = vector.load %arg6[%get3A_72, %get3A_73] : memref<1x32xf32, #tpu.memory_space<vmem>>, vector<1x32xf32>
    %add3A_75 = vector.broadcast %get3A_74 : vector<1x32xf32> to vector<512x32xf32>
    %add3A_76 = arith.addf %dot_general3A_71, %add3A_75 : vector<512x32xf32>
    %mul3A_77 = arith.constant 512 : i32
    %mul3A_78 = arith.muli %arg0, %mul3A_77 : i32
    %iota3A = tpu.iota {dimensions = array<i32: 0>} : vector<512x1xi32>
    %add3A_79 = vector.broadcast %mul3A_78 : i32 to vector<512x1xi32>
    %add3A_80 = arith.addi %add3A_79, %iota3A : vector<512x1xi32>
    %lt3A = arith.constant 60000 : i32
    %lt3A_81 = vector.broadcast %lt3A : i32 to vector<512x1xi32>
    %lt3A_82 = arith.cmpi slt, %add3A_80, %lt3A_81 : vector<512x1xi32>
    %convert_element_type3A = arith.extui %lt3A_82 : vector<512x1xi1> to vector<512x1xi32>
    %convert_element_type3A_83 = arith.sitofp %convert_element_type3A : vector<512x1xi32> to vector<512x1xf32>
    %mul3A_84 = vector.broadcast %convert_element_type3A_83 : vector<512x1xf32> to vector<512x32xf32>
    %mul3A_85 = arith.mulf %add3A_76, %mul3A_84 : vector<512x32xf32>
    %broadcast_in_dim3A_86 = arith.constant 0.000000e+00 : f32
    %broadcast_in_dim3A_87 = vector.broadcast %broadcast_in_dim3A_86 : f32 to vector<512x15xf32>
    %concatenate3A_88 = tpu.concatenate %mul3A_85, %convert_element_type3A_83, %broadcast_in_dim3A_87 in 1 : vector<512x32xf32>, vector<512x1xf32>, vector<512x15xf32> -> vector<512x48xf32>
    %swap3A = arith.constant 0 : index
    %swap3A_89 = arith.constant 0 : index
    %swap3A_90 = vector.load %arg10[%swap3A, %swap3A_89] : memref<512x48xf32, #tpu.memory_space<vmem>>, vector<512x48xf32>
    tpu.vector_store %arg10[%swap3A, %swap3A_89], %concatenate3A_88 {strides = array<i32>} : memref<512x48xf32, #tpu.memory_space<vmem>>, vector<512x48xf32>,
    return
  }
  func.func @transform_0(%arg0: i32) -> (i32, i32) {
    %c0_i32 = arith.constant 0 : i32
    %c0_i32_0 = arith.constant 0 : i32
    return %arg0, %c0_i32 : i32, i32
  }
  func.func @transform_1(%arg0: i32) -> (i32, i32) {
    %add3A = arith.constant 120 : i32
    %add3A_0 = arith.addi %arg0, %add3A : i32
    %c0_i32 = arith.constant 0 : i32
    %c0_i32_1 = arith.constant 0 : i32
    return %add3A_0, %c0_i32 : i32, i32
  }
  func.func @transform_2(%arg0: i32) -> (i32, i32) {
    %c0_i32 = arith.constant 0 : i32
    %c0_i32_0 = arith.constant 0 : i32
    %c0_i32_1 = arith.constant 0 : i32
    return %c0_i32, %c0_i32_0 : i32, i32
  }
  func.func @transform_3(%arg0: i32) -> (i32, i32) {
    %c0_i32 = arith.constant 0 : i32
    %c0_i32_0 = arith.constant 0 : i32
    %c0_i32_1 = arith.constant 0 : i32
    return %c0_i32, %c0_i32_0 : i32, i32
  }
  func.func @transform_4(%arg0: i32) -> (i32, i32) {
    %c0_i32 = arith.constant 0 : i32
    %c0_i32_0 = arith.constant 0 : i32
    %c0_i32_1 = arith.constant 0 : i32
    return %c0_i32, %c0_i32_0 : i32, i32
  }
  func.func @transform_5(%arg0: i32) -> (i32, i32) {
    %c0_i32 = arith.constant 0 : i32
    %c0_i32_0 = arith.constant 0 : i32
    %c0_i32_1 = arith.constant 0 : i32
    return %c0_i32, %c0_i32_0 : i32, i32
  }
  func.func @transform_6(%arg0: i32) -> (i32, i32) {
    %c0_i32 = arith.constant 0 : i32
    %c0_i32_0 = arith.constant 0 : i32
    %c0_i32_1 = arith.constant 0 : i32
    return %c0_i32, %c0_i32_0 : i32, i32
  }
  func.func @transform_7(%arg0: i32) -> (i32, i32) {
    %c0_i32 = arith.constant 0 : i32
    %c0_i32_0 = arith.constant 0 : i32
    %c0_i32_1 = arith.constant 0 : i32
    return %c0_i32, %c0_i32_0 : i32, i32
  }
  func.func @transform_8(%arg0: i32) -> (i32, i32) {
    %c0_i32 = arith.constant 0 : i32
    %c0_i32_0 = arith.constant 0 : i32
    %c0_i32_1 = arith.constant 0 : i32
    return %c0_i32, %c0_i32_0 : i32, i32
  }
  func.func @transform_9(%arg0: i32) -> (i32, i32) {
    %c0_i32 = arith.constant 0 : i32
    %c0_i32_0 = arith.constant 0 : i32
    return %arg0, %c0_i32 : i32, i32
  }
}

module attributes {stable_mosaic.version = 14 : i64} {
  func.func @body(%arg0: i32, %arg1: memref<800x32xf32, #tpu.memory_space<vmem>>, %arg2: memref<8x32xf32, #tpu.memory_space<vmem>>, %arg3: memref<1x32xf32, #tpu.memory_space<vmem>>, %arg4: memref<1x32xf32, #tpu.memory_space<vmem>>, %arg5: memref<2x800x48xf32, #tpu.memory_space<vmem>>, %arg6: memref<64x128xf32, #tpu.memory_space<vmem>>, %arg7: memref<1x128xf32, #tpu.memory_space<vmem>>, %arg8: memref<128x32xf32, #tpu.memory_space<vmem>>, %arg9: memref<1x32xf32, #tpu.memory_space<vmem>>, %arg10: memref<800x32xf32, #tpu.memory_space<vmem>>, %arg11: memref<8x32xf32, #tpu.memory_space<vmem>>) attributes {dimension_semantics = [#tpu.dimension_semantics<arbitrary>], iteration_bounds = array<i64: 25>, scalar_prefetch = 0 : i64, scratch_operands = 0 : i64, tpu.core_type = #tpu.core_type<tc>, window_params = [{transform_indices = @transform_0, window_bounds = array<i64: 800, 32>}, {pipeline_mode = #tpu.pipeline_mode<synchronous>, transform_indices = @transform_1, window_bounds = array<i64: 8, 32>}, {pipeline_mode = #tpu.pipeline_mode<synchronous>, transform_indices = @transform_2, window_bounds = array<i64: 1, 32>}, {pipeline_mode = #tpu.pipeline_mode<synchronous>, transform_indices = @transform_3, window_bounds = array<i64: 1, 32>}, {transform_indices = @transform_4, window_bounds = array<i64: 2, 800, 48>}, {pipeline_mode = #tpu.pipeline_mode<synchronous>, transform_indices = @transform_5, window_bounds = array<i64: 64, 128>}, {pipeline_mode = #tpu.pipeline_mode<synchronous>, transform_indices = @transform_6, window_bounds = array<i64: 1, 128>}, {pipeline_mode = #tpu.pipeline_mode<synchronous>, transform_indices = @transform_7, window_bounds = array<i64: 128, 32>}, {pipeline_mode = #tpu.pipeline_mode<synchronous>, transform_indices = @transform_8, window_bounds = array<i64: 1, 32>}, {transform_indices = @transform_9, window_bounds = array<i64: 800, 32>}, {pipeline_mode = #tpu.pipeline_mode<synchronous>, transform_indices = @transform_10, window_bounds = array<i64: 8, 32>}]} {
    %get3A = arith.constant 0 : index
    %get3A_0 = arith.constant 0 : index
    %get3A_1 = vector.load %arg1[%get3A, %get3A_0] : memref<800x32xf32, #tpu.memory_space<vmem>>, vector<800x32xf32>
    %get3A_2 = arith.constant 0 : index
    %get3A_3 = arith.constant 0 : index
    %get3A_4 = vector.load %arg2[%get3A_2, %get3A_3] : memref<8x32xf32, #tpu.memory_space<vmem>>, vector<1x32xf32>
    %mul3A = arith.constant 5.000000e-05 : f32
    %mul3A_5 = vector.broadcast %mul3A : f32 to vector<1x32xf32>
    %mul3A_6 = arith.mulf %get3A_4, %mul3A_5 : vector<1x32xf32>
    %get3A_7 = arith.constant 1 : index
    %get3A_8 = arith.constant 0 : index
    %get3A_9 = vector.load %arg2[%get3A_7, %get3A_8] : memref<8x32xf32, #tpu.memory_space<vmem>>, vector<1x32xf32>
    %mul3A_10 = arith.constant 5.000000e-05 : f32
    %mul3A_11 = vector.broadcast %mul3A_10 : f32 to vector<1x32xf32>
    %mul3A_12 = arith.mulf %get3A_9, %mul3A_11 : vector<1x32xf32>
    %mul3A_13 = arith.mulf %mul3A_6, %mul3A_6 : vector<1x32xf32>
    %sub3A = arith.subf %mul3A_12, %mul3A_13 : vector<1x32xf32>
    %get3A_14 = arith.constant 0 : index
    %get3A_15 = arith.constant 0 : index
    %get3A_16 = vector.load %arg3[%get3A_14, %get3A_15] : memref<1x32xf32, #tpu.memory_space<vmem>>, vector<1x32xf32>
    %add3A = arith.constant 9.99999974E-6 : f32
    %add3A_17 = vector.broadcast %add3A : f32 to vector<1x32xf32>
    %add3A_18 = arith.addf %sub3A, %add3A_17 : vector<1x32xf32>
    %rsqrt3A = math.rsqrt %add3A_18 : vector<1x32xf32>
    %mul3A_19 = arith.mulf %get3A_16, %rsqrt3A : vector<1x32xf32>
    %get3A_20 = arith.constant 0 : index
    %get3A_21 = arith.constant 0 : index
    %get3A_22 = vector.load %arg4[%get3A_20, %get3A_21] : memref<1x32xf32, #tpu.memory_space<vmem>>, vector<1x32xf32>
    %mul3A_23 = arith.mulf %mul3A_6, %mul3A_19 : vector<1x32xf32>
    %sub3A_24 = arith.subf %get3A_22, %mul3A_23 : vector<1x32xf32>
    %mul3A_25 = vector.broadcast %mul3A_19 : vector<1x32xf32> to vector<800x32xf32>
    %mul3A_26 = arith.mulf %get3A_1, %mul3A_25 : vector<800x32xf32>
    %add3A_27 = vector.broadcast %sub3A_24 : vector<1x32xf32> to vector<800x32xf32>
    %add3A_28 = arith.addf %mul3A_26, %add3A_27 : vector<800x32xf32>
    %max3A = arith.constant 0.000000e+00 : f32
    %max3A_29 = vector.broadcast %max3A : f32 to vector<800x32xf32>
    %max3A_30 = arith.maximumf %add3A_28, %max3A_29 : vector<800x32xf32>
    %get3A_31 = arith.constant 0 : index
    %get3A_32 = arith.constant 0 : index
    %get3A_33 = arith.constant 0 : index
    %get3A_34 = vector.load %arg5[%get3A_31, %get3A_32, %get3A_33] : memref<2x800x48xf32, #tpu.memory_space<vmem>>, vector<1x800x32xf32>
    %get3A_35 = vector.shape_cast %get3A_34 : vector<1x800x32xf32> to vector<800x32xf32>
    %get3A_36 = arith.constant 1 : index
    %get3A_37 = arith.constant 0 : index
    %get3A_38 = arith.constant 0 : index
    %get3A_39 = vector.load %arg5[%get3A_36, %get3A_37, %get3A_38] : memref<2x800x48xf32, #tpu.memory_space<vmem>>, vector<1x800x32xf32>
    %get3A_40 = vector.shape_cast %get3A_39 : vector<1x800x32xf32> to vector<800x32xf32>
    %add3A_41 = arith.addf %get3A_35, %get3A_40 : vector<800x32xf32>
    %get3A_42 = arith.constant 0 : index
    %get3A_43 = arith.constant 0 : index
    %get3A_44 = arith.constant 32 : index
    %get3A_45 = vector.load %arg5[%get3A_42, %get3A_43, %get3A_44] : memref<2x800x48xf32, #tpu.memory_space<vmem>>, vector<1x800x1xf32>
    %get3A_46 = vector.shape_cast %get3A_45 : vector<1x800x1xf32> to vector<800x1xf32>
    %get3A_47 = arith.constant 1 : index
    %get3A_48 = arith.constant 0 : index
    %get3A_49 = arith.constant 32 : index
    %get3A_50 = vector.load %arg5[%get3A_47, %get3A_48, %get3A_49] : memref<2x800x48xf32, #tpu.memory_space<vmem>>, vector<1x800x1xf32>
    %get3A_51 = vector.shape_cast %get3A_50 : vector<1x800x1xf32> to vector<800x1xf32>
    %add3A_52 = arith.addf %get3A_46, %get3A_51 : vector<800x1xf32>
    %max3A_53 = arith.constant 1.000000e+00 : f32
    %max3A_54 = vector.broadcast %max3A_53 : f32 to vector<800x1xf32>
    %max3A_55 = arith.maximumf %add3A_52, %max3A_54 : vector<800x1xf32>
    %div3A = vector.broadcast %max3A_55 : vector<800x1xf32> to vector<800x32xf32>
    %div3A_56 = arith.divf %add3A_41, %div3A : vector<800x32xf32>
    %concatenate3A = tpu.concatenate %max3A_30, %div3A_56 in 1 : vector<800x32xf32>, vector<800x32xf32> -> vector<800x64xf32>
    %get3A_57 = arith.constant 0 : index
    %get3A_58 = arith.constant 0 : index
    %get3A_59 = vector.load %arg6[%get3A_57, %get3A_58] : memref<64x128xf32, #tpu.memory_space<vmem>>, vector<64x128xf32>
    %dot_general3A = arith.constant dense<0.000000e+00> : vector<800x128xf32>
    %dot_general3A_60 = tpu.matmul %concatenate3A, %get3A_59, %dot_general3A {dimension_numbers = #tpu.dot_dimension_numbers<[1], [0], [0], [1], [0, 0, 1, 1], [], []>, transpose_lhs_hint = false} : vector<800x64xf32>, vector<64x128xf32>, vector<800x128xf32> -> vector<800x128xf32>
    %get3A_61 = arith.constant 0 : index
    %get3A_62 = arith.constant 0 : index
    %get3A_63 = vector.load %arg7[%get3A_61, %get3A_62] : memref<1x128xf32, #tpu.memory_space<vmem>>, vector<1x128xf32>
    %add3A_64 = vector.broadcast %get3A_63 : vector<1x128xf32> to vector<800x128xf32>
    %add3A_65 = arith.addf %dot_general3A_60, %add3A_64 : vector<800x128xf32>
    %max3A_66 = arith.constant 0.000000e+00 : f32
    %max3A_67 = vector.broadcast %max3A_66 : f32 to vector<800x128xf32>
    %max3A_68 = arith.maximumf %add3A_65, %max3A_67 : vector<800x128xf32>
    %get3A_69 = arith.constant 0 : index
    %get3A_70 = arith.constant 0 : index
    %get3A_71 = vector.load %arg8[%get3A_69, %get3A_70] : memref<128x32xf32, #tpu.memory_space<vmem>>, vector<128x32xf32>
    %dot_general3A_72 = arith.constant dense<0.000000e+00> : vector<800x32xf32>
    %dot_general3A_73 = tpu.matmul %max3A_68, %get3A_71, %dot_general3A_72 {dimension_numbers = #tpu.dot_dimension_numbers<[1], [0], [0], [1], [0, 0, 1, 1], [], []>, transpose_lhs_hint = false} : vector<800x128xf32>, vector<128x32xf32>, vector<800x32xf32> -> vector<800x32xf32>
    %get3A_74 = arith.constant 0 : index
    %get3A_75 = arith.constant 0 : index
    %get3A_76 = vector.load %arg9[%get3A_74, %get3A_75] : memref<1x32xf32, #tpu.memory_space<vmem>>, vector<1x32xf32>
    %add3A_77 = vector.broadcast %get3A_76 : vector<1x32xf32> to vector<800x32xf32>
    %add3A_78 = arith.addf %dot_general3A_73, %add3A_77 : vector<800x32xf32>
    %swap3A = arith.constant 0 : index
    %swap3A_79 = arith.constant 0 : index
    %swap3A_80 = vector.load %arg10[%swap3A, %swap3A_79] : memref<800x32xf32, #tpu.memory_space<vmem>>, vector<800x32xf32>
    tpu.vector_store %arg10[%swap3A, %swap3A_79], %add3A_78 {strides = array<i32>} : memref<800x32xf32, #tpu.memory_space<vmem>>, vector<800x32xf32>,
    %reduce_sum3A = arith.constant dense<0.000000e+00> : vector<32xf32>
    %reduce_sum3A_81 = vector.multi_reduction <add>, %add3A_78, %reduce_sum3A [0] : vector<800x32xf32> to vector<32xf32>
    %broadcast_in_dim3A = vector.shape_cast %reduce_sum3A_81 : vector<32xf32> to vector<1x32xf32>
    %mul3A_82 = arith.mulf %add3A_78, %add3A_78 : vector<800x32xf32>
    %reduce_sum3A_83 = arith.constant dense<0.000000e+00> : vector<32xf32>
    %reduce_sum3A_84 = vector.multi_reduction <add>, %mul3A_82, %reduce_sum3A_83 [0] : vector<800x32xf32> to vector<32xf32>
    %broadcast_in_dim3A_85 = vector.shape_cast %reduce_sum3A_84 : vector<32xf32> to vector<1x32xf32>
    %eq3A = arith.constant 0 : i32
    %eq3A_86 = arith.cmpi eq, %arg0, %eq3A : i32
    %convert_element_type3A = arith.extui %eq3A_86 : i1 to i32
    %cond3A = arith.constant 0 : i32
    %cond3A_87 = arith.cmpi ne, %convert_element_type3A, %cond3A : i32
    scf.if %cond3A_87 {
      %broadcast_in_dim3A_102 = arith.constant 0.000000e+00 : f32
      %broadcast_in_dim3A_103 = vector.broadcast %broadcast_in_dim3A_102 : f32 to vector<8x32xf32>
      %swap3A_104 = arith.constant 0 : index
      %swap3A_105 = arith.constant 0 : index
      %swap3A_106 = vector.load %arg11[%swap3A_104, %swap3A_105] : memref<8x32xf32, #tpu.memory_space<vmem>>, vector<8x32xf32>
      tpu.vector_store %arg11[%swap3A_104, %swap3A_105], %broadcast_in_dim3A_103 {strides = array<i32>} : memref<8x32xf32, #tpu.memory_space<vmem>>, vector<8x32xf32>,
    } else {
    }
    %get3A_88 = arith.constant 0 : index
    %get3A_89 = arith.constant 0 : index
    %get3A_90 = vector.load %arg11[%get3A_88, %get3A_89] : memref<8x32xf32, #tpu.memory_space<vmem>>, vector<1x32xf32>
    %add3A_91 = arith.addf %get3A_90, %broadcast_in_dim3A : vector<1x32xf32>
    %swap3A_92 = arith.constant 0 : index
    %swap3A_93 = arith.constant 0 : index
    %swap3A_94 = vector.load %arg11[%swap3A_92, %swap3A_93] : memref<8x32xf32, #tpu.memory_space<vmem>>, vector<1x32xf32>
    tpu.vector_store %arg11[%swap3A_92, %swap3A_93], %add3A_91 {strides = array<i32>} : memref<8x32xf32, #tpu.memory_space<vmem>>, vector<1x32xf32>,
    %get3A_95 = arith.constant 1 : index
    %get3A_96 = arith.constant 0 : index
    %get3A_97 = vector.load %arg11[%get3A_95, %get3A_96] : memref<8x32xf32, #tpu.memory_space<vmem>>, vector<1x32xf32>
    %add3A_98 = arith.addf %get3A_97, %broadcast_in_dim3A_85 : vector<1x32xf32>
    %swap3A_99 = arith.constant 1 : index
    %swap3A_100 = arith.constant 0 : index
    %swap3A_101 = vector.load %arg11[%swap3A_99, %swap3A_100] : memref<8x32xf32, #tpu.memory_space<vmem>>, vector<1x32xf32>
    tpu.vector_store %arg11[%swap3A_99, %swap3A_100], %add3A_98 {strides = array<i32>} : memref<8x32xf32, #tpu.memory_space<vmem>>, vector<1x32xf32>,
    return
  }
  func.func @transform_0(%arg0: i32) -> (i32, i32) {
    %c0_i32 = arith.constant 0 : i32
    %c0_i32_0 = arith.constant 0 : i32
    return %arg0, %c0_i32 : i32, i32
  }
  func.func @transform_1(%arg0: i32) -> (i32, i32) {
    %c0_i32 = arith.constant 0 : i32
    %c0_i32_0 = arith.constant 0 : i32
    %c0_i32_1 = arith.constant 0 : i32
    return %c0_i32, %c0_i32_0 : i32, i32
  }
  func.func @transform_2(%arg0: i32) -> (i32, i32) {
    %c0_i32 = arith.constant 0 : i32
    %c0_i32_0 = arith.constant 0 : i32
    %c0_i32_1 = arith.constant 0 : i32
    return %c0_i32, %c0_i32_0 : i32, i32
  }
  func.func @transform_3(%arg0: i32) -> (i32, i32) {
    %c0_i32 = arith.constant 0 : i32
    %c0_i32_0 = arith.constant 0 : i32
    %c0_i32_1 = arith.constant 0 : i32
    return %c0_i32, %c0_i32_0 : i32, i32
  }
  func.func @transform_4(%arg0: i32) -> (i32, i32, i32) {
    %c0_i32 = arith.constant 0 : i32
    %c0_i32_0 = arith.constant 0 : i32
    %c0_i32_1 = arith.constant 0 : i32
    return %c0_i32, %arg0, %c0_i32_0 : i32, i32, i32
  }
  func.func @transform_5(%arg0: i32) -> (i32, i32) {
    %c0_i32 = arith.constant 0 : i32
    %c0_i32_0 = arith.constant 0 : i32
    %c0_i32_1 = arith.constant 0 : i32
    return %c0_i32, %c0_i32_0 : i32, i32
  }
  func.func @transform_6(%arg0: i32) -> (i32, i32) {
    %c0_i32 = arith.constant 0 : i32
    %c0_i32_0 = arith.constant 0 : i32
    %c0_i32_1 = arith.constant 0 : i32
    return %c0_i32, %c0_i32_0 : i32, i32
  }
  func.func @transform_7(%arg0: i32) -> (i32, i32) {
    %c0_i32 = arith.constant 0 : i32
    %c0_i32_0 = arith.constant 0 : i32
    %c0_i32_1 = arith.constant 0 : i32
    return %c0_i32, %c0_i32_0 : i32, i32
  }
  func.func @transform_8(%arg0: i32) -> (i32, i32) {
    %c0_i32 = arith.constant 0 : i32
    %c0_i32_0 = arith.constant 0 : i32
    %c0_i32_1 = arith.constant 0 : i32
    return %c0_i32, %c0_i32_0 : i32, i32
  }
  func.func @transform_9(%arg0: i32) -> (i32, i32) {
    %c0_i32 = arith.constant 0 : i32
    %c0_i32_0 = arith.constant 0 : i32
    return %arg0, %c0_i32 : i32, i32
  }
  func.func @transform_10(%arg0: i32) -> (i32, i32) {
    %c0_i32 = arith.constant 0 : i32
    %c0_i32_0 = arith.constant 0 : i32
    %c0_i32_1 = arith.constant 0 : i32
    return %c0_i32, %c0_i32_0 : i32, i32
  }
}

module attributes {stable_mosaic.version = 14 : i64} {
  func.func @_poolpre_body(%arg0: i32, %arg1: memref<800x32xf32, #tpu.memory_space<vmem>>, %arg2: memref<8x32xf32, #tpu.memory_space<vmem>>, %arg3: memref<1x32xf32, #tpu.memory_space<vmem>>, %arg4: memref<1x32xf32, #tpu.memory_space<vmem>>, %arg5: memref<1x32xf32, #tpu.memory_space<vmem>>, %arg6: memref<1x1xf32, #tpu.memory_space<vmem>>, %arg7: memref<32x32xf32, #tpu.memory_space<vmem>>, %arg8: memref<1x32xf32, #tpu.memory_space<vmem>>, %arg9: memref<800x48xf32, #tpu.memory_space<vmem>>) attributes {dimension_semantics = [#tpu.dimension_semantics<arbitrary>], iteration_bounds = array<i64: 25>, scalar_prefetch = 0 : i64, scratch_operands = 0 : i64, tpu.core_type = #tpu.core_type<tc>, window_params = [{transform_indices = @transform_0, window_bounds = array<i64: 800, 32>}, {pipeline_mode = #tpu.pipeline_mode<synchronous>, transform_indices = @transform_1, window_bounds = array<i64: 8, 32>}, {pipeline_mode = #tpu.pipeline_mode<synchronous>, transform_indices = @transform_2, window_bounds = array<i64: 1, 32>}, {pipeline_mode = #tpu.pipeline_mode<synchronous>, transform_indices = @transform_3, window_bounds = array<i64: 1, 32>}, {pipeline_mode = #tpu.pipeline_mode<synchronous>, transform_indices = @transform_4, window_bounds = array<i64: 1, 32>}, {pipeline_mode = #tpu.pipeline_mode<synchronous>, transform_indices = @transform_5, window_bounds = array<i64: 1, 1>}, {pipeline_mode = #tpu.pipeline_mode<synchronous>, transform_indices = @transform_6, window_bounds = array<i64: 32, 32>}, {pipeline_mode = #tpu.pipeline_mode<synchronous>, transform_indices = @transform_7, window_bounds = array<i64: 1, 32>}, {transform_indices = @transform_8, window_bounds = array<i64: 800, 48>}]} {
    %get3A = arith.constant 0 : index
    %get3A_0 = arith.constant 0 : index
    %get3A_1 = vector.load %arg2[%get3A, %get3A_0] : memref<8x32xf32, #tpu.memory_space<vmem>>, vector<1x32xf32>
    %mul3A = arith.constant 5.000000e-05 : f32
    %mul3A_2 = vector.broadcast %mul3A : f32 to vector<1x32xf32>
    %mul3A_3 = arith.mulf %get3A_1, %mul3A_2 : vector<1x32xf32>
    %get3A_4 = arith.constant 1 : index
    %get3A_5 = arith.constant 0 : index
    %get3A_6 = vector.load %arg2[%get3A_4, %get3A_5] : memref<8x32xf32, #tpu.memory_space<vmem>>, vector<1x32xf32>
    %mul3A_7 = arith.constant 5.000000e-05 : f32
    %mul3A_8 = vector.broadcast %mul3A_7 : f32 to vector<1x32xf32>
    %mul3A_9 = arith.mulf %get3A_6, %mul3A_8 : vector<1x32xf32>
    %mul3A_10 = arith.mulf %mul3A_3, %mul3A_3 : vector<1x32xf32>
    %sub3A = arith.subf %mul3A_9, %mul3A_10 : vector<1x32xf32>
    %get3A_11 = arith.constant 0 : index
    %get3A_12 = arith.constant 0 : index
    %get3A_13 = vector.load %arg3[%get3A_11, %get3A_12] : memref<1x32xf32, #tpu.memory_space<vmem>>, vector<1x32xf32>
    %add3A = arith.constant 9.99999974E-6 : f32
    %add3A_14 = vector.broadcast %add3A : f32 to vector<1x32xf32>
    %add3A_15 = arith.addf %sub3A, %add3A_14 : vector<1x32xf32>
    %rsqrt3A = math.rsqrt %add3A_15 : vector<1x32xf32>
    %mul3A_16 = arith.mulf %get3A_13, %rsqrt3A : vector<1x32xf32>
    %get3A_17 = arith.constant 0 : index
    %get3A_18 = arith.constant 0 : index
    %get3A_19 = vector.load %arg4[%get3A_17, %get3A_18] : memref<1x32xf32, #tpu.memory_space<vmem>>, vector<1x32xf32>
    %mul3A_20 = arith.mulf %mul3A_3, %mul3A_16 : vector<1x32xf32>
    %sub3A_21 = arith.subf %get3A_19, %mul3A_20 : vector<1x32xf32>
    %get3A_22 = arith.constant 0 : index
    %get3A_23 = arith.constant 0 : index
    %get3A_24 = vector.load %arg1[%get3A_22, %get3A_23] : memref<800x32xf32, #tpu.memory_space<vmem>>, vector<800x32xf32>
    %mul3A_25 = vector.broadcast %mul3A_16 : vector<1x32xf32> to vector<800x32xf32>
    %mul3A_26 = arith.mulf %get3A_24, %mul3A_25 : vector<800x32xf32>
    %add3A_27 = vector.broadcast %sub3A_21 : vector<1x32xf32> to vector<800x32xf32>
    %add3A_28 = arith.addf %mul3A_26, %add3A_27 : vector<800x32xf32>
    %max3A = arith.constant 0.000000e+00 : f32
    %max3A_29 = vector.broadcast %max3A : f32 to vector<800x32xf32>
    %max3A_30 = arith.maximumf %add3A_28, %max3A_29 : vector<800x32xf32>
    %get3A_31 = arith.constant 0 : index
    %get3A_32 = arith.constant 0 : index
    %get3A_33 = vector.load %arg5[%get3A_31, %get3A_32] : memref<1x32xf32, #tpu.memory_space<vmem>>, vector<1x32xf32>
    %mul3A_34 = vector.broadcast %get3A_33 : vector<1x32xf32> to vector<800x32xf32>
    %mul3A_35 = arith.mulf %max3A_30, %mul3A_34 : vector<800x32xf32>
    %reduce_sum3A = arith.constant dense<0.000000e+00> : vector<800xf32>
    %reduce_sum3A_36 = vector.multi_reduction <add>, %mul3A_35, %reduce_sum3A [1] : vector<800x32xf32> to vector<800xf32>
    %broadcast_in_dim3A = vector.shape_cast %reduce_sum3A_36 : vector<800xf32> to vector<800x1xf32>
    %get3A_37 = arith.constant 0 : index
    %get3A_38 = arith.constant 0 : index
    %get3A_39 = vector.load %arg6[%get3A_37, %get3A_38] : memref<1x1xf32, #tpu.memory_space<vmem>>, vector<1x1xf32>
    %get3A_40 = vector.extract %get3A_39[0, 0] : f32 from vector<1x1xf32>
    %add3A_41 = vector.broadcast %get3A_40 : f32 to vector<800x1xf32>
    %add3A_42 = arith.addf %broadcast_in_dim3A, %add3A_41 : vector<800x1xf32>
    %neg3A = arith.constant 0.000000e+00 : f32
    %neg3A_43 = vector.broadcast %neg3A : f32 to vector<800x1xf32>
    %neg3A_44 = arith.subf %neg3A_43, %add3A_42 : vector<800x1xf32>
    %exp3A = math.exp %neg3A_44 : vector<800x1xf32>
    %add3A_45 = arith.constant 1.000000e+00 : f32
    %add3A_46 = vector.broadcast %add3A_45 : f32 to vector<800x1xf32>
    %add3A_47 = arith.addf %add3A_46, %exp3A : vector<800x1xf32>
    %div3A = arith.constant 1.000000e+00 : f32
    %div3A_48 = vector.broadcast %div3A : f32 to vector<800x1xf32>
    %div3A_49 = arith.divf %div3A_48, %add3A_47 : vector<800x1xf32>
    %exp3A_50 = math.exp %div3A_49 : vector<800x1xf32>
    %get3A_51 = arith.constant 0 : index
    %get3A_52 = arith.constant 0 : index
    %get3A_53 = vector.load %arg7[%get3A_51, %get3A_52] : memref<32x32xf32, #tpu.memory_space<vmem>>, vector<32x32xf32>
    %dot_general3A = arith.constant dense<0.000000e+00> : vector<800x32xf32>
    %dot_general3A_54 = tpu.matmul %max3A_30, %get3A_53, %dot_general3A {dimension_numbers = #tpu.dot_dimension_numbers<[1], [0], [0], [1], [0, 0, 1, 1], [], []>, transpose_lhs_hint = false} : vector<800x32xf32>, vector<32x32xf32>, vector<800x32xf32> -> vector<800x32xf32>
    %get3A_55 = arith.constant 0 : index
    %get3A_56 = arith.constant 0 : index
    %get3A_57 = vector.load %arg8[%get3A_55, %get3A_56] : memref<1x32xf32, #tpu.memory_space<vmem>>, vector<1x32xf32>
    %add3A_58 = vector.broadcast %get3A_57 : vector<1x32xf32> to vector<800x32xf32>
    %add3A_59 = arith.addf %dot_general3A_54, %add3A_58 : vector<800x32xf32>
    %max3A_60 = arith.constant 0.000000e+00 : f32
    %max3A_61 = vector.broadcast %max3A_60 : f32 to vector<800x32xf32>
    %max3A_62 = arith.maximumf %add3A_59, %max3A_61 : vector<800x32xf32>
    %mul3A_63 = vector.broadcast %exp3A_50 : vector<800x1xf32> to vector<800x32xf32>
    %mul3A_64 = arith.mulf %mul3A_63, %max3A_62 : vector<800x32xf32>
    %broadcast_in_dim3A_65 = arith.constant 0.000000e+00 : f32
    %broadcast_in_dim3A_66 = vector.broadcast %broadcast_in_dim3A_65 : f32 to vector<800x15xf32>
    %concatenate3A = tpu.concatenate %mul3A_64, %exp3A_50, %broadcast_in_dim3A_66 in 1 : vector<800x32xf32>, vector<800x1xf32>, vector<800x15xf32> -> vector<800x48xf32>
    %swap3A = arith.constant 0 : index
    %swap3A_67 = arith.constant 0 : index
    %swap3A_68 = vector.load %arg9[%swap3A, %swap3A_67] : memref<800x48xf32, #tpu.memory_space<vmem>>, vector<800x48xf32>
    tpu.vector_store %arg9[%swap3A, %swap3A_67], %concatenate3A {strides = array<i32>} : memref<800x48xf32, #tpu.memory_space<vmem>>, vector<800x48xf32>,
    return
  }
  func.func @transform_0(%arg0: i32) -> (i32, i32) {
    %c0_i32 = arith.constant 0 : i32
    %c0_i32_0 = arith.constant 0 : i32
    return %arg0, %c0_i32 : i32, i32
  }
  func.func @transform_1(%arg0: i32) -> (i32, i32) {
    %c0_i32 = arith.constant 0 : i32
    %c0_i32_0 = arith.constant 0 : i32
    %c0_i32_1 = arith.constant 0 : i32
    return %c0_i32, %c0_i32_0 : i32, i32
  }
  func.func @transform_2(%arg0: i32) -> (i32, i32) {
    %c0_i32 = arith.constant 0 : i32
    %c0_i32_0 = arith.constant 0 : i32
    %c0_i32_1 = arith.constant 0 : i32
    return %c0_i32, %c0_i32_0 : i32, i32
  }
  func.func @transform_3(%arg0: i32) -> (i32, i32) {
    %c0_i32 = arith.constant 0 : i32
    %c0_i32_0 = arith.constant 0 : i32
    %c0_i32_1 = arith.constant 0 : i32
    return %c0_i32, %c0_i32_0 : i32, i32
  }
  func.func @transform_4(%arg0: i32) -> (i32, i32) {
    %c0_i32 = arith.constant 0 : i32
    %c0_i32_0 = arith.constant 0 : i32
    %c0_i32_1 = arith.constant 0 : i32
    return %c0_i32, %c0_i32_0 : i32, i32
  }
  func.func @transform_5(%arg0: i32) -> (i32, i32) {
    %c0_i32 = arith.constant 0 : i32
    %c0_i32_0 = arith.constant 0 : i32
    %c0_i32_1 = arith.constant 0 : i32
    return %c0_i32, %c0_i32_0 : i32, i32
  }
  func.func @transform_6(%arg0: i32) -> (i32, i32) {
    %c0_i32 = arith.constant 0 : i32
    %c0_i32_0 = arith.constant 0 : i32
    %c0_i32_1 = arith.constant 0 : i32
    return %c0_i32, %c0_i32_0 : i32, i32
  }
  func.func @transform_7(%arg0: i32) -> (i32, i32) {
    %c0_i32 = arith.constant 0 : i32
    %c0_i32_0 = arith.constant 0 : i32
    %c0_i32_1 = arith.constant 0 : i32
    return %c0_i32, %c0_i32_0 : i32, i32
  }
  func.func @transform_8(%arg0: i32) -> (i32, i32) {
    %c0_i32 = arith.constant 0 : i32
    %c0_i32_0 = arith.constant 0 : i32
    return %arg0, %c0_i32 : i32, i32
  }
}

module attributes {stable_mosaic.version = 14 : i64} {
  func.func @_final_body(%arg0: memref<2x512x48xf32, #tpu.memory_space<vmem>>, %arg1: memref<32x128xf32, #tpu.memory_space<vmem>>, %arg2: memref<1x128xf32, #tpu.memory_space<vmem>>, %arg3: memref<128x10xf32, #tpu.memory_space<vmem>>, %arg4: memref<1x10xf32, #tpu.memory_space<vmem>>, %arg5: memref<512x10xf32, #tpu.memory_space<vmem>>) attributes {dimension_semantics = [], scalar_prefetch = 0 : i64, scratch_operands = 0 : i64, tpu.core_type = #tpu.core_type<tc>} {
    %get3A = arith.constant 0 : index
    %get3A_0 = arith.constant 0 : index
    %get3A_1 = arith.constant 0 : index
    %get3A_2 = vector.load %arg0[%get3A, %get3A_0, %get3A_1] : memref<2x512x48xf32, #tpu.memory_space<vmem>>, vector<1x512x48xf32>
    %get3A_3 = vector.shape_cast %get3A_2 : vector<1x512x48xf32> to vector<512x48xf32>
    %get3A_4 = arith.constant 1 : index
    %get3A_5 = arith.constant 0 : index
    %get3A_6 = arith.constant 0 : index
    %get3A_7 = vector.load %arg0[%get3A_4, %get3A_5, %get3A_6] : memref<2x512x48xf32, #tpu.memory_space<vmem>>, vector<1x512x48xf32>
    %get3A_8 = vector.shape_cast %get3A_7 : vector<1x512x48xf32> to vector<512x48xf32>
    %add3A = arith.addf %get3A_3, %get3A_8 : vector<512x48xf32>
    %slice3A = vector.extract_strided_slice %add3A {offsets = [0, 0], sizes = [512, 32], strides = [1, 1]} : vector<512x48xf32> to vector<512x32xf32>
    %slice3A_9 = vector.extract_strided_slice %add3A {offsets = [0, 32], sizes = [512, 1], strides = [1, 1]} : vector<512x48xf32> to vector<512x1xf32>
    %max3A = arith.constant 1.000000e-16 : f32
    %max3A_10 = vector.broadcast %max3A : f32 to vector<512x1xf32>
    %max3A_11 = arith.maximumf %slice3A_9, %max3A_10 : vector<512x1xf32>
    %div3A = vector.broadcast %max3A_11 : vector<512x1xf32> to vector<512x32xf32>
    %div3A_12 = arith.divf %slice3A, %div3A : vector<512x32xf32>
    %get3A_13 = arith.constant 0 : index
    %get3A_14 = arith.constant 0 : index
    %get3A_15 = vector.load %arg1[%get3A_13, %get3A_14] : memref<32x128xf32, #tpu.memory_space<vmem>>, vector<32x128xf32>
    %dot_general3A = arith.constant dense<0.000000e+00> : vector<512x128xf32>
    %dot_general3A_16 = tpu.matmul %div3A_12, %get3A_15, %dot_general3A {dimension_numbers = #tpu.dot_dimension_numbers<[1], [0], [0], [1], [0, 0, 1, 1], [], []>, transpose_lhs_hint = false} : vector<512x32xf32>, vector<32x128xf32>, vector<512x128xf32> -> vector<512x128xf32>
    %get3A_17 = arith.constant 0 : index
    %get3A_18 = arith.constant 0 : index
    %get3A_19 = vector.load %arg2[%get3A_17, %get3A_18] : memref<1x128xf32, #tpu.memory_space<vmem>>, vector<1x128xf32>
    %add3A_20 = vector.broadcast %get3A_19 : vector<1x128xf32> to vector<512x128xf32>
    %add3A_21 = arith.addf %dot_general3A_16, %add3A_20 : vector<512x128xf32>
    %max3A_22 = arith.constant 0.000000e+00 : f32
    %max3A_23 = vector.broadcast %max3A_22 : f32 to vector<512x128xf32>
    %max3A_24 = arith.maximumf %add3A_21, %max3A_23 : vector<512x128xf32>
    %get3A_25 = arith.constant 0 : index
    %get3A_26 = arith.constant 0 : index
    %get3A_27 = vector.load %arg3[%get3A_25, %get3A_26] : memref<128x10xf32, #tpu.memory_space<vmem>>, vector<128x10xf32>
    %dot_general3A_28 = arith.constant dense<0.000000e+00> : vector<512x10xf32>
    %dot_general3A_29 = tpu.matmul %max3A_24, %get3A_27, %dot_general3A_28 {dimension_numbers = #tpu.dot_dimension_numbers<[1], [0], [0], [1], [0, 0, 1, 1], [], []>, transpose_lhs_hint = false} : vector<512x128xf32>, vector<128x10xf32>, vector<512x10xf32> -> vector<512x10xf32>
    %get3A_30 = arith.constant 0 : index
    %get3A_31 = arith.constant 0 : index
    %get3A_32 = vector.load %arg4[%get3A_30, %get3A_31] : memref<1x10xf32, #tpu.memory_space<vmem>>, vector<1x10xf32>
    %add3A_33 = vector.broadcast %get3A_32 : vector<1x10xf32> to vector<512x10xf32>
    %add3A_34 = arith.addf %dot_general3A_29, %add3A_33 : vector<512x10xf32>
    %swap3A = arith.constant 0 : index
    %swap3A_35 = arith.constant 0 : index
    %swap3A_36 = vector.load %arg5[%swap3A, %swap3A_35] : memref<512x10xf32, #tpu.memory_space<vmem>>, vector<512x10xf32>
    tpu.vector_store %arg5[%swap3A, %swap3A_35], %add3A_34 {strides = array<i32>} : memref<512x10xf32, #tpu.memory_space<vmem>>, vector<512x10xf32>,
    return
  }
}

</mosaic_0001>

<sc_bundles>
// kernel: kernel.13.cloned.1.call-start
scs
__scs_entry_jumppad:
0x0: {  	(pc) =	sbr.rel $0x88, $3  }
0x1: {  	(tag) =	ssettag $0x0;
	lr =	simm.s32 $0x1  }
0x2: {  	[smem:$0x3F82] =	sst lr;
	_ =	strace $0xD0000000  }
0x3: {  	_ = 	snop  }
0x4: {  	_ = 	snop  }
0x5: {  	_ = 	snop  }
0x6: {  	_ = 	snop  }
0x7: {  	_ = 	snop  }
__scs_overlays_trampoline_lowered:
0x8: {  	[smem:$0x3F91] =	sst s0  }
0x9: {  	[smem:$0x3F92] =	sst s1  }
0xa: {  	[smem:$0x3F93] =	sst s2  }
0xb: {  	[smem:$0x3F94] =	sst s3  }
0xc: {  	[smem:$0x3F95] =	sst s4  }
0xd: {  	[smem:$0x3F96] =	sst s5  }
0xe: {  	[smem:$0x3F97] =	sst s6  }
0xf: {  	[smem:$0x3F98] =	sst s7  }
0x10: {  	[smem:$0x3F99] =	sst s8  }
0x11: {  	[smem:$0x3F9A] =	sst s9;
	s0 =	simm.s32 @!p0 $0x0  }
0x12: {  	s1 =	sld [smem:$0x3F80];
	s0 =	simm.s32 @p0 $0x1  }
0x13: {  	[smem:$0x3F9B] =	sst s0;
	s0 =	simm.s32 @!p1 $0x0  }
0x14: {  	s2 =	sld [smem:$0x3F7F];
	s0 =	simm.s32 @p1 $0x1  }
0x15: {  	[smem:$0x3F9C] =	sst s0;
	s0 =	simm.s32 @!p2 $0x0  }
0x16: {  	s3 =	sld [smem:$0x3FDB];
	s0 =	simm.s32 @p2 $0x1  }
0x17: {  	s4 =	simm.s32 $0x1BF5;
	[smem:$0x3F9E] =	sst s0  }
0x18: {  	s0 =	sld [smem:$0x3F81];
	_ =	swait.ge [sflag:s4], $0x0  }
0x19: {  	s7 =	sld [smem:$0x3F82]  }
0x1a: {  	s8 =	sadd.s32 $0xFFFFE003, lr  }
0x1b: {  	s9 =	sadd.s32 $0xFFFFFEF7, lr;
	s5 =	simm.s32 $0xFFFFFFFF;
	p2 =	slt.u32 s8, $0xFFFFF086  }
0x1c: {  	p1 =	slt.u32 s9, $0xF7A;
	s5 =	simm.s32 @!p2 $0x0  }
0x1d: {  	s5 =	simm.s32 @p1 $0x1;
	p0 =	seq.s32 s7, s2  }
0x1e: {  	s7 =	smul.u32 @!p0 $0xF7A, s2;
	p2 =	seq.s32 @!p0 s5, $0x0  }
0x1f: {  	s9 =	smul.u32 $0xF7A, s1;
	s8 =	simm.s32 @!p0 $0x1BF5;
	p2 =	por !p2, p0  }
0x20: {  	[sflag:s8] =	ssyncset.s32 @!p0 $0xFFFFF086;
	s6 =	sadd.s32 @!p0 s3, s7;
	s7 =	simm.s32 @!p0 $0x108  }
0x21: {  	s3 =	sadd.s32 s3, s9;
	s6 =	sadd.s32 @!p0 $0x88, s6;
	s7 =	simm.s32 @p2 $0x1082  }
0x22: {  	[simem:s7], [sflag:s8] =	dma.local @!p0 [hbm:s6], $0xF7A  }
0x23: {  	s9 =	sor.u32 $0xD0000000, s2;
	s6 =	simm.s32 $0x108;
	_ =	swait.ge @!p0 [sflag:s8], $0x0  }
0x24: {  	s3 =	sadd.s32 $0x88, s3;
	s6 =	simm.s32 @!p1 $0x1082;
	[sflag:s4] =	ssyncset.s32 $0xFFFFF086  }
0x25: {  	[simem:s6], [sflag:s4] =	dma.local [hbm:s3], $0xF7A  }
0x26: {  	[smem:$0x3F82] =	sst s1;
	(tag) =	ssettag s2;
	_ =	strace s9  }
0x27: {  	s1 =	sld [smem:$0x3F92]  }
0x28: {  	s2 =	sld [smem:$0x3F93]  }
0x29: {  	s4 =	sld [smem:$0x3F95]  }
0x2a: {  	p0 =	seq.s32 s5, $0x0;
	s5 =	sld [smem:$0x3F96]  }
0x2b: {  	s6 =	sld [smem:$0x3F97]  }
0x2c: {  	s7 =	sld [smem:$0x3F98]  }
0x2d: {  	s3 =	simm.s32 $0x108;
	s8 =	sld [smem:$0x3F99]  }
0x2e: {  	s3 =	simm.s32 @!p0 $0x1082;
	s9 =	sld [smem:$0x3F9A]  }
0x2f: {  	lr =	sadd.s32 s0, s3;
	s0 =	sld [smem:$0x3F91]  }
0x30: {  	s3 =	sld [smem:$0x3F94]  }
0x31: {  	[smem:$0x3F9D] =	sst s10  }
0x32: {  	s10 =	sld [smem:$0x3F9B];
	_ =	sdelay $0x3  }
0x33: {  	p0 =	seq.s32 s10, $0x1;
	s10 =	sld [smem:$0x3F9D];
	_ =	sdelay $0x3  }
0x34: {  	[smem:$0x3F9D] =	sst s10  }
0x35: {  	s10 =	sld [smem:$0x3F9C];
	_ =	sdelay $0x3  }
0x36: {  	p1 =	seq.s32 s10, $0x1;
	s10 =	sld [smem:$0x3F9D];
	_ =	sdelay $0x3  }
0x37: {  	[smem:$0x3F9D] =	sst s10  }
0x38: {  	s10 =	sld [smem:$0x3F9E]  }
0x39: {  	_ = 	snop;
	(pc) =	sbr.ind lr, $3  }
0x3a: {  	_ = 	snop  }
0x3b: {  	_ = 	snop  }
0x3c: {  	p2 =	seq.s32 s10, $0x1;
	s10 =	sld [smem:$0x3F9D]  }
0x3d: {  	_ =	shalt  }
0x3e: {  	_ =	shalt  }
0x3f: {  	_ =	shalt  }
0x40: {  	_ =	shalt  }
0x41: {  	_ =	shalt  }
0x42: {  	_ =	shalt  }
0x43: {  	_ =	shalt  }
0x44: {  	_ =	shalt  }
0x45: {  	_ =	shalt  }
0x46: {  	_ =	shalt  }
0x47: {  	_ =	shalt  }
0x48: {  	_ =	shalt  }
0x49: {  	_ =	shalt  }
0x4a: {  	_ =	shalt  }
0x4b: {  	_ =	shalt  }
0x4c: {  	_ =	shalt  }
0x4d: {  	_ =	shalt  }
0x4e: {  	_ =	shalt  }
0x4f: {  	_ =	shalt  }
0x50: {  	_ =	shalt  }
0x51: {  	_ =	shalt  }
0x52: {  	_ =	shalt  }
0x53: {  	_ =	shalt  }
0x54: {  	_ =	shalt  }
0x55: {  	_ =	shalt  }
0x56: {  	_ =	shalt  }
0x57: {  	_ =	shalt  }
0x58: {  	_ =	shalt  }
0x59: {  	_ =	shalt  }
0x5a: {  	_ =	shalt  }
0x5b: {  	_ =	shalt  }
0x5c: {  	_ =	shalt  }
0x5d: {  	_ =	shalt  }
0x5e: {  	_ =	shalt  }
0x5f: {  	_ =	shalt  }
0x60: {  	_ =	shalt  }
0x61: {  	_ =	shalt  }
0x62: {  	_ =	shalt  }
0x63: {  	_ =	shalt  }
0x64: {  	_ =	shalt  }
0x65: {  	_ =	shalt  }
0x66: {  	_ =	shalt  }
0x67: {  	_ =	shalt  }
0x68: {  	_ =	shalt  }
0x69: {  	_ =	shalt  }
0x6a: {  	_ =	shalt  }
0x6b: {  	_ =	shalt  }
0x6c: {  	_ =	shalt  }
0x6d: {  	_ =	shalt  }
0x6e: {  	_ =	shalt  }
0x6f: {  	_ =	shalt  }
0x70: {  	_ =	shalt  }
0x71: {  	_ =	shalt  }
0x72: {  	_ =	shalt  }
0x73: {  	_ =	shalt  }
0x74: {  	_ =	shalt  }
0x75: {  	_ =	shalt  }
0x76: {  	_ =	shalt  }
0x77: {  	_ =	shalt  }
0x78: {  	_ =	shalt  }
0x79: {  	_ =	shalt  }
0x7a: {  	_ =	shalt  }
0x7b: {  	_ =	shalt  }
0x7c: {  	_ =	shalt  }
0x7d: {  	_ =	shalt  }
0x7e: {  	_ =	shalt  }
0x7f: {  	_ =	shalt  }
0x80: {  	_ =	shalt  }
0x81: {  	_ =	shalt  }
0x82: {  	_ =	shalt  }
0x83: {  	_ =	shalt  }
0x84: {  	_ =	shalt  }
0x85: {  	_ =	shalt  }
0x86: {  	_ =	shalt  }
0x87: {  	_ =	shalt  }
.Lfunc_end0:
.L_simem_size_0:
called_computation_lowered:
.L_overlay_start_0:
0x88: {  	s2 =	sld [smem:$0x3FD9]  }
0x89: {  	s3 =	sld [smem:$0x3FFE];
	_ =	sdelay $0x1  }
0x8a: {  	s1 =	srdreg.scid  }
0x8b: {  	s0 =	sand.u32 $0x1, s1  }
0x8c: {  	s16 =	sshll.u32 s0, $0xA;
	s2 =	sadd.s32 s3, s2  }
0x8d: {  	s2 =	sadd.s32 s2, s16  }
0x8e: {  	[smem:$0x3FA9] =	sst s2  }
0x8f: {  	_ = 	snop  }
0x90: {  	(tm) =	ssettm $0x1  }
0x91: {  	s17 =	sld [smem:$0x3FFB];
	_ =	sdelay $0x3  }
0x92: {  	_ =	strace s17  }
0x93: {  	s2 =	sld [smem:$0x3FFC];
	_ =	sdelay $0x3  }
0x94: {  	_ =	strace s2  }
0x95: {  	s2 =	sld [smem:$0x3FFD];
	_ =	sdelay $0x3  }
0x96: {  	_ =	strace s2  }
0x97: {  	_ =	strace $0x8FFFFFFF  }
0x98: {  	s18 =	sld [smem:$0x3FDB];
	_ =	sdelay $0x1  }
0x99: {  	s19 =	simm.s32 $_scs_section_size  }
0x9a: {  	s4 =	simm.s32 $_size__tile_overlayer_lowered;
	s5 =	simm.s32 $_tile_overlayer_lowered  }
0x9b: {  	s22 =	simm.s32 $0x1BFF;
	s21 =	sshll.u32 s5, $0x1;
	s2 =	sadd.s32 s19, s18  }
0x9c: {  	s6 =	simm.s32 $0x0;
	s20 =	sshll.u32 s4, $0x1;
	s4 =	sadd.s32 s21, s2  }
0x9d: {  	[timem:s6], [sflag:s22] =	dma.local [hbm:s4], s20  }
0x9e: {  	_ =	swait.ge [sflag:s22], s20  }
0x9f: {  	s3 =	ssub.s32 $0x0, s20;
	[sflag:s22] =	ssyncset.done $0x0  }
0xa0: {  	[sflag:s22] =	ssyncadd.s32 s3;
	_ =	sdelay $0x1  }
0xa1: {  	s23 =	simm.s32 $0x1B8B  }
0xa2: {  	_ =	swait.ge [sflag:s23], $0x1  }
0xa3: {  	[sflag:s23] =	ssyncset.done $0x0  }
0xa4: {  	s25 =	simm.s32 $0x1B8E;
	s24 =	sld [smem:$0x3FFE];
	[sflag:s23] =	ssyncadd.s32 $0xFFFFFFFF  }
0xa5: {  	s26 =	simm.s32 $execute0_lowered;
	[smem:$0x3FD2] =	sst s25  }
0xa6: {  	s4 =	sshll.u32 s26, $0x1;
	_ =	strace $0x80000046;
	[dreg:$0x1] =	wrdreg $0xFFFFFFFF  }
0xa7: {  	s28 =	simm.s32 $_size_execute0_lowered;
	s2 =	sadd.s32 s2, s4;
	[dreg:$0x0] =	wrdreg $0x0  }
0xa8: {  	s4 =	sshll.u32 s28, $0x1;
	[dreg:$0x2] =	wrdreg s2  }
0xa9: {  	[dreg:$0x3] =	wrdreg s4  }
0xaa: {  	[dreg:$0x4] =	wrdreg $0xC0  }
0xab: {  	_ =	task [dreg:s6], $0x5FFFF  }
0xac: {  	[dreg:$0x1] =	wrdreg $0xFFFFFFFF  }
0xad: {  	[dreg:$0x0] =	wrdreg $0x60  }
0xae: {  	[dreg:$0x2] =	wrdreg s24  }
0xaf: {  	[dreg:$0x3] =	wrdreg $0x9  }
0xb0: {  	_ =	task.clear_ibuf [dreg:s6], $0x4FFFF;
	_ =	strace $0x90000046  }
0xb1: {  	s29 =	simm.s32 $0x9;
	_ =	strace $0x80000048  }
0xb2: {  	_ =	swait.ge [sflag:s29], $0x1  }
0xb3: {  	[sflag:s29] =	ssyncadd.s32 $0xFFFFFFFF  }
0xb4: {  	_ =	strace $0x90000048  }
0xb5: {  	_ =	sfence  }
0xb6: {  	s30 =	sld [smem:$0x0];
	_ =	sdelay $0x2  }
0xb7: {  	s31 =	sshll.u32 s1, $0xD;
	s1 =	sshrl.u32 s1, $0x2  }
0xb8: {  	s3 =	sand.u32 $0x4000, s31;
	s1 =	sadd.s32 s1, s30  }
0xb9: {  	s0 =	sor.u32 s3, s0;
	s1 =	sshll.u32 s1, $0x11  }
0xba: {  	s0 =	sor.u32 s1, s0  }
0xbb: {  	s0 =	sadd.s32 $0x8F2B, s0  }
0xbc: {  	[sflag:s0] =	ssyncadd.remote.s32 $0x1  }
0xbd: {  	_ =	sfence.sel $0xFFFF  }
0xbe: {  	[dreg:$0x0] =	wrdreg $0xFFFFFFFF;
	(pc) =	sbr.abs _section_cstart, $3  }
0xbf: {  	[dreg:$0x1] =	wrdreg $0xFFFFFFFF  }
0xc0: {  	_ =	task.clear_ibuf [dreg:s6], $0x2FFFF;
	_ =	strace $0x9FFFFFFF  }
0xc1: {  	(tm) =	ssettm $0x7FFFFFFF  }
tec
execute0_lowered:
.L_overlay_start_1:
0x0: {  	(tag) =	ssettag $0x1  }
0x1: {  	s4 =	rddreg [dreg:$0x0]  }
0x2: {  	s0 =	rddreg [dreg:$0x1];
	s2 =	simm.s32 $0x0;
	s1 =	stileid.u32  }
0x3: {  	s3 =	srdreg.scid;
	s10 =	simm.s32 $0x0;
	s6 =	smul.u32 $0x1E00, s1  }
0x4: {  	[smem:$0x7FF] =	sst s2;
	s5 =	sand.u32 $0x1, s3;
	s8 =	smul.u32 $0xF000, s1  }
0x5: {  	s3 =	sadd.s32 $0x5600, s4;
	s7 =	smul.u32 $0xF00, s5;
	s9 =	ssub.s32 $0x2, s5  }
0x6: {  	_ =	strace $0x80000047;
	s5 =	smul.u32 $0x7800, s5;
	s31 =	sshrl.u32 s9, $0x1  }
0x7: {  	s8 =	sadd.s32 s8, s4;
	s6 =	sadd.s32 s7, s6;
	s7 =	ssub.s32 s9, s31  }
0x8: {  	s5 =	sadd.s32 s5, s8;
	s8 =	simm.s32 $0x80;
	s6 =	sshrl.u32 s6, $0x3  }
0x9: {  	s9 =	simm.s32 $0x1;
	s5 =	sadd.s32 $0x30400, s5;
	s6 =	sadd.s32 s6, s4  }
0xa: {  	s4 =	smax.u32 s7, $0x1;
	s7 =	simm.s32 $0x2;
	s6 =	sadd.s32 $0x2C800, s6  }
.LBB2_1:
0xb: {  	s11 =	sadd.s32 $0x0, s6  }
0xc: {  	[tilespmem:s2], [sflag:$0x2] =	stream.linear.gather [hbm4b:s11+s2], $0x80, $0x38;
	[tilespmem:$0x2080] =	vst v63  }
0xd: {  	_ =	swait.ge [sflag:s7], $0x80  }
0xe: {  	[sflag:s7] =	ssyncset.done $0x0  }
0xf: {  	[sflag:s7] =	ssyncadd.s32 $0xFFFFFF80  }
0x10: {  	[tilespmem:s8], [sflag:$0x1] =	stream.indirect.gather [hbm4b:s3+s8], $0x40, s2, s8, $0xb8;
	[tilespmem:$0x2080] =	vst v63  }
0x11: {  	_ =	swait.ge [sflag:s9], $0x2000  }
0x12: {  	[sflag:s9] =	ssyncset.done $0x0  }
0x13: {  	[sflag:s9] =	ssyncadd.s32 $0xFFFFE000  }
0x14: {  	[hbm4b:s5+s2] =	stream.linear.scatter [tilespmem:s8], [sflag:$0x2], $0x2000, $0x38;
	[tilespmem:$0x2080] =	vst v63  }
0x15: {  	s12 =	simm.s32 $0x10;
	_ =	swait.ge [sflag:s7], $0x2000  }
0x16: {  	s13 =	simm.s32 $0x20;
	s11 =	sadd.s32 $0x400, s5;
	[sflag:s7] =	ssyncset.done $0x0  }
.LBB2_2:
0x17: {  	s14 =	sadd.s32 s12, s6  }
0x18: {  	[sflag:s7] =	ssyncadd.s32 $0xFFFFE000;
	s12 =	smov.u32 s13;
	s15 =	sadd.s32 $0x10, s13  }
0x19: {  	[tilespmem:s2], [sflag:$0x2] =	stream.linear.gather [hbm4b:s14+s2], $0x80, $0x38;
	[tilespmem:$0x2080] =	vst v63  }
0x1a: {  	p0 =	sne.s32 s13, $0x1D0;
	_ =	swait.ge [sflag:s7], $0x80  }
0x1b: {  	[sflag:s7] =	ssyncset.done $0x0  }
0x1c: {  	[sflag:s7] =	ssyncadd.s32 $0xFFFFFF80  }
0x1d: {  	[tilespmem:s8], [sflag:$0x1] =	stream.indirect.gather [hbm4b:s3+s8], $0x40, s2, s8, $0xb8;
	[tilespmem:$0x2080] =	vst v63  }
0x1e: {  	_ =	swait.ge [sflag:s9], $0x2000  }
.Ltmp0:
0x1f: {  	[sflag:s9] =	ssyncset.done $0x0;
	(pc) =	sbr.rel @p0 .LBB2_2-.Ltmp0, $4  }
0x20: {  	[sflag:s9] =	ssyncadd.s32 $0xFFFFE000  }
0x21: {  	[hbm4b:s11+s2] =	stream.linear.scatter [tilespmem:s8], [sflag:$0x2], $0x2000, $0x38;
	[tilespmem:$0x2080] =	vst v63  }
0x22: {  	_ =	swait.ge [sflag:s7], $0x2000  }
0x23: {  	s13 =	smov.u32 s15;
	s11 =	sadd.s32 $0x400, s11;
	[sflag:s7] =	ssyncset.done $0x0  }
0x24: {  	s12 =	sadd.s32 s12, s6;
	[sflag:s7] =	ssyncadd.s32 $0xFFFFE000  }
0x25: {  	[tilespmem:s2], [sflag:$0x2] =	stream.linear.gather [hbm4b:s12+s2], $0x80, $0x38;
	[tilespmem:$0x2080] =	vst v63  }
0x26: {  	_ =	swait.ge [sflag:s7], $0x80  }
0x27: {  	[sflag:s7] =	ssyncset.done $0x0  }
0x28: {  	[sflag:s7] =	ssyncadd.s32 $0xFFFFFF80  }
0x29: {  	[tilespmem:s8], [sflag:$0x1] =	stream.indirect.gather [hbm4b:s3+s8], $0x40, s2, s8, $0xb8;
	[tilespmem:$0x2080] =	vst v63  }
0x2a: {  	s10 =	sadd.s32 $0x1, s10;
	_ =	swait.ge [sflag:s9], $0x2000  }
0x2b: {  	p0 =	sne.s32 s10, s4;
	[sflag:s9] =	ssyncset.done $0x0  }
.Ltmp1:
0x2c: {  	[sflag:s9] =	ssyncadd.s32 $0xFFFFE000;
	(pc) =	sbr.rel @p0 .LBB2_1-.Ltmp1, $4  }
0x2d: {  	[hbm4b:s11+s2] =	stream.linear.scatter [tilespmem:s8], [sflag:$0x2], $0x2000, $0x38;
	[tilespmem:$0x2080] =	vst v63  }
0x2e: {  	_ =	swait.ge [sflag:s7], $0x2000  }
0x2f: {  	[sflag:s7] =	ssyncset.done $0x0  }
0x30: {  	[sflag:s7] =	ssyncadd.s32 $0xFFFFE000  }
0x31: {  	_ =	sfence.sel $0x180000  }
0x32: {  	[bflag:$0x0] =	sbarrier.arrive $0xFFFF  }
0x33: {  	p0 =	sne.s32 s1, $0x0;
	_ =	strace $0x90000047  }
0x34: {  	s0 =	sadd.s32 @!p0 $0x100000, s0;
	[bflag:$0x2] =	sbarrier.arrive $0xFFFF  }
0x35: {  	[sflag:s0] =	ssyncadd.tile.s32 @!p0 $0x1;
	_ =	shalt  }
.Lfunc_end2:
_tile_overlayer_lowered:
.L_overlay_start_2:
0x36: {  	(tag) =	ssettag $0x2  }
0x37: {  	s0 =	rddreg [dreg:$0x0];
	s2 =	stileid.u32  }
0x38: {  	s1 =	rddreg [dreg:$0x1];
	p0 =	sne.s32 s2, $0x0  }
0x39: {  	s3 =	rddreg [dreg:$0x2];
	[bflag:$0x3] =	sbarrier.arrive $0xFFFF;
	s2 =	simm.s32 @!p0 $0x1C02  }
0x3a: {  	[timem:s3], [sflag:s2] =	dma.local @!p0 [hbm:s0], s1  }
0x3b: {  	s0 =	simm.s32 @!p0 $0x2  }
0x3c: {  	_ =	swait.ge @!p0 [sflag:s0], s1  }
0x3d: {  	s1 =	ssub.s32 @!p0 $0x0, s1;
	[sflag:s0] =	ssyncset.done @!p0 $0x0  }
0x3e: {  	[sflag:s0] =	ssyncadd.s32 @!p0 s1  }
0x3f: {  	[bflag:$0x3] =	sbarrier.arrive $0xFFFF  }
0x40: {  	_ =	shalt  }

// kernel: kernel.16.cloned.1.call-start
scs
__scs_entry_jumppad:
0x0: {  	(pc) =	sbr.rel $0x88, $3  }
0x1: {  	(tag) =	ssettag $0x0;
	lr =	simm.s32 $0x1  }
0x2: {  	[smem:$0x3F82] =	sst lr;
	_ =	strace $0xD0000000  }
0x3: {  	_ = 	snop  }
0x4: {  	_ = 	snop  }
0x5: {  	_ = 	snop  }
0x6: {  	_ = 	snop  }
0x7: {  	_ = 	snop  }
__scs_overlays_trampoline_lowered:
0x8: {  	[smem:$0x3F91] =	sst s0  }
0x9: {  	[smem:$0x3F92] =	sst s1  }
0xa: {  	[smem:$0x3F93] =	sst s2  }
0xb: {  	[smem:$0x3F94] =	sst s3  }
0xc: {  	[smem:$0x3F95] =	sst s4  }
0xd: {  	[smem:$0x3F96] =	sst s5  }
0xe: {  	[smem:$0x3F97] =	sst s6  }
0xf: {  	[smem:$0x3F98] =	sst s7  }
0x10: {  	[smem:$0x3F99] =	sst s8  }
0x11: {  	[smem:$0x3F9A] =	sst s9;
	s0 =	simm.s32 @!p0 $0x0  }
0x12: {  	s1 =	sld [smem:$0x3F80];
	s0 =	simm.s32 @p0 $0x1  }
0x13: {  	[smem:$0x3F9B] =	sst s0;
	s0 =	simm.s32 @!p1 $0x0  }
0x14: {  	s2 =	sld [smem:$0x3F7F];
	s0 =	simm.s32 @p1 $0x1  }
0x15: {  	[smem:$0x3F9C] =	sst s0;
	s0 =	simm.s32 @!p2 $0x0  }
0x16: {  	s3 =	sld [smem:$0x3FDB];
	s0 =	simm.s32 @p2 $0x1  }
0x17: {  	s4 =	simm.s32 $0x1BF5;
	[smem:$0x3F9E] =	sst s0  }
0x18: {  	s0 =	sld [smem:$0x3F81];
	_ =	swait.ge [sflag:s4], $0x0  }
0x19: {  	s7 =	sld [smem:$0x3F82]  }
0x1a: {  	s8 =	sadd.s32 $0xFFFFE003, lr  }
0x1b: {  	s9 =	sadd.s32 $0xFFFFFEF7, lr;
	s5 =	simm.s32 $0xFFFFFFFF;
	p2 =	slt.u32 s8, $0xFFFFF086  }
0x1c: {  	p1 =	slt.u32 s9, $0xF7A;
	s5 =	simm.s32 @!p2 $0x0  }
0x1d: {  	s5 =	simm.s32 @p1 $0x1;
	p0 =	seq.s32 s7, s2  }
0x1e: {  	s7 =	smul.u32 @!p0 $0xF7A, s2;
	p2 =	seq.s32 @!p0 s5, $0x0  }
0x1f: {  	s9 =	smul.u32 $0xF7A, s1;
	s8 =	simm.s32 @!p0 $0x1BF5;
	p2 =	por !p2, p0  }
0x20: {  	[sflag:s8] =	ssyncset.s32 @!p0 $0xFFFFF086;
	s6 =	sadd.s32 @!p0 s3, s7;
	s7 =	simm.s32 @!p0 $0x108  }
0x21: {  	s3 =	sadd.s32 s3, s9;
	s6 =	sadd.s32 @!p0 $0x88, s6;
	s7 =	simm.s32 @p2 $0x1082  }
0x22: {  	[simem:s7], [sflag:s8] =	dma.local @!p0 [hbm:s6], $0xF7A  }
0x23: {  	s9 =	sor.u32 $0xD0000000, s2;
	s6 =	simm.s32 $0x108;
	_ =	swait.ge @!p0 [sflag:s8], $0x0  }
0x24: {  	s3 =	sadd.s32 $0x88, s3;
	s6 =	simm.s32 @!p1 $0x1082;
	[sflag:s4] =	ssyncset.s32 $0xFFFFF086  }
0x25: {  	[simem:s6], [sflag:s4] =	dma.local [hbm:s3], $0xF7A  }
0x26: {  	[smem:$0x3F82] =	sst s1;
	(tag) =	ssettag s2;
	_ =	strace s9  }
0x27: {  	s1 =	sld [smem:$0x3F92]  }
0x28: {  	s2 =	sld [smem:$0x3F93]  }
0x29: {  	s4 =	sld [smem:$0x3F95]  }
0x2a: {  	p0 =	seq.s32 s5, $0x0;
	s5 =	sld [smem:$0x3F96]  }
0x2b: {  	s6 =	sld [smem:$0x3F97]  }
0x2c: {  	s7 =	sld [smem:$0x3F98]  }
0x2d: {  	s3 =	simm.s32 $0x108;
	s8 =	sld [smem:$0x3F99]  }
0x2e: {  	s3 =	simm.s32 @!p0 $0x1082;
	s9 =	sld [smem:$0x3F9A]  }
0x2f: {  	lr =	sadd.s32 s0, s3;
	s0 =	sld [smem:$0x3F91]  }
0x30: {  	s3 =	sld [smem:$0x3F94]  }
0x31: {  	[smem:$0x3F9D] =	sst s10  }
0x32: {  	s10 =	sld [smem:$0x3F9B];
	_ =	sdelay $0x3  }
0x33: {  	p0 =	seq.s32 s10, $0x1;
	s10 =	sld [smem:$0x3F9D];
	_ =	sdelay $0x3  }
0x34: {  	[smem:$0x3F9D] =	sst s10  }
0x35: {  	s10 =	sld [smem:$0x3F9C];
	_ =	sdelay $0x3  }
0x36: {  	p1 =	seq.s32 s10, $0x1;
	s10 =	sld [smem:$0x3F9D];
	_ =	sdelay $0x3  }
0x37: {  	[smem:$0x3F9D] =	sst s10  }
0x38: {  	s10 =	sld [smem:$0x3F9E]  }
0x39: {  	_ = 	snop;
	(pc) =	sbr.ind lr, $3  }
0x3a: {  	_ = 	snop  }
0x3b: {  	_ = 	snop  }
0x3c: {  	p2 =	seq.s32 s10, $0x1;
	s10 =	sld [smem:$0x3F9D]  }
0x3d: {  	_ =	shalt  }
0x3e: {  	_ =	shalt  }
0x3f: {  	_ =	shalt  }
0x40: {  	_ =	shalt  }
0x41: {  	_ =	shalt  }
0x42: {  	_ =	shalt  }
0x43: {  	_ =	shalt  }
0x44: {  	_ =	shalt  }
0x45: {  	_ =	shalt  }
0x46: {  	_ =	shalt  }
0x47: {  	_ =	shalt  }
0x48: {  	_ =	shalt  }
0x49: {  	_ =	shalt  }
0x4a: {  	_ =	shalt  }
0x4b: {  	_ =	shalt  }
0x4c: {  	_ =	shalt  }
0x4d: {  	_ =	shalt  }
0x4e: {  	_ =	shalt  }
0x4f: {  	_ =	shalt  }
0x50: {  	_ =	shalt  }
0x51: {  	_ =	shalt  }
0x52: {  	_ =	shalt  }
0x53: {  	_ =	shalt  }
0x54: {  	_ =	shalt  }
0x55: {  	_ =	shalt  }
0x56: {  	_ =	shalt  }
0x57: {  	_ =	shalt  }
0x58: {  	_ =	shalt  }
0x59: {  	_ =	shalt  }
0x5a: {  	_ =	shalt  }
0x5b: {  	_ =	shalt  }
0x5c: {  	_ =	shalt  }
0x5d: {  	_ =	shalt  }
0x5e: {  	_ =	shalt  }
0x5f: {  	_ =	shalt  }
0x60: {  	_ =	shalt  }
0x61: {  	_ =	shalt  }
0x62: {  	_ =	shalt  }
0x63: {  	_ =	shalt  }
0x64: {  	_ =	shalt  }
0x65: {  	_ =	shalt  }
0x66: {  	_ =	shalt  }
0x67: {  	_ =	shalt  }
0x68: {  	_ =	shalt  }
0x69: {  	_ =	shalt  }
0x6a: {  	_ =	shalt  }
0x6b: {  	_ =	shalt  }
0x6c: {  	_ =	shalt  }
0x6d: {  	_ =	shalt  }
0x6e: {  	_ =	shalt  }
0x6f: {  	_ =	shalt  }
0x70: {  	_ =	shalt  }
0x71: {  	_ =	shalt  }
0x72: {  	_ =	shalt  }
0x73: {  	_ =	shalt  }
0x74: {  	_ =	shalt  }
0x75: {  	_ =	shalt  }
0x76: {  	_ =	shalt  }
0x77: {  	_ =	shalt  }
0x78: {  	_ =	shalt  }
0x79: {  	_ =	shalt  }
0x7a: {  	_ =	shalt  }
0x7b: {  	_ =	shalt  }
0x7c: {  	_ =	shalt  }
0x7d: {  	_ =	shalt  }
0x7e: {  	_ =	shalt  }
0x7f: {  	_ =	shalt  }
0x80: {  	_ =	shalt  }
0x81: {  	_ =	shalt  }
0x82: {  	_ =	shalt  }
0x83: {  	_ =	shalt  }
0x84: {  	_ =	shalt  }
0x85: {  	_ =	shalt  }
0x86: {  	_ =	shalt  }
0x87: {  	_ =	shalt  }
.Lfunc_end0:
.L_simem_size_0:
called_computation.1_lowered:
.L_overlay_start_0:
0x88: {  	s2 =	sld [smem:$0x3FD9]  }
0x89: {  	s3 =	sld [smem:$0x3FFE];
	_ =	sdelay $0x1  }
0x8a: {  	s1 =	srdreg.scid  }
0x8b: {  	s0 =	sand.u32 $0x1, s1  }
0x8c: {  	s16 =	sshll.u32 s0, $0xA;
	s2 =	sadd.s32 s3, s2  }
0x8d: {  	s2 =	sadd.s32 s2, s16  }
0x8e: {  	[smem:$0x3FA9] =	sst s2  }
0x8f: {  	_ = 	snop  }
0x90: {  	(tm) =	ssettm $0x1  }
0x91: {  	s17 =	sld [smem:$0x3FFB];
	_ =	sdelay $0x3  }
0x92: {  	_ =	strace s17  }
0x93: {  	s2 =	sld [smem:$0x3FFC];
	_ =	sdelay $0x3  }
0x94: {  	_ =	strace s2  }
0x95: {  	s2 =	sld [smem:$0x3FFD];
	_ =	sdelay $0x3  }
0x96: {  	_ =	strace s2  }
0x97: {  	_ =	strace $0x8FFFFFFF  }
0x98: {  	s18 =	sld [smem:$0x3FDB];
	_ =	sdelay $0x1  }
0x99: {  	s19 =	simm.s32 $_scs_section_size  }
0x9a: {  	s4 =	simm.s32 $_size__tile_overlayer_lowered;
	s5 =	simm.s32 $_tile_overlayer_lowered  }
0x9b: {  	s22 =	simm.s32 $0x1BFF;
	s21 =	sshll.u32 s5, $0x1;
	s2 =	sadd.s32 s19, s18  }
0x9c: {  	s6 =	simm.s32 $0x0;
	s20 =	sshll.u32 s4, $0x1;
	s4 =	sadd.s32 s21, s2  }
0x9d: {  	[timem:s6], [sflag:s22] =	dma.local [hbm:s4], s20  }
0x9e: {  	_ =	swait.ge [sflag:s22], s20  }
0x9f: {  	s3 =	ssub.s32 $0x0, s20;
	[sflag:s22] =	ssyncset.done $0x0  }
0xa0: {  	[sflag:s22] =	ssyncadd.s32 s3;
	_ =	sdelay $0x1  }
0xa1: {  	s23 =	simm.s32 $0x1B8B  }
0xa2: {  	_ =	swait.ge [sflag:s23], $0x1  }
0xa3: {  	[sflag:s23] =	ssyncset.done $0x0  }
0xa4: {  	s25 =	simm.s32 $0x1B8E;
	s24 =	sld [smem:$0x3FFE];
	[sflag:s23] =	ssyncadd.s32 $0xFFFFFFFF  }
0xa5: {  	s26 =	simm.s32 $execute0_lowered;
	[smem:$0x3FD2] =	sst s25  }
0xa6: {  	s4 =	sshll.u32 s26, $0x1;
	_ =	strace $0x80000049;
	[dreg:$0x1] =	wrdreg $0xFFFFFFFF  }
0xa7: {  	s28 =	simm.s32 $_size_execute0_lowered;
	s2 =	sadd.s32 s2, s4;
	[dreg:$0x0] =	wrdreg $0x0  }
0xa8: {  	s4 =	sshll.u32 s28, $0x1;
	[dreg:$0x2] =	wrdreg s2  }
0xa9: {  	[dreg:$0x3] =	wrdreg s4  }
0xaa: {  	[dreg:$0x4] =	wrdreg $0xC0  }
0xab: {  	_ =	task [dreg:s6], $0x5FFFF  }
0xac: {  	[dreg:$0x1] =	wrdreg $0xFFFFFFFF  }
0xad: {  	[dreg:$0x0] =	wrdreg $0x60  }
0xae: {  	[dreg:$0x2] =	wrdreg s24  }
0xaf: {  	[dreg:$0x3] =	wrdreg $0x102E00  }
0xb0: {  	[dreg:$0x4] =	wrdreg $0x9  }
0xb1: {  	_ =	task.clear_ibuf [dreg:s6], $0x5FFFF;
	_ =	strace $0x90000049  }
0xb2: {  	s29 =	simm.s32 $0x9;
	_ =	strace $0x8000004B  }
0xb3: {  	_ =	swait.ge [sflag:s29], $0x1  }
0xb4: {  	[sflag:s29] =	ssyncadd.s32 $0xFFFFFFFF  }
0xb5: {  	_ =	strace $0x9000004B  }
0xb6: {  	_ =	sfence  }
0xb7: {  	s30 =	sld [smem:$0x0];
	_ =	sdelay $0x2  }
0xb8: {  	s31 =	sshll.u32 s1, $0xD;
	s1 =	sshrl.u32 s1, $0x2  }
0xb9: {  	s3 =	sand.u32 $0x4000, s31;
	s1 =	sadd.s32 s1, s30  }
0xba: {  	s0 =	sor.u32 s3, s0;
	s1 =	sshll.u32 s1, $0x11  }
0xbb: {  	s0 =	sor.u32 s1, s0  }
0xbc: {  	s0 =	sadd.s32 $0x8F2B, s0  }
0xbd: {  	[sflag:s0] =	ssyncadd.remote.s32 $0x1  }
0xbe: {  	_ =	sfence.sel $0xFFFF  }
0xbf: {  	[dreg:$0x0] =	wrdreg $0xFFFFFFFF;
	(pc) =	sbr.abs _section_cstart, $3  }
0xc0: {  	[dreg:$0x1] =	wrdreg $0xFFFFFFFF  }
0xc1: {  	_ =	task.clear_ibuf [dreg:s6], $0x2FFFF;
	_ =	strace $0x9FFFFFFF  }
0xc2: {  	(tm) =	ssettm $0x7FFFFFFF  }
0xc3: {  	_ =	shalt  }
tec
execute0_lowered:
.L_overlay_start_1:
0x0: {  	(tag) =	ssettag $0x1  }
0x1: {  	s0 =	stileid.u32;
	s1 =	srdreg.scid  }
0x2: {  	s5 =	rddreg [dreg:$0x0];
	s6 =	smul.u32 $0xF00, s0  }
0x3: {  	s2 =	rddreg [dreg:$0x1];
	s8 =	smul.u32 $0x5A00, s0  }
0x4: {  	s3 =	simm.s32 $0x0;
	s4 =	sand.u32 $0x1, s1;
	s29 =	smul.u32 $0xEA60, s0  }
0x5: {  	s13 =	simm.s32 $0x0;
	[smem:$0x7FF] =	sst s3;
	s7 =	smul.u32 $0x780, s4  }
0x6: {  	s1 =	rddreg [dreg:$0x2];
	s9 =	smul.u32 $0xEA600, s4;
	_ =	strace $0x8000004A  }
0x7: {  	s31 =	ssub.s32 $0x2, s4;
	s11 =	smul.u32 $0x2D00, s4;
	s4 =	sadd.s32 $0x5600, s5  }
0x8: {  	s8 =	sadd.s32 s8, s5;
	s12 =	sshrl.u32 s31, $0x1;
	s6 =	sadd.s32 s7, s6  }
0x9: {  	s30 =	sadd.s32 s29, s9;
	s9 =	ssub.s32 s31, s12;
	s8 =	sadd.s32 s11, s8  }
0xa: {  	s11 =	simm.s32 $0x1;
	s12 =	simm.s32 $0x80;
	s6 =	sshrl.u32 s6, $0x3  }
0xb: {  	s7 =	sadd.s32 $0x122200, s8;
	s10 =	sadd.s32 s6, s5;
	s6 =	sshrl.u32 s30, $0x3  }
0xc: {  	s8 =	smax.u32 s9, $0x1;
	s6 =	sadd.s32 s6, s5;
	s5 =	sadd.s32 s29, s2  }
0xd: {  	s9 =	sadd.s32 $0x120400, s10;
	s10 =	simm.s32 $0x1880;
	s6 =	sadd.s32 $0x30400, s6  }
.LBB2_1:
0xe: {  	[tilespmem:s10], [sflag:$0x1] =	stream.linear.gather [hbm4b:s4+s3], $0xEA60, $0x38;
	[tilespmem:$0x1ED40] =	vst v63  }
0xf: {  	_ =	swait.ge [sflag:s11], $0xEA60  }
0x10: {  	[sflag:s11] =	ssyncset.done $0x0  }
0x11: {  	[sflag:s11] =	ssyncadd.s32 $0xFFFF15A0  }
0x12: {  	[spmem:s5] =	stream.linear.scatter [tilespmem:s10], [sflag:$0x1], $0xEA60, $0x38;
	[tilespmem:$0x1ED40] =	vst v63  }
0x13: {  	_ =	swait.ge [sflag:s11], $0xEA60  }
0x14: {  	[sflag:s11] =	ssyncset.done $0x0  }
0x15: {  	[sflag:s11] =	ssyncadd.s32 $0xFFFF15A0  }
0x16: {  	s14 =	sadd.s32 $0x0, s9;
	[bflag:$0x0] =	sbarrier.arrive $0xFFFF  }
0x17: {  	[tilespmem:s3], [sflag:$0x1] =	stream.linear.gather [hbm4b:s14+s3], $0x80, $0x38;
	[tilespmem:$0x1ED40] =	vst v63  }
0x18: {  	_ =	swait.ge [sflag:s11], $0x80  }
0x19: {  	[sflag:s11] =	ssyncset.done $0x0  }
0x1a: {  	[sflag:s11] =	ssyncadd.s32 $0xFFFFFF80  }
0x1b: {  	[tilespmem:s12], [sflag:$0x1] =	stream.linear.gather [hbm4b:s7+s3], $0x1800, $0x38;
	[tilespmem:$0x1ED40] =	vst v63  }
0x1c: {  	_ =	swait.ge [sflag:s11], $0x1800  }
0x1d: {  	[sflag:s11] =	ssyncset.done $0x0  }
0x1e: {  	[sflag:s11] =	ssyncadd.s32 $0xFFFFE800  }
0x1f: {  	[spmem:s2] =	stream.indirect.scatter.add.f32 [tilespmem:s12], [sflag:$0x1], $0x30, s3, s12, $0xb8;
	[tilespmem:$0x1ED40] =	vst v63  }
0x20: {  	s15 =	simm.s32 $0x10;
	_ =	swait.ge [sflag:s11], $0x1800  }
0x21: {  	s16 =	simm.s32 $0x20;
	s14 =	sadd.s32 $0x300, s7;
	[sflag:s11] =	ssyncset.done $0x0  }
.LBB2_2:
0x22: {  	s17 =	sadd.s32 s15, s9  }
0x23: {  	[sflag:s11] =	ssyncadd.s32 $0xFFFFE800;
	s15 =	smov.u32 s16;
	s18 =	sadd.s32 $0x10, s16  }
0x24: {  	[tilespmem:s3], [sflag:$0x1] =	stream.linear.gather [hbm4b:s17+s3], $0x80, $0x38;
	[tilespmem:$0x1ED40] =	vst v63  }
0x25: {  	p0 =	sne.s32 s16, $0xE0;
	_ =	swait.ge [sflag:s11], $0x80  }
0x26: {  	[sflag:s11] =	ssyncset.done $0x0  }
0x27: {  	[sflag:s11] =	ssyncadd.s32 $0xFFFFFF80  }
0x28: {  	[tilespmem:s12], [sflag:$0x1] =	stream.linear.gather [hbm4b:s14+s3], $0x1800, $0x38;
	[tilespmem:$0x1ED40] =	vst v63  }
0x29: {  	_ =	swait.ge [sflag:s11], $0x1800  }
.Ltmp0:
0x2a: {  	[sflag:s11] =	ssyncset.done $0x0;
	(pc) =	sbr.rel @p0 .LBB2_2-.Ltmp0, $4  }
0x2b: {  	[sflag:s11] =	ssyncadd.s32 $0xFFFFE800  }
0x2c: {  	[spmem:s2] =	stream.indirect.scatter.add.f32 [tilespmem:s12], [sflag:$0x1], $0x30, s3, s12, $0xb8;
	[tilespmem:$0x1ED40] =	vst v63  }
0x2d: {  	_ =	swait.ge [sflag:s11], $0x1800  }
0x2e: {  	s16 =	smov.u32 s18;
	s14 =	sadd.s32 $0x300, s14;
	[sflag:s11] =	ssyncset.done $0x0  }
0x2f: {  	s15 =	sadd.s32 s15, s9;
	[sflag:s11] =	ssyncadd.s32 $0xFFFFE800  }
0x30: {  	[tilespmem:s3], [sflag:$0x1] =	stream.linear.gather [hbm4b:s15+s3], $0x80, $0x38;
	[tilespmem:$0x1ED40] =	vst v63  }
0x31: {  	_ =	swait.ge [sflag:s11], $0x80  }
0x32: {  	[sflag:s11] =	ssyncset.done $0x0  }
0x33: {  	[sflag:s11] =	ssyncadd.s32 $0xFFFFFF80  }
0x34: {  	[tilespmem:s12], [sflag:$0x1] =	stream.linear.gather [hbm4b:s14+s3], $0x1800, $0x38;
	[tilespmem:$0x1ED40] =	vst v63  }
0x35: {  	_ =	swait.ge [sflag:s11], $0x1800  }
0x36: {  	[sflag:s11] =	ssyncset.done $0x0  }
0x37: {  	[sflag:s11] =	ssyncadd.s32 $0xFFFFE800  }
0x38: {  	[spmem:s2] =	stream.indirect.scatter.add.f32 [tilespmem:s12], [sflag:$0x1], $0x30, s3, s12, $0xb8;
	[tilespmem:$0x1ED40] =	vst v63  }
0x39: {  	_ =	swait.ge [sflag:s11], $0x1800  }
0x3a: {  	[sflag:s11] =	ssyncset.done $0x0  }
0x3b: {  	[sflag:s11] =	ssyncadd.s32 $0xFFFFE800  }
0x3c: {  	[bflag:$0x0] =	sbarrier.arrive $0xFFFF  }
0x3d: {  	[tilespmem:s10], [sflag:$0x1] =	stream.linear.gather [spmem:s5], $0xEA60, $0x38;
	[tilespmem:$0x1ED40] =	vst v63  }
0x3e: {  	s13 =	sadd.s32 $0x1, s13;
	_ =	swait.ge [sflag:s11], $0xEA60  }
0x3f: {  	p0 =	sne.s32 s13, s8;
	[sflag:s11] =	ssyncset.done $0x0  }
.Ltmp1:
0x40: {  	[sflag:s11] =	ssyncadd.s32 $0xFFFF15A0;
	(pc) =	sbr.rel @p0 .LBB2_1-.Ltmp1, $4  }
0x41: {  	[hbm4b:s6+s3] =	stream.linear.scatter [tilespmem:s10], [sflag:$0x1], $0xEA60, $0x38;
	[tilespmem:$0x1ED40] =	vst v63  }
0x42: {  	_ =	swait.ge [sflag:s11], $0xEA60  }
0x43: {  	[sflag:s11] =	ssyncset.done $0x0  }
0x44: {  	[sflag:s11] =	ssyncadd.s32 $0xFFFF15A0  }
0x45: {  	_ =	sfence.sel $0x180000  }
0x46: {  	[bflag:$0x0] =	sbarrier.arrive $0xFFFF  }
0x47: {  	p0 =	sne.s32 s0, $0x0;
	_ =	strace $0x9000004A  }
0x48: {  	s0 =	sadd.s32 @!p0 $0x100000, s1;
	[bflag:$0x2] =	sbarrier.arrive $0xFFFF  }
0x49: {  	[sflag:s0] =	ssyncadd.tile.s32 @!p0 $0x1;
	_ =	shalt  }
.Lfunc_end2:
_tile_overlayer_lowered:
.L_overlay_start_2:
0x4a: {  	(tag) =	ssettag $0x2  }
0x4b: {  	s0 =	rddreg [dreg:$0x0];
	s2 =	stileid.u32  }
0x4c: {  	s1 =	rddreg [dreg:$0x1];
	p0 =	sne.s32 s2, $0x0  }
0x4d: {  	s3 =	rddreg [dreg:$0x2];
	[bflag:$0x3] =	sbarrier.arrive $0xFFFF;
	s2 =	simm.s32 @!p0 $0x1C01  }
0x4e: {  	[timem:s3], [sflag:s2] =	dma.local @!p0 [hbm:s0], s1  }
0x4f: {  	s0 =	simm.s32 @!p0 $0x1  }
0x50: {  	_ =	swait.ge @!p0 [sflag:s0], s1  }
0x51: {  	s1 =	ssub.s32 @!p0 $0x0, s1;
	[sflag:s0] =	ssyncset.done @!p0 $0x0  }
0x52: {  	[sflag:s0] =	ssyncadd.s32 @!p0 s1  }
0x53: {  	[bflag:$0x3] =	sbarrier.arrive $0xFFFF  }
0x54: {  	_ =	shalt  }

// kernel: kernel.19.cloned.1.call-start
scs
__scs_entry_jumppad:
0x0: {  	(pc) =	sbr.rel $0x88, $3  }
0x1: {  	(tag) =	ssettag $0x0;
	lr =	simm.s32 $0x1  }
0x2: {  	[smem:$0x3F82] =	sst lr;
	_ =	strace $0xD0000000  }
0x3: {  	_ = 	snop  }
0x4: {  	_ = 	snop  }
0x5: {  	_ = 	snop  }
0x6: {  	_ = 	snop  }
0x7: {  	_ = 	snop  }
__scs_overlays_trampoline_lowered:
0x8: {  	[smem:$0x3F91] =	sst s0  }
0x9: {  	[smem:$0x3F92] =	sst s1  }
0xa: {  	[smem:$0x3F93] =	sst s2  }
0xb: {  	[smem:$0x3F94] =	sst s3  }
0xc: {  	[smem:$0x3F95] =	sst s4  }
0xd: {  	[smem:$0x3F96] =	sst s5  }
0xe: {  	[smem:$0x3F97] =	sst s6  }
0xf: {  	[smem:$0x3F98] =	sst s7  }
0x10: {  	[smem:$0x3F99] =	sst s8  }
0x11: {  	[smem:$0x3F9A] =	sst s9;
	s0 =	simm.s32 @!p0 $0x0  }
0x12: {  	s1 =	sld [smem:$0x3F80];
	s0 =	simm.s32 @p0 $0x1  }
0x13: {  	[smem:$0x3F9B] =	sst s0;
	s0 =	simm.s32 @!p1 $0x0  }
0x14: {  	s2 =	sld [smem:$0x3F7F];
	s0 =	simm.s32 @p1 $0x1  }
0x15: {  	[smem:$0x3F9C] =	sst s0;
	s0 =	simm.s32 @!p2 $0x0  }
0x16: {  	s3 =	sld [smem:$0x3FDB];
	s0 =	simm.s32 @p2 $0x1  }
0x17: {  	s4 =	simm.s32 $0x1BF5;
	[smem:$0x3F9E] =	sst s0  }
0x18: {  	s0 =	sld [smem:$0x3F81];
	_ =	swait.ge [sflag:s4], $0x0  }
0x19: {  	s7 =	sld [smem:$0x3F82]  }
0x1a: {  	s8 =	sadd.s32 $0xFFFFE003, lr  }
0x1b: {  	s9 =	sadd.s32 $0xFFFFFEF7, lr;
	s5 =	simm.s32 $0xFFFFFFFF;
	p2 =	slt.u32 s8, $0xFFFFF086  }
0x1c: {  	p1 =	slt.u32 s9, $0xF7A;
	s5 =	simm.s32 @!p2 $0x0  }
0x1d: {  	s5 =	simm.s32 @p1 $0x1;
	p0 =	seq.s32 s7, s2  }
0x1e: {  	s7 =	smul.u32 @!p0 $0xF7A, s2;
	p2 =	seq.s32 @!p0 s5, $0x0  }
0x1f: {  	s9 =	smul.u32 $0xF7A, s1;
	s8 =	simm.s32 @!p0 $0x1BF5;
	p2 =	por !p2, p0  }
0x20: {  	[sflag:s8] =	ssyncset.s32 @!p0 $0xFFFFF086;
	s6 =	sadd.s32 @!p0 s3, s7;
	s7 =	simm.s32 @!p0 $0x108  }
0x21: {  	s3 =	sadd.s32 s3, s9;
	s6 =	sadd.s32 @!p0 $0x88, s6;
	s7 =	simm.s32 @p2 $0x1082  }
0x22: {  	[simem:s7], [sflag:s8] =	dma.local @!p0 [hbm:s6], $0xF7A  }
0x23: {  	s9 =	sor.u32 $0xD0000000, s2;
	s6 =	simm.s32 $0x108;
	_ =	swait.ge @!p0 [sflag:s8], $0x0  }
0x24: {  	s3 =	sadd.s32 $0x88, s3;
	s6 =	simm.s32 @!p1 $0x1082;
	[sflag:s4] =	ssyncset.s32 $0xFFFFF086  }
0x25: {  	[simem:s6], [sflag:s4] =	dma.local [hbm:s3], $0xF7A  }
0x26: {  	[smem:$0x3F82] =	sst s1;
	(tag) =	ssettag s2;
	_ =	strace s9  }
0x27: {  	s1 =	sld [smem:$0x3F92]  }
0x28: {  	s2 =	sld [smem:$0x3F93]  }
0x29: {  	s4 =	sld [smem:$0x3F95]  }
0x2a: {  	p0 =	seq.s32 s5, $0x0;
	s5 =	sld [smem:$0x3F96]  }
0x2b: {  	s6 =	sld [smem:$0x3F97]  }
0x2c: {  	s7 =	sld [smem:$0x3F98]  }
0x2d: {  	s3 =	simm.s32 $0x108;
	s8 =	sld [smem:$0x3F99]  }
0x2e: {  	s3 =	simm.s32 @!p0 $0x1082;
	s9 =	sld [smem:$0x3F9A]  }
0x2f: {  	lr =	sadd.s32 s0, s3;
	s0 =	sld [smem:$0x3F91]  }
0x30: {  	s3 =	sld [smem:$0x3F94]  }
0x31: {  	[smem:$0x3F9D] =	sst s10  }
0x32: {  	s10 =	sld [smem:$0x3F9B];
	_ =	sdelay $0x3  }
0x33: {  	p0 =	seq.s32 s10, $0x1;
	s10 =	sld [smem:$0x3F9D];
	_ =	sdelay $0x3  }
0x34: {  	[smem:$0x3F9D] =	sst s10  }
0x35: {  	s10 =	sld [smem:$0x3F9C];
	_ =	sdelay $0x3  }
0x36: {  	p1 =	seq.s32 s10, $0x1;
	s10 =	sld [smem:$0x3F9D];
	_ =	sdelay $0x3  }
0x37: {  	[smem:$0x3F9D] =	sst s10  }
0x38: {  	s10 =	sld [smem:$0x3F9E]  }
0x39: {  	_ = 	snop;
	(pc) =	sbr.ind lr, $3  }
0x3a: {  	_ = 	snop  }
0x3b: {  	_ = 	snop  }
0x3c: {  	p2 =	seq.s32 s10, $0x1;
	s10 =	sld [smem:$0x3F9D]  }
0x3d: {  	_ =	shalt  }
0x3e: {  	_ =	shalt  }
0x3f: {  	_ =	shalt  }
0x40: {  	_ =	shalt  }
0x41: {  	_ =	shalt  }
0x42: {  	_ =	shalt  }
0x43: {  	_ =	shalt  }
0x44: {  	_ =	shalt  }
0x45: {  	_ =	shalt  }
0x46: {  	_ =	shalt  }
0x47: {  	_ =	shalt  }
0x48: {  	_ =	shalt  }
0x49: {  	_ =	shalt  }
0x4a: {  	_ =	shalt  }
0x4b: {  	_ =	shalt  }
0x4c: {  	_ =	shalt  }
0x4d: {  	_ =	shalt  }
0x4e: {  	_ =	shalt  }
0x4f: {  	_ =	shalt  }
0x50: {  	_ =	shalt  }
0x51: {  	_ =	shalt  }
0x52: {  	_ =	shalt  }
0x53: {  	_ =	shalt  }
0x54: {  	_ =	shalt  }
0x55: {  	_ =	shalt  }
0x56: {  	_ =	shalt  }
0x57: {  	_ =	shalt  }
0x58: {  	_ =	shalt  }
0x59: {  	_ =	shalt  }
0x5a: {  	_ =	shalt  }
0x5b: {  	_ =	shalt  }
0x5c: {  	_ =	shalt  }
0x5d: {  	_ =	shalt  }
0x5e: {  	_ =	shalt  }
0x5f: {  	_ =	shalt  }
0x60: {  	_ =	shalt  }
0x61: {  	_ =	shalt  }
0x62: {  	_ =	shalt  }
0x63: {  	_ =	shalt  }
0x64: {  	_ =	shalt  }
0x65: {  	_ =	shalt  }
0x66: {  	_ =	shalt  }
0x67: {  	_ =	shalt  }
0x68: {  	_ =	shalt  }
0x69: {  	_ =	shalt  }
0x6a: {  	_ =	shalt  }
0x6b: {  	_ =	shalt  }
0x6c: {  	_ =	shalt  }
0x6d: {  	_ =	shalt  }
0x6e: {  	_ =	shalt  }
0x6f: {  	_ =	shalt  }
0x70: {  	_ =	shalt  }
0x71: {  	_ =	shalt  }
0x72: {  	_ =	shalt  }
0x73: {  	_ =	shalt  }
0x74: {  	_ =	shalt  }
0x75: {  	_ =	shalt  }
0x76: {  	_ =	shalt  }
0x77: {  	_ =	shalt  }
0x78: {  	_ =	shalt  }
0x79: {  	_ =	shalt  }
0x7a: {  	_ =	shalt  }
0x7b: {  	_ =	shalt  }
0x7c: {  	_ =	shalt  }
0x7d: {  	_ =	shalt  }
0x7e: {  	_ =	shalt  }
0x7f: {  	_ =	shalt  }
0x80: {  	_ =	shalt  }
0x81: {  	_ =	shalt  }
0x82: {  	_ =	shalt  }
0x83: {  	_ =	shalt  }
0x84: {  	_ =	shalt  }
0x85: {  	_ =	shalt  }
0x86: {  	_ =	shalt  }
0x87: {  	_ =	shalt  }
.Lfunc_end0:
.L_simem_size_0:
called_computation.2_lowered:
.L_overlay_start_0:
0x88: {  	s2 =	sld [smem:$0x3FD9]  }
0x89: {  	s3 =	sld [smem:$0x3FFE];
	_ =	sdelay $0x1  }
0x8a: {  	s1 =	srdreg.scid  }
0x8b: {  	s0 =	sand.u32 $0x1, s1  }
0x8c: {  	s16 =	sshll.u32 s0, $0xA;
	s2 =	sadd.s32 s3, s2  }
0x8d: {  	s2 =	sadd.s32 s2, s16  }
0x8e: {  	[smem:$0x3FA9] =	sst s2  }
0x8f: {  	_ = 	snop  }
0x90: {  	(tm) =	ssettm $0x1  }
0x91: {  	s17 =	sld [smem:$0x3FFB];
	_ =	sdelay $0x3  }
0x92: {  	_ =	strace s17  }
0x93: {  	s2 =	sld [smem:$0x3FFC];
	_ =	sdelay $0x3  }
0x94: {  	_ =	strace s2  }
0x95: {  	s2 =	sld [smem:$0x3FFD];
	_ =	sdelay $0x3  }
0x96: {  	_ =	strace s2  }
0x97: {  	_ =	strace $0x8FFFFFFF  }
0x98: {  	s18 =	sld [smem:$0x3FDB];
	_ =	sdelay $0x1  }
0x99: {  	s19 =	simm.s32 $_scs_section_size  }
0x9a: {  	s4 =	simm.s32 $_size__tile_overlayer_lowered;
	s5 =	simm.s32 $_tile_overlayer_lowered  }
0x9b: {  	s22 =	simm.s32 $0x1BFF;
	s21 =	sshll.u32 s5, $0x1;
	s2 =	sadd.s32 s19, s18  }
0x9c: {  	s6 =	simm.s32 $0x0;
	s20 =	sshll.u32 s4, $0x1;
	s4 =	sadd.s32 s21, s2  }
0x9d: {  	[timem:s6], [sflag:s22] =	dma.local [hbm:s4], s20  }
0x9e: {  	_ =	swait.ge [sflag:s22], s20  }
0x9f: {  	s3 =	ssub.s32 $0x0, s20;
	[sflag:s22] =	ssyncset.done $0x0  }
0xa0: {  	[sflag:s22] =	ssyncadd.s32 s3;
	_ =	sdelay $0x1  }
0xa1: {  	s23 =	simm.s32 $0x1B8B  }
0xa2: {  	_ =	swait.ge [sflag:s23], $0x1  }
0xa3: {  	[sflag:s23] =	ssyncset.done $0x0  }
0xa4: {  	s25 =	simm.s32 $0x1B8E;
	s24 =	sld [smem:$0x3FFE];
	[sflag:s23] =	ssyncadd.s32 $0xFFFFFFFF  }
0xa5: {  	s26 =	simm.s32 $execute0_lowered;
	[smem:$0x3FD2] =	sst s25  }
0xa6: {  	s4 =	sshll.u32 s26, $0x1;
	_ =	strace $0x8000004C;
	[dreg:$0x1] =	wrdreg $0xFFFFFFFF  }
0xa7: {  	s28 =	simm.s32 $_size_execute0_lowered;
	s2 =	sadd.s32 s2, s4;
	[dreg:$0x0] =	wrdreg $0x0  }
0xa8: {  	s4 =	sshll.u32 s28, $0x1;
	[dreg:$0x2] =	wrdreg s2  }
0xa9: {  	[dreg:$0x3] =	wrdreg s4  }
0xaa: {  	[dreg:$0x4] =	wrdreg $0xC0  }
0xab: {  	_ =	task [dreg:s6], $0x5FFFF  }
0xac: {  	[dreg:$0x1] =	wrdreg $0xFFFFFFFF  }
0xad: {  	[dreg:$0x0] =	wrdreg $0x60  }
0xae: {  	[dreg:$0x2] =	wrdreg s24  }
0xaf: {  	[dreg:$0x3] =	wrdreg $0x9  }
0xb0: {  	_ =	task.clear_ibuf [dreg:s6], $0x4FFFF;
	_ =	strace $0x9000004C  }
0xb1: {  	s29 =	simm.s32 $0x9;
	_ =	strace $0x8000004E  }
0xb2: {  	_ =	swait.ge [sflag:s29], $0x1  }
0xb3: {  	[sflag:s29] =	ssyncadd.s32 $0xFFFFFFFF  }
0xb4: {  	_ =	strace $0x9000004E  }
0xb5: {  	_ =	sfence  }
0xb6: {  	s30 =	sld [smem:$0x0];
	_ =	sdelay $0x2  }
0xb7: {  	s31 =	sshll.u32 s1, $0xD;
	s1 =	sshrl.u32 s1, $0x2  }
0xb8: {  	s3 =	sand.u32 $0x4000, s31;
	s1 =	sadd.s32 s1, s30  }
0xb9: {  	s0 =	sor.u32 s3, s0;
	s1 =	sshll.u32 s1, $0x11  }
0xba: {  	s0 =	sor.u32 s1, s0  }
0xbb: {  	s0 =	sadd.s32 $0x8F2B, s0  }
0xbc: {  	[sflag:s0] =	ssyncadd.remote.s32 $0x1  }
0xbd: {  	_ =	sfence.sel $0xFFFF  }
0xbe: {  	[dreg:$0x0] =	wrdreg $0xFFFFFFFF;
	(pc) =	sbr.abs _section_cstart, $3  }
0xbf: {  	[dreg:$0x1] =	wrdreg $0xFFFFFFFF  }
0xc0: {  	_ =	task.clear_ibuf [dreg:s6], $0x2FFFF;
	_ =	strace $0x9FFFFFFF  }
0xc1: {  	(tm) =	ssettm $0x7FFFFFFF  }
tec
execute0_lowered:
.L_overlay_start_1:
0x0: {  	(tag) =	ssettag $0x1  }
0x1: {  	s4 =	rddreg [dreg:$0x0]  }
0x2: {  	s0 =	rddreg [dreg:$0x1];
	s2 =	simm.s32 $0x0;
	s1 =	stileid.u32  }
0x3: {  	s3 =	srdreg.scid;
	s10 =	simm.s32 $0x0;
	s6 =	smul.u32 $0x1E00, s1  }
0x4: {  	[smem:$0x7FF] =	sst s2;
	s5 =	sand.u32 $0x1, s3;
	s8 =	smul.u32 $0x7800, s1  }
0x5: {  	s3 =	sadd.s32 $0x7400, s4;
	s7 =	smul.u32 $0xF00, s5;
	s9 =	ssub.s32 $0x2, s5  }
0x6: {  	_ =	strace $0x8000004D;
	s5 =	smul.u32 $0x3C00, s5;
	s31 =	sshrl.u32 s9, $0x1  }
0x7: {  	s8 =	sadd.s32 s8, s4;
	s6 =	sadd.s32 s7, s6;
	s7 =	ssub.s32 s9, s31  }
0x8: {  	s5 =	sadd.s32 s5, s8;
	s8 =	simm.s32 $0x80;
	s6 =	sshrl.u32 s6, $0x3  }
0x9: {  	s9 =	simm.s32 $0x1;
	s5 =	sadd.s32 $0x7E600, s5;
	s6 =	sadd.s32 s6, s4  }
0xa: {  	s4 =	smax.u32 s7, $0x1;
	s7 =	simm.s32 $0x2;
	s6 =	sadd.s32 $0x2C800, s6  }
.LBB2_1:
0xb: {  	s11 =	sadd.s32 $0x0, s6  }
0xc: {  	[tilespmem:s2], [sflag:$0x2] =	stream.linear.gather [hbm4b:s11+s2], $0x80, $0x38;
	[tilespmem:$0x1080] =	vst v63  }
0xd: {  	_ =	swait.ge [sflag:s7], $0x80  }
0xe: {  	[sflag:s7] =	ssyncset.done $0x0  }
0xf: {  	[sflag:s7] =	ssyncadd.s32 $0xFFFFFF80  }
0x10: {  	[tilespmem:s8], [sflag:$0x1] =	stream.indirect.gather [hbm4b:s3+s8], $0x20, s2, s8, $0xb8;
	[tilespmem:$0x1080] =	vst v63  }
0x11: {  	_ =	swait.ge [sflag:s9], $0x1000  }
0x12: {  	[sflag:s9] =	ssyncset.done $0x0  }
0x13: {  	[sflag:s9] =	ssyncadd.s32 $0xFFFFF000  }
0x14: {  	[hbm4b:s5+s2] =	stream.linear.scatter [tilespmem:s8], [sflag:$0x2], $0x1000, $0x38;
	[tilespmem:$0x1080] =	vst v63  }
0x15: {  	s12 =	simm.s32 $0x10;
	_ =	swait.ge [sflag:s7], $0x1000  }
0x16: {  	s13 =	simm.s32 $0x20;
	s11 =	sadd.s32 $0x200, s5;
	[sflag:s7] =	ssyncset.done $0x0  }
.LBB2_2:
0x17: {  	s14 =	sadd.s32 s12, s6  }
0x18: {  	[sflag:s7] =	ssyncadd.s32 $0xFFFFF000;
	s12 =	smov.u32 s13;
	s15 =	sadd.s32 $0x10, s13  }
0x19: {  	[tilespmem:s2], [sflag:$0x2] =	stream.linear.gather [hbm4b:s14+s2], $0x80, $0x38;
	[tilespmem:$0x1080] =	vst v63  }
0x1a: {  	p0 =	sne.s32 s13, $0x1D0;
	_ =	swait.ge [sflag:s7], $0x80  }
0x1b: {  	[sflag:s7] =	ssyncset.done $0x0  }
0x1c: {  	[sflag:s7] =	ssyncadd.s32 $0xFFFFFF80  }
0x1d: {  	[tilespmem:s8], [sflag:$0x1] =	stream.indirect.gather [hbm4b:s3+s8], $0x20, s2, s8, $0xb8;
	[tilespmem:$0x1080] =	vst v63  }
0x1e: {  	_ =	swait.ge [sflag:s9], $0x1000  }
.Ltmp0:
0x1f: {  	[sflag:s9] =	ssyncset.done $0x0;
	(pc) =	sbr.rel @p0 .LBB2_2-.Ltmp0, $4  }
0x20: {  	[sflag:s9] =	ssyncadd.s32 $0xFFFFF000  }
0x21: {  	[hbm4b:s11+s2] =	stream.linear.scatter [tilespmem:s8], [sflag:$0x2], $0x1000, $0x38;
	[tilespmem:$0x1080] =	vst v63  }
0x22: {  	_ =	swait.ge [sflag:s7], $0x1000  }
0x23: {  	s13 =	smov.u32 s15;
	s11 =	sadd.s32 $0x200, s11;
	[sflag:s7] =	ssyncset.done $0x0  }
0x24: {  	s12 =	sadd.s32 s12, s6;
	[sflag:s7] =	ssyncadd.s32 $0xFFFFF000  }
0x25: {  	[tilespmem:s2], [sflag:$0x2] =	stream.linear.gather [hbm4b:s12+s2], $0x80, $0x38;
	[tilespmem:$0x1080] =	vst v63  }
0x26: {  	_ =	swait.ge [sflag:s7], $0x80  }
0x27: {  	[sflag:s7] =	ssyncset.done $0x0  }
0x28: {  	[sflag:s7] =	ssyncadd.s32 $0xFFFFFF80  }
0x29: {  	[tilespmem:s8], [sflag:$0x1] =	stream.indirect.gather [hbm4b:s3+s8], $0x20, s2, s8, $0xb8;
	[tilespmem:$0x1080] =	vst v63  }
0x2a: {  	s10 =	sadd.s32 $0x1, s10;
	_ =	swait.ge [sflag:s9], $0x1000  }
0x2b: {  	p0 =	sne.s32 s10, s4;
	[sflag:s9] =	ssyncset.done $0x0  }
.Ltmp1:
0x2c: {  	[sflag:s9] =	ssyncadd.s32 $0xFFFFF000;
	(pc) =	sbr.rel @p0 .LBB2_1-.Ltmp1, $4  }
0x2d: {  	[hbm4b:s11+s2] =	stream.linear.scatter [tilespmem:s8], [sflag:$0x2], $0x1000, $0x38;
	[tilespmem:$0x1080] =	vst v63  }
0x2e: {  	_ =	swait.ge [sflag:s7], $0x1000  }
0x2f: {  	[sflag:s7] =	ssyncset.done $0x0  }
0x30: {  	[sflag:s7] =	ssyncadd.s32 $0xFFFFF000  }
0x31: {  	_ =	sfence.sel $0x180000  }
0x32: {  	[bflag:$0x0] =	sbarrier.arrive $0xFFFF  }
0x33: {  	p0 =	sne.s32 s1, $0x0;
	_ =	strace $0x9000004D  }
0x34: {  	s0 =	sadd.s32 @!p0 $0x100000, s0;
	[bflag:$0x2] =	sbarrier.arrive $0xFFFF  }
0x35: {  	[sflag:s0] =	ssyncadd.tile.s32 @!p0 $0x1;
	_ =	shalt  }
.Lfunc_end2:
_tile_overlayer_lowered:
.L_overlay_start_2:
0x36: {  	(tag) =	ssettag $0x2  }
0x37: {  	s0 =	rddreg [dreg:$0x0];
	s2 =	stileid.u32  }
0x38: {  	s1 =	rddreg [dreg:$0x1];
	p0 =	sne.s32 s2, $0x0  }
0x39: {  	s3 =	rddreg [dreg:$0x2];
	[bflag:$0x3] =	sbarrier.arrive $0xFFFF;
	s2 =	simm.s32 @!p0 $0x1C02  }
0x3a: {  	[timem:s3], [sflag:s2] =	dma.local @!p0 [hbm:s0], s1  }
0x3b: {  	s0 =	simm.s32 @!p0 $0x2  }
0x3c: {  	_ =	swait.ge @!p0 [sflag:s0], s1  }
0x3d: {  	s1 =	ssub.s32 @!p0 $0x0, s1;
	[sflag:s0] =	ssyncset.done @!p0 $0x0  }
0x3e: {  	[sflag:s0] =	ssyncadd.s32 @!p0 s1  }
0x3f: {  	[bflag:$0x3] =	sbarrier.arrive $0xFFFF  }
0x40: {  	_ =	shalt  }

// kernel: kernel.22.cloned.1.call-start
scs
__scs_entry_jumppad:
0x0: {  	(pc) =	sbr.rel $0x88, $3  }
0x1: {  	(tag) =	ssettag $0x0;
	lr =	simm.s32 $0x1  }
0x2: {  	[smem:$0x3F82] =	sst lr;
	_ =	strace $0xD0000000  }
0x3: {  	_ = 	snop  }
0x4: {  	_ = 	snop  }
0x5: {  	_ = 	snop  }
0x6: {  	_ = 	snop  }
0x7: {  	_ = 	snop  }
__scs_overlays_trampoline_lowered:
0x8: {  	[smem:$0x3F91] =	sst s0  }
0x9: {  	[smem:$0x3F92] =	sst s1  }
0xa: {  	[smem:$0x3F93] =	sst s2  }
0xb: {  	[smem:$0x3F94] =	sst s3  }
0xc: {  	[smem:$0x3F95] =	sst s4  }
0xd: {  	[smem:$0x3F96] =	sst s5  }
0xe: {  	[smem:$0x3F97] =	sst s6  }
0xf: {  	[smem:$0x3F98] =	sst s7  }
0x10: {  	[smem:$0x3F99] =	sst s8  }
0x11: {  	[smem:$0x3F9A] =	sst s9;
	s0 =	simm.s32 @!p0 $0x0  }
0x12: {  	s1 =	sld [smem:$0x3F80];
	s0 =	simm.s32 @p0 $0x1  }
0x13: {  	[smem:$0x3F9B] =	sst s0;
	s0 =	simm.s32 @!p1 $0x0  }
0x14: {  	s2 =	sld [smem:$0x3F7F];
	s0 =	simm.s32 @p1 $0x1  }
0x15: {  	[smem:$0x3F9C] =	sst s0;
	s0 =	simm.s32 @!p2 $0x0  }
0x16: {  	s3 =	sld [smem:$0x3FDB];
	s0 =	simm.s32 @p2 $0x1  }
0x17: {  	s4 =	simm.s32 $0x1BF5;
	[smem:$0x3F9E] =	sst s0  }
0x18: {  	s0 =	sld [smem:$0x3F81];
	_ =	swait.ge [sflag:s4], $0x0  }
0x19: {  	s7 =	sld [smem:$0x3F82]  }
0x1a: {  	s8 =	sadd.s32 $0xFFFFE003, lr  }
0x1b: {  	s9 =	sadd.s32 $0xFFFFFEF7, lr;
	s5 =	simm.s32 $0xFFFFFFFF;
	p2 =	slt.u32 s8, $0xFFFFF086  }
0x1c: {  	p1 =	slt.u32 s9, $0xF7A;
	s5 =	simm.s32 @!p2 $0x0  }
0x1d: {  	s5 =	simm.s32 @p1 $0x1;
	p0 =	seq.s32 s7, s2  }
0x1e: {  	s7 =	smul.u32 @!p0 $0xF7A, s2;
	p2 =	seq.s32 @!p0 s5, $0x0  }
0x1f: {  	s9 =	smul.u32 $0xF7A, s1;
	s8 =	simm.s32 @!p0 $0x1BF5;
	p2 =	por !p2, p0  }
0x20: {  	[sflag:s8] =	ssyncset.s32 @!p0 $0xFFFFF086;
	s6 =	sadd.s32 @!p0 s3, s7;
	s7 =	simm.s32 @!p0 $0x108  }
0x21: {  	s3 =	sadd.s32 s3, s9;
	s6 =	sadd.s32 @!p0 $0x88, s6;
	s7 =	simm.s32 @p2 $0x1082  }
0x22: {  	[simem:s7], [sflag:s8] =	dma.local @!p0 [hbm:s6], $0xF7A  }
0x23: {  	s9 =	sor.u32 $0xD0000000, s2;
	s6 =	simm.s32 $0x108;
	_ =	swait.ge @!p0 [sflag:s8], $0x0  }
0x24: {  	s3 =	sadd.s32 $0x88, s3;
	s6 =	simm.s32 @!p1 $0x1082;
	[sflag:s4] =	ssyncset.s32 $0xFFFFF086  }
0x25: {  	[simem:s6], [sflag:s4] =	dma.local [hbm:s3], $0xF7A  }
0x26: {  	[smem:$0x3F82] =	sst s1;
	(tag) =	ssettag s2;
	_ =	strace s9  }
0x27: {  	s1 =	sld [smem:$0x3F92]  }
0x28: {  	s2 =	sld [smem:$0x3F93]  }
0x29: {  	s4 =	sld [smem:$0x3F95]  }
0x2a: {  	p0 =	seq.s32 s5, $0x0;
	s5 =	sld [smem:$0x3F96]  }
0x2b: {  	s6 =	sld [smem:$0x3F97]  }
0x2c: {  	s7 =	sld [smem:$0x3F98]  }
0x2d: {  	s3 =	simm.s32 $0x108;
	s8 =	sld [smem:$0x3F99]  }
0x2e: {  	s3 =	simm.s32 @!p0 $0x1082;
	s9 =	sld [smem:$0x3F9A]  }
0x2f: {  	lr =	sadd.s32 s0, s3;
	s0 =	sld [smem:$0x3F91]  }
0x30: {  	s3 =	sld [smem:$0x3F94]  }
0x31: {  	[smem:$0x3F9D] =	sst s10  }
0x32: {  	s10 =	sld [smem:$0x3F9B];
	_ =	sdelay $0x3  }
0x33: {  	p0 =	seq.s32 s10, $0x1;
	s10 =	sld [smem:$0x3F9D];
	_ =	sdelay $0x3  }
0x34: {  	[smem:$0x3F9D] =	sst s10  }
0x35: {  	s10 =	sld [smem:$0x3F9C];
	_ =	sdelay $0x3  }
0x36: {  	p1 =	seq.s32 s10, $0x1;
	s10 =	sld [smem:$0x3F9D];
	_ =	sdelay $0x3  }
0x37: {  	[smem:$0x3F9D] =	sst s10  }
0x38: {  	s10 =	sld [smem:$0x3F9E]  }
0x39: {  	_ = 	snop;
	(pc) =	sbr.ind lr, $3  }
0x3a: {  	_ = 	snop  }
0x3b: {  	_ = 	snop  }
0x3c: {  	p2 =	seq.s32 s10, $0x1;
	s10 =	sld [smem:$0x3F9D]  }
0x3d: {  	_ =	shalt  }
0x3e: {  	_ =	shalt  }
0x3f: {  	_ =	shalt  }
0x40: {  	_ =	shalt  }
0x41: {  	_ =	shalt  }
0x42: {  	_ =	shalt  }
0x43: {  	_ =	shalt  }
0x44: {  	_ =	shalt  }
0x45: {  	_ =	shalt  }
0x46: {  	_ =	shalt  }
0x47: {  	_ =	shalt  }
0x48: {  	_ =	shalt  }
0x49: {  	_ =	shalt  }
0x4a: {  	_ =	shalt  }
0x4b: {  	_ =	shalt  }
0x4c: {  	_ =	shalt  }
0x4d: {  	_ =	shalt  }
0x4e: {  	_ =	shalt  }
0x4f: {  	_ =	shalt  }
0x50: {  	_ =	shalt  }
0x51: {  	_ =	shalt  }
0x52: {  	_ =	shalt  }
0x53: {  	_ =	shalt  }
0x54: {  	_ =	shalt  }
0x55: {  	_ =	shalt  }
0x56: {  	_ =	shalt  }
0x57: {  	_ =	shalt  }
0x58: {  	_ =	shalt  }
0x59: {  	_ =	shalt  }
0x5a: {  	_ =	shalt  }
0x5b: {  	_ =	shalt  }
0x5c: {  	_ =	shalt  }
0x5d: {  	_ =	shalt  }
0x5e: {  	_ =	shalt  }
0x5f: {  	_ =	shalt  }
0x60: {  	_ =	shalt  }
0x61: {  	_ =	shalt  }
0x62: {  	_ =	shalt  }
0x63: {  	_ =	shalt  }
0x64: {  	_ =	shalt  }
0x65: {  	_ =	shalt  }
0x66: {  	_ =	shalt  }
0x67: {  	_ =	shalt  }
0x68: {  	_ =	shalt  }
0x69: {  	_ =	shalt  }
0x6a: {  	_ =	shalt  }
0x6b: {  	_ =	shalt  }
0x6c: {  	_ =	shalt  }
0x6d: {  	_ =	shalt  }
0x6e: {  	_ =	shalt  }
0x6f: {  	_ =	shalt  }
0x70: {  	_ =	shalt  }
0x71: {  	_ =	shalt  }
0x72: {  	_ =	shalt  }
0x73: {  	_ =	shalt  }
0x74: {  	_ =	shalt  }
0x75: {  	_ =	shalt  }
0x76: {  	_ =	shalt  }
0x77: {  	_ =	shalt  }
0x78: {  	_ =	shalt  }
0x79: {  	_ =	shalt  }
0x7a: {  	_ =	shalt  }
0x7b: {  	_ =	shalt  }
0x7c: {  	_ =	shalt  }
0x7d: {  	_ =	shalt  }
0x7e: {  	_ =	shalt  }
0x7f: {  	_ =	shalt  }
0x80: {  	_ =	shalt  }
0x81: {  	_ =	shalt  }
0x82: {  	_ =	shalt  }
0x83: {  	_ =	shalt  }
0x84: {  	_ =	shalt  }
0x85: {  	_ =	shalt  }
0x86: {  	_ =	shalt  }
0x87: {  	_ =	shalt  }
.Lfunc_end0:
.L_simem_size_0:
called_computation.3_lowered:
.L_overlay_start_0:
0x88: {  	s2 =	sld [smem:$0x3FD9]  }
0x89: {  	s3 =	sld [smem:$0x3FFE];
	_ =	sdelay $0x1  }
0x8a: {  	s1 =	srdreg.scid  }
0x8b: {  	s0 =	sand.u32 $0x1, s1  }
0x8c: {  	s16 =	sshll.u32 s0, $0xA;
	s2 =	sadd.s32 s3, s2  }
0x8d: {  	s2 =	sadd.s32 s2, s16  }
0x8e: {  	[smem:$0x3FA9] =	sst s2  }
0x8f: {  	_ = 	snop  }
0x90: {  	(tm) =	ssettm $0x1  }
0x91: {  	s17 =	sld [smem:$0x3FFB];
	_ =	sdelay $0x3  }
0x92: {  	_ =	strace s17  }
0x93: {  	s2 =	sld [smem:$0x3FFC];
	_ =	sdelay $0x3  }
0x94: {  	_ =	strace s2  }
0x95: {  	s2 =	sld [smem:$0x3FFD];
	_ =	sdelay $0x3  }
0x96: {  	_ =	strace s2  }
0x97: {  	_ =	strace $0x8FFFFFFF  }
0x98: {  	s18 =	sld [smem:$0x3FDB];
	_ =	sdelay $0x1  }
0x99: {  	s19 =	simm.s32 $_scs_section_size  }
0x9a: {  	s4 =	simm.s32 $_size__tile_overlayer_lowered;
	s5 =	simm.s32 $_tile_overlayer_lowered  }
0x9b: {  	s22 =	simm.s32 $0x1BFF;
	s21 =	sshll.u32 s5, $0x1;
	s2 =	sadd.s32 s19, s18  }
0x9c: {  	s6 =	simm.s32 $0x0;
	s20 =	sshll.u32 s4, $0x1;
	s4 =	sadd.s32 s21, s2  }
0x9d: {  	[timem:s6], [sflag:s22] =	dma.local [hbm:s4], s20  }
0x9e: {  	_ =	swait.ge [sflag:s22], s20  }
0x9f: {  	s3 =	ssub.s32 $0x0, s20;
	[sflag:s22] =	ssyncset.done $0x0  }
0xa0: {  	[sflag:s22] =	ssyncadd.s32 s3;
	_ =	sdelay $0x1  }
0xa1: {  	s23 =	simm.s32 $0x1B8B  }
0xa2: {  	_ =	swait.ge [sflag:s23], $0x1  }
0xa3: {  	[sflag:s23] =	ssyncset.done $0x0  }
0xa4: {  	s25 =	simm.s32 $0x1B8E;
	s24 =	sld [smem:$0x3FFE];
	[sflag:s23] =	ssyncadd.s32 $0xFFFFFFFF  }
0xa5: {  	s26 =	simm.s32 $execute0_lowered;
	[smem:$0x3FD2] =	sst s25  }
0xa6: {  	s4 =	sshll.u32 s26, $0x1;
	_ =	strace $0x8000004F;
	[dreg:$0x1] =	wrdreg $0xFFFFFFFF  }
0xa7: {  	s28 =	simm.s32 $_size_execute0_lowered;
	s2 =	sadd.s32 s2, s4;
	[dreg:$0x0] =	wrdreg $0x0  }
0xa8: {  	s4 =	sshll.u32 s28, $0x1;
	[dreg:$0x2] =	wrdreg s2  }
0xa9: {  	[dreg:$0x3] =	wrdreg s4  }
0xaa: {  	[dreg:$0x4] =	wrdreg $0xC0  }
0xab: {  	_ =	task [dreg:s6], $0x5FFFF  }
0xac: {  	[dreg:$0x1] =	wrdreg $0xFFFFFFFF  }
0xad: {  	[dreg:$0x0] =	wrdreg $0x60  }
0xae: {  	[dreg:$0x2] =	wrdreg s24  }
0xaf: {  	[dreg:$0x3] =	wrdreg $0x102E00  }
0xb0: {  	[dreg:$0x4] =	wrdreg $0x9  }
0xb1: {  	_ =	task.clear_ibuf [dreg:s6], $0x5FFFF;
	_ =	strace $0x9000004F  }
0xb2: {  	s29 =	simm.s32 $0x9;
	_ =	strace $0x80000051  }
0xb3: {  	_ =	swait.ge [sflag:s29], $0x1  }
0xb4: {  	[sflag:s29] =	ssyncadd.s32 $0xFFFFFFFF  }
0xb5: {  	_ =	strace $0x90000051  }
0xb6: {  	_ =	sfence  }
0xb7: {  	s30 =	sld [smem:$0x0];
	_ =	sdelay $0x2  }
0xb8: {  	s31 =	sshll.u32 s1, $0xD;
	s1 =	sshrl.u32 s1, $0x2  }
0xb9: {  	s3 =	sand.u32 $0x4000, s31;
	s1 =	sadd.s32 s1, s30  }
0xba: {  	s0 =	sor.u32 s3, s0;
	s1 =	sshll.u32 s1, $0x11  }
0xbb: {  	s0 =	sor.u32 s1, s0  }
0xbc: {  	s0 =	sadd.s32 $0x8F2B, s0  }
0xbd: {  	[sflag:s0] =	ssyncadd.remote.s32 $0x1  }
0xbe: {  	_ =	sfence.sel $0xFFFF  }
0xbf: {  	[dreg:$0x0] =	wrdreg $0xFFFFFFFF;
	(pc) =	sbr.abs _section_cstart, $3  }
0xc0: {  	[dreg:$0x1] =	wrdreg $0xFFFFFFFF  }
0xc1: {  	_ =	task.clear_ibuf [dreg:s6], $0x2FFFF;
	_ =	strace $0x9FFFFFFF  }
0xc2: {  	(tm) =	ssettm $0x7FFFFFFF  }
0xc3: {  	_ =	shalt  }
tec
execute0_lowered:
.L_overlay_start_1:
0x0: {  	(tag) =	ssettag $0x1  }
0x1: {  	s0 =	stileid.u32;
	s1 =	srdreg.scid  }
0x2: {  	s5 =	rddreg [dreg:$0x0];
	s4 =	smul.u32 $0xF00, s0  }
0x3: {  	s2 =	rddreg [dreg:$0x1];
	s3 =	simm.s32 $0x0;
	s8 =	smul.u32 $0x5A00, s0  }
0x4: {  	s6 =	sand.u32 $0x1, s1;
	s1 =	rddreg [dreg:$0x2];
	s29 =	smul.u32 $0xEA60, s0  }
0x5: {  	[smem:$0x7FF] =	sst s3;
	s7 =	smul.u32 $0x780, s6  }
0x6: {  	s9 =	smul.u32 $0xEA600, s6;
	_ =	strace $0x80000050;
	s11 =	ssub.s32 $0x2, s6  }
0x7: {  	s13 =	smul.u32 $0x2D00, s6;
	s8 =	sadd.s32 s8, s5;
	s12 =	sshrl.u32 s11, $0x1  }
0x8: {  	s4 =	sadd.s32 s7, s4;
	s9 =	sadd.s32 s29, s9;
	s31 =	ssub.s32 s11, s12  }
0x9: {  	s8 =	sadd.s32 s13, s8;
	s11 =	simm.s32 $0x1;
	s12 =	simm.s32 $0x80  }
0xa: {  	s13 =	simm.s32 $0x0;
	s4 =	sshrl.u32 s4, $0x3;
	s9 =	sshrl.u32 s9, $0x3  }
0xb: {  	s7 =	smax.u32 s31, $0x1;
	s8 =	sadd.s32 $0x7E600, s8;
	s10 =	sadd.s32 s4, s5  }
0xc: {  	s4 =	sadd.s32 $0x5600, s5;
	s30 =	sadd.s32 s9, s5;
	s5 =	sadd.s32 s29, s2  }
0xd: {  	s6 =	sadd.s32 $0xD8600, s30;
	s9 =	sadd.s32 $0x120400, s10;
	s10 =	simm.s32 $0x1880  }
.LBB2_1:
0xe: {  	[tilespmem:s10], [sflag:$0x1] =	stream.linear.gather [hbm4b:s4+s3], $0xEA60, $0x38;
	[tilespmem:$0x1ED40] =	vst v63  }
0xf: {  	_ =	swait.ge [sflag:s11], $0xEA60  }
0x10: {  	[sflag:s11] =	ssyncset.done $0x0  }
0x11: {  	[sflag:s11] =	ssyncadd.s32 $0xFFFF15A0  }
0x12: {  	[spmem:s5] =	stream.linear.scatter [tilespmem:s10], [sflag:$0x1], $0xEA60, $0x38;
	[tilespmem:$0x1ED40] =	vst v63  }
0x13: {  	_ =	swait.ge [sflag:s11], $0xEA60  }
0x14: {  	[sflag:s11] =	ssyncset.done $0x0  }
0x15: {  	[sflag:s11] =	ssyncadd.s32 $0xFFFF15A0  }
0x16: {  	s14 =	sadd.s32 $0x0, s9;
	[bflag:$0x0] =	sbarrier.arrive $0xFFFF  }
0x17: {  	[tilespmem:s3], [sflag:$0x1] =	stream.linear.gather [hbm4b:s14+s3], $0x80, $0x38;
	[tilespmem:$0x1ED40] =	vst v63  }
0x18: {  	_ =	swait.ge [sflag:s11], $0x80  }
0x19: {  	[sflag:s11] =	ssyncset.done $0x0  }
0x1a: {  	[sflag:s11] =	ssyncadd.s32 $0xFFFFFF80  }
0x1b: {  	[tilespmem:s12], [sflag:$0x1] =	stream.linear.gather [hbm4b:s8+s3], $0x1800, $0x38;
	[tilespmem:$0x1ED40] =	vst v63  }
0x1c: {  	_ =	swait.ge [sflag:s11], $0x1800  }
0x1d: {  	[sflag:s11] =	ssyncset.done $0x0  }
0x1e: {  	[sflag:s11] =	ssyncadd.s32 $0xFFFFE800  }
0x1f: {  	[spmem:s2] =	stream.indirect.scatter.add.f32 [tilespmem:s12], [sflag:$0x1], $0x30, s3, s12, $0xb8;
	[tilespmem:$0x1ED40] =	vst v63  }
0x20: {  	s15 =	simm.s32 $0x10;
	_ =	swait.ge [sflag:s11], $0x1800  }
0x21: {  	s16 =	simm.s32 $0x20;
	s14 =	sadd.s32 $0x300, s8;
	[sflag:s11] =	ssyncset.done $0x0  }
.LBB2_2:
0x22: {  	s17 =	sadd.s32 s15, s9  }
0x23: {  	[sflag:s11] =	ssyncadd.s32 $0xFFFFE800;
	s15 =	smov.u32 s16;
	s18 =	sadd.s32 $0x10, s16  }
0x24: {  	[tilespmem:s3], [sflag:$0x1] =	stream.linear.gather [hbm4b:s17+s3], $0x80, $0x38;
	[tilespmem:$0x1ED40] =	vst v63  }
0x25: {  	p0 =	sne.s32 s16, $0xE0;
	_ =	swait.ge [sflag:s11], $0x80  }
0x26: {  	[sflag:s11] =	ssyncset.done $0x0  }
0x27: {  	[sflag:s11] =	ssyncadd.s32 $0xFFFFFF80  }
0x28: {  	[tilespmem:s12], [sflag:$0x1] =	stream.linear.gather [hbm4b:s14+s3], $0x1800, $0x38;
	[tilespmem:$0x1ED40] =	vst v63  }
0x29: {  	_ =	swait.ge [sflag:s11], $0x1800  }
.Ltmp0:
0x2a: {  	[sflag:s11] =	ssyncset.done $0x0;
	(pc) =	sbr.rel @p0 .LBB2_2-.Ltmp0, $4  }
0x2b: {  	[sflag:s11] =	ssyncadd.s32 $0xFFFFE800  }
0x2c: {  	[spmem:s2] =	stream.indirect.scatter.add.f32 [tilespmem:s12], [sflag:$0x1], $0x30, s3, s12, $0xb8;
	[tilespmem:$0x1ED40] =	vst v63  }
0x2d: {  	_ =	swait.ge [sflag:s11], $0x1800  }
0x2e: {  	s16 =	smov.u32 s18;
	s14 =	sadd.s32 $0x300, s14;
	[sflag:s11] =	ssyncset.done $0x0  }
0x2f: {  	s15 =	sadd.s32 s15, s9;
	[sflag:s11] =	ssyncadd.s32 $0xFFFFE800  }
0x30: {  	[tilespmem:s3], [sflag:$0x1] =	stream.linear.gather [hbm4b:s15+s3], $0x80, $0x38;
	[tilespmem:$0x1ED40] =	vst v63  }
0x31: {  	_ =	swait.ge [sflag:s11], $0x80  }
0x32: {  	[sflag:s11] =	ssyncset.done $0x0  }
0x33: {  	[sflag:s11] =	ssyncadd.s32 $0xFFFFFF80  }
0x34: {  	[tilespmem:s12], [sflag:$0x1] =	stream.linear.gather [hbm4b:s14+s3], $0x1800, $0x38;
	[tilespmem:$0x1ED40] =	vst v63  }
0x35: {  	_ =	swait.ge [sflag:s11], $0x1800  }
0x36: {  	[sflag:s11] =	ssyncset.done $0x0  }
0x37: {  	[sflag:s11] =	ssyncadd.s32 $0xFFFFE800  }
0x38: {  	[spmem:s2] =	stream.indirect.scatter.add.f32 [tilespmem:s12], [sflag:$0x1], $0x30, s3, s12, $0xb8;
	[tilespmem:$0x1ED40] =	vst v63  }
0x39: {  	_ =	swait.ge [sflag:s11], $0x1800  }
0x3a: {  	[sflag:s11] =	ssyncset.done $0x0  }
0x3b: {  	[sflag:s11] =	ssyncadd.s32 $0xFFFFE800  }
0x3c: {  	[bflag:$0x0] =	sbarrier.arrive $0xFFFF  }
0x3d: {  	[tilespmem:s10], [sflag:$0x1] =	stream.linear.gather [spmem:s5], $0xEA60, $0x38;
	[tilespmem:$0x1ED40] =	vst v63  }
0x3e: {  	s13 =	sadd.s32 $0x1, s13;
	_ =	swait.ge [sflag:s11], $0xEA60  }
0x3f: {  	p0 =	sne.s32 s13, s7;
	[sflag:s11] =	ssyncset.done $0x0  }
.Ltmp1:
0x40: {  	[sflag:s11] =	ssyncadd.s32 $0xFFFF15A0;
	(pc) =	sbr.rel @p0 .LBB2_1-.Ltmp1, $4  }
0x41: {  	[hbm4b:s6+s3] =	stream.linear.scatter [tilespmem:s10], [sflag:$0x1], $0xEA60, $0x38;
	[tilespmem:$0x1ED40] =	vst v63  }
0x42: {  	_ =	swait.ge [sflag:s11], $0xEA60  }
0x43: {  	[sflag:s11] =	ssyncset.done $0x0  }
0x44: {  	[sflag:s11] =	ssyncadd.s32 $0xFFFF15A0  }
0x45: {  	_ =	sfence.sel $0x180000  }
0x46: {  	[bflag:$0x0] =	sbarrier.arrive $0xFFFF  }
0x47: {  	p0 =	sne.s32 s0, $0x0;
	_ =	strace $0x90000050  }
0x48: {  	s0 =	sadd.s32 @!p0 $0x100000, s1;
	[bflag:$0x2] =	sbarrier.arrive $0xFFFF  }
0x49: {  	[sflag:s0] =	ssyncadd.tile.s32 @!p0 $0x1;
	_ =	shalt  }
.Lfunc_end2:
_tile_overlayer_lowered:
.L_overlay_start_2:
0x4a: {  	(tag) =	ssettag $0x2  }
0x4b: {  	s0 =	rddreg [dreg:$0x0];
	s2 =	stileid.u32  }
0x4c: {  	s1 =	rddreg [dreg:$0x1];
	p0 =	sne.s32 s2, $0x0  }
0x4d: {  	s3 =	rddreg [dreg:$0x2];
	[bflag:$0x3] =	sbarrier.arrive $0xFFFF;
	s2 =	simm.s32 @!p0 $0x1C01  }
0x4e: {  	[timem:s3], [sflag:s2] =	dma.local @!p0 [hbm:s0], s1  }
0x4f: {  	s0 =	simm.s32 @!p0 $0x1  }
0x50: {  	_ =	swait.ge @!p0 [sflag:s0], s1  }
0x51: {  	s1 =	ssub.s32 @!p0 $0x0, s1;
	[sflag:s0] =	ssyncset.done @!p0 $0x0  }
0x52: {  	[sflag:s0] =	ssyncadd.s32 @!p0 s1  }
0x53: {  	[bflag:$0x3] =	sbarrier.arrive $0xFFFF  }
0x54: {  	_ =	shalt  }

// kernel: kernel.25.cloned.1.call-start
scs
__scs_entry_jumppad:
0x0: {  	(pc) =	sbr.rel $0x88, $3  }
0x1: {  	(tag) =	ssettag $0x0;
	lr =	simm.s32 $0x1  }
0x2: {  	[smem:$0x3F82] =	sst lr;
	_ =	strace $0xD0000000  }
0x3: {  	_ = 	snop  }
0x4: {  	_ = 	snop  }
0x5: {  	_ = 	snop  }
0x6: {  	_ = 	snop  }
0x7: {  	_ = 	snop  }
__scs_overlays_trampoline_lowered:
0x8: {  	[smem:$0x3F91] =	sst s0  }
0x9: {  	[smem:$0x3F92] =	sst s1  }
0xa: {  	[smem:$0x3F93] =	sst s2  }
0xb: {  	[smem:$0x3F94] =	sst s3  }
0xc: {  	[smem:$0x3F95] =	sst s4  }
0xd: {  	[smem:$0x3F96] =	sst s5  }
0xe: {  	[smem:$0x3F97] =	sst s6  }
0xf: {  	[smem:$0x3F98] =	sst s7  }
0x10: {  	[smem:$0x3F99] =	sst s8  }
0x11: {  	[smem:$0x3F9A] =	sst s9;
	s0 =	simm.s32 @!p0 $0x0  }
0x12: {  	s1 =	sld [smem:$0x3F80];
	s0 =	simm.s32 @p0 $0x1  }
0x13: {  	[smem:$0x3F9B] =	sst s0;
	s0 =	simm.s32 @!p1 $0x0  }
0x14: {  	s2 =	sld [smem:$0x3F7F];
	s0 =	simm.s32 @p1 $0x1  }
0x15: {  	[smem:$0x3F9C] =	sst s0;
	s0 =	simm.s32 @!p2 $0x0  }
0x16: {  	s3 =	sld [smem:$0x3FDB];
	s0 =	simm.s32 @p2 $0x1  }
0x17: {  	s4 =	simm.s32 $0x1BF5;
	[smem:$0x3F9E] =	sst s0  }
0x18: {  	s0 =	sld [smem:$0x3F81];
	_ =	swait.ge [sflag:s4], $0x0  }
0x19: {  	s7 =	sld [smem:$0x3F82]  }
0x1a: {  	s8 =	sadd.s32 $0xFFFFE003, lr  }
0x1b: {  	s9 =	sadd.s32 $0xFFFFFEF7, lr;
	s5 =	simm.s32 $0xFFFFFFFF;
	p2 =	slt.u32 s8, $0xFFFFF086  }
0x1c: {  	p1 =	slt.u32 s9, $0xF7A;
	s5 =	simm.s32 @!p2 $0x0  }
0x1d: {  	s5 =	simm.s32 @p1 $0x1;
	p0 =	seq.s32 s7, s2  }
0x1e: {  	s7 =	smul.u32 @!p0 $0xF7A, s2;
	p2 =	seq.s32 @!p0 s5, $0x0  }
0x1f: {  	s9 =	smul.u32 $0xF7A, s1;
	s8 =	simm.s32 @!p0 $0x1BF5;
	p2 =	por !p2, p0  }
0x20: {  	[sflag:s8] =	ssyncset.s32 @!p0 $0xFFFFF086;
	s6 =	sadd.s32 @!p0 s3, s7;
	s7 =	simm.s32 @!p0 $0x108  }
0x21: {  	s3 =	sadd.s32 s3, s9;
	s6 =	sadd.s32 @!p0 $0x88, s6;
	s7 =	simm.s32 @p2 $0x1082  }
0x22: {  	[simem:s7], [sflag:s8] =	dma.local @!p0 [hbm:s6], $0xF7A  }
0x23: {  	s9 =	sor.u32 $0xD0000000, s2;
	s6 =	simm.s32 $0x108;
	_ =	swait.ge @!p0 [sflag:s8], $0x0  }
0x24: {  	s3 =	sadd.s32 $0x88, s3;
	s6 =	simm.s32 @!p1 $0x1082;
	[sflag:s4] =	ssyncset.s32 $0xFFFFF086  }
0x25: {  	[simem:s6], [sflag:s4] =	dma.local [hbm:s3], $0xF7A  }
0x26: {  	[smem:$0x3F82] =	sst s1;
	(tag) =	ssettag s2;
	_ =	strace s9  }
0x27: {  	s1 =	sld [smem:$0x3F92]  }
0x28: {  	s2 =	sld [smem:$0x3F93]  }
0x29: {  	s4 =	sld [smem:$0x3F95]  }
0x2a: {  	p0 =	seq.s32 s5, $0x0;
	s5 =	sld [smem:$0x3F96]  }
0x2b: {  	s6 =	sld [smem:$0x3F97]  }
0x2c: {  	s7 =	sld [smem:$0x3F98]  }
0x2d: {  	s3 =	simm.s32 $0x108;
	s8 =	sld [smem:$0x3F99]  }
0x2e: {  	s3 =	simm.s32 @!p0 $0x1082;
	s9 =	sld [smem:$0x3F9A]  }
0x2f: {  	lr =	sadd.s32 s0, s3;
	s0 =	sld [smem:$0x3F91]  }
0x30: {  	s3 =	sld [smem:$0x3F94]  }
0x31: {  	[smem:$0x3F9D] =	sst s10  }
0x32: {  	s10 =	sld [smem:$0x3F9B];
	_ =	sdelay $0x3  }
0x33: {  	p0 =	seq.s32 s10, $0x1;
	s10 =	sld [smem:$0x3F9D];
	_ =	sdelay $0x3  }
0x34: {  	[smem:$0x3F9D] =	sst s10  }
0x35: {  	s10 =	sld [smem:$0x3F9C];
	_ =	sdelay $0x3  }
0x36: {  	p1 =	seq.s32 s10, $0x1;
	s10 =	sld [smem:$0x3F9D];
	_ =	sdelay $0x3  }
0x37: {  	[smem:$0x3F9D] =	sst s10  }
0x38: {  	s10 =	sld [smem:$0x3F9E]  }
0x39: {  	_ = 	snop;
	(pc) =	sbr.ind lr, $3  }
0x3a: {  	_ = 	snop  }
0x3b: {  	_ = 	snop  }
0x3c: {  	p2 =	seq.s32 s10, $0x1;
	s10 =	sld [smem:$0x3F9D]  }
0x3d: {  	_ =	shalt  }
0x3e: {  	_ =	shalt  }
0x3f: {  	_ =	shalt  }
0x40: {  	_ =	shalt  }
0x41: {  	_ =	shalt  }
0x42: {  	_ =	shalt  }
0x43: {  	_ =	shalt  }
0x44: {  	_ =	shalt  }
0x45: {  	_ =	shalt  }
0x46: {  	_ =	shalt  }
0x47: {  	_ =	shalt  }
0x48: {  	_ =	shalt  }
0x49: {  	_ =	shalt  }
0x4a: {  	_ =	shalt  }
0x4b: {  	_ =	shalt  }
0x4c: {  	_ =	shalt  }
0x4d: {  	_ =	shalt  }
0x4e: {  	_ =	shalt  }
0x4f: {  	_ =	shalt  }
0x50: {  	_ =	shalt  }
0x51: {  	_ =	shalt  }
0x52: {  	_ =	shalt  }
0x53: {  	_ =	shalt  }
0x54: {  	_ =	shalt  }
0x55: {  	_ =	shalt  }
0x56: {  	_ =	shalt  }
0x57: {  	_ =	shalt  }
0x58: {  	_ =	shalt  }
0x59: {  	_ =	shalt  }
0x5a: {  	_ =	shalt  }
0x5b: {  	_ =	shalt  }
0x5c: {  	_ =	shalt  }
0x5d: {  	_ =	shalt  }
0x5e: {  	_ =	shalt  }
0x5f: {  	_ =	shalt  }
0x60: {  	_ =	shalt  }
0x61: {  	_ =	shalt  }
0x62: {  	_ =	shalt  }
0x63: {  	_ =	shalt  }
0x64: {  	_ =	shalt  }
0x65: {  	_ =	shalt  }
0x66: {  	_ =	shalt  }
0x67: {  	_ =	shalt  }
0x68: {  	_ =	shalt  }
0x69: {  	_ =	shalt  }
0x6a: {  	_ =	shalt  }
0x6b: {  	_ =	shalt  }
0x6c: {  	_ =	shalt  }
0x6d: {  	_ =	shalt  }
0x6e: {  	_ =	shalt  }
0x6f: {  	_ =	shalt  }
0x70: {  	_ =	shalt  }
0x71: {  	_ =	shalt  }
0x72: {  	_ =	shalt  }
0x73: {  	_ =	shalt  }
0x74: {  	_ =	shalt  }
0x75: {  	_ =	shalt  }
0x76: {  	_ =	shalt  }
0x77: {  	_ =	shalt  }
0x78: {  	_ =	shalt  }
0x79: {  	_ =	shalt  }
0x7a: {  	_ =	shalt  }
0x7b: {  	_ =	shalt  }
0x7c: {  	_ =	shalt  }
0x7d: {  	_ =	shalt  }
0x7e: {  	_ =	shalt  }
0x7f: {  	_ =	shalt  }
0x80: {  	_ =	shalt  }
0x81: {  	_ =	shalt  }
0x82: {  	_ =	shalt  }
0x83: {  	_ =	shalt  }
0x84: {  	_ =	shalt  }
0x85: {  	_ =	shalt  }
0x86: {  	_ =	shalt  }
0x87: {  	_ =	shalt  }
.Lfunc_end0:
.L_simem_size_0:
called_computation.4_lowered:
.L_overlay_start_0:
0x88: {  	s2 =	sld [smem:$0x3FD9]  }
0x89: {  	s3 =	sld [smem:$0x3FFE];
	_ =	sdelay $0x1  }
0x8a: {  	s1 =	srdreg.scid  }
0x8b: {  	s0 =	sand.u32 $0x1, s1  }
0x8c: {  	s17 =	sshll.u32 s0, $0xA;
	s2 =	sadd.s32 s3, s2  }
0x8d: {  	s2 =	sadd.s32 s2, s17  }
0x8e: {  	[smem:$0x3FA9] =	sst s2  }
0x8f: {  	_ = 	snop  }
0x90: {  	s2 =	sld [smem:$0x3FD0];
	(tm) =	ssettm $0x1  }
0x91: {  	s18 =	sld [smem:$0x3FFB];
	_ =	sdelay $0x3  }
0x92: {  	_ =	strace s18  }
0x93: {  	s3 =	sld [smem:$0x3FFC];
	_ =	sdelay $0x3  }
0x94: {  	_ =	strace s3  }
0x95: {  	s3 =	sld [smem:$0x3FFD];
	_ =	sdelay $0x3  }
0x96: {  	_ =	strace s3  }
0x97: {  	_ =	strace $0x8FFFFFFF  }
0x98: {  	s19 =	sld [smem:$0x3FDB];
	_ =	sdelay $0x1  }
0x99: {  	s4 =	simm.s32 $_scs_section_size  }
0x9a: {  	s5 =	simm.s32 $_size__tile_overlayer_lowered;
	s6 =	simm.s32 $_tile_overlayer_lowered  }
0x9b: {  	s22 =	simm.s32 $0x1BFF;
	s21 =	sshll.u32 s6, $0x1;
	s3 =	sadd.s32 s4, s19  }
0x9c: {  	s7 =	simm.s32 $0x0;
	s20 =	sshll.u32 s5, $0x1;
	s5 =	sadd.s32 s21, s3  }
0x9d: {  	[timem:s7], [sflag:s22] =	dma.local [hbm:s5], s20  }
0x9e: {  	_ =	swait.ge [sflag:s22], s20  }
0x9f: {  	s4 =	ssub.s32 $0x0, s20;
	[sflag:s22] =	ssyncset.done $0x0  }
0xa0: {  	[sflag:s22] =	ssyncadd.s32 s4;
	_ =	sdelay $0x1  }
0xa1: {  	s23 =	simm.s32 $0x1B8B  }
0xa2: {  	_ =	swait.ge [sflag:s23], $0x1  }
0xa3: {  	[sflag:s23] =	ssyncset.done $0x0  }
0xa4: {  	s25 =	simm.s32 $0x1B8E;
	s24 =	sld [smem:$0x3FFE];
	[sflag:s23] =	ssyncadd.s32 $0xFFFFFFFF  }
0xa5: {  	s26 =	simm.s32 $execute0_lowered;
	[smem:$0x3FD2] =	sst s25  }
0xa6: {  	s5 =	sshll.u32 s26, $0x1;
	_ =	strace $0x80000052;
	[dreg:$0x1] =	wrdreg $0xFFFFFFFF  }
0xa7: {  	s28 =	simm.s32 $_size_execute0_lowered;
	s3 =	sadd.s32 s3, s5;
	[dreg:$0x0] =	wrdreg $0x0  }
0xa8: {  	s5 =	sshll.u32 s28, $0x1;
	[dreg:$0x2] =	wrdreg s3  }
0xa9: {  	[dreg:$0x3] =	wrdreg s5  }
0xaa: {  	[dreg:$0x4] =	wrdreg $0xC0  }
0xab: {  	_ =	task [dreg:s7], $0x5FFFF  }
0xac: {  	[dreg:$0x1] =	wrdreg $0xFFFFFFFF  }
0xad: {  	[dreg:$0x0] =	wrdreg $0x60  }
0xae: {  	[dreg:$0x2] =	wrdreg s24  }
0xaf: {  	[dreg:$0x3] =	wrdreg s2  }
0xb0: {  	[dreg:$0x4] =	wrdreg $0x1E800  }
0xb1: {  	[dreg:$0x5] =	wrdreg $0x9  }
0xb2: {  	_ =	task.clear_ibuf [dreg:s7], $0x6FFFF;
	_ =	strace $0x90000052  }
0xb3: {  	s29 =	simm.s32 $0x9;
	_ =	strace $0x80000054  }
0xb4: {  	_ =	swait.ge [sflag:s29], $0x1  }
0xb5: {  	[sflag:s29] =	ssyncadd.s32 $0xFFFFFFFF  }
0xb6: {  	_ =	strace $0x90000054  }
0xb7: {  	_ =	sfence  }
0xb8: {  	s30 =	sld [smem:$0x0];
	_ =	sdelay $0x2  }
0xb9: {  	s31 =	sshll.u32 s1, $0xD;
	s1 =	sshrl.u32 s1, $0x2  }
0xba: {  	s3 =	sand.u32 $0x4000, s31;
	s1 =	sadd.s32 s1, s30  }
0xbb: {  	s0 =	sor.u32 s3, s0;
	s1 =	sshll.u32 s1, $0x11  }
0xbc: {  	s0 =	sor.u32 s1, s0  }
0xbd: {  	s0 =	sadd.s32 $0x8F2B, s0  }
0xbe: {  	[sflag:s0] =	ssyncadd.remote.s32 $0x1  }
0xbf: {  	_ =	sfence.sel $0xFFFF  }
0xc0: {  	[dreg:$0x0] =	wrdreg $0xFFFFFFFF;
	(pc) =	sbr.abs _section_cstart, $3  }
0xc1: {  	[dreg:$0x1] =	wrdreg $0xFFFFFFFF  }
0xc2: {  	_ =	task.clear_ibuf [dreg:s7], $0x2FFFF;
	_ =	strace $0x9FFFFFFF  }
0xc3: {  	(tm) =	ssettm $0x7FFFFFFF  }
tec
execute0_lowered:
.L_overlay_start_1:
0x0: {  	(tag) =	ssettag $0x1  }
0x1: {  	s19 =	rddreg [dreg:$0x0]  }
0x2: {  	s1 =	rddreg [dreg:$0x1]  }
0x3: {  	s3 =	rddreg [dreg:$0x2]  }
0x4: {  	s0 =	rddreg [dreg:$0x3];
	s4 =	simm.s32 $0x0  }
0x5: {  	s2 =	stileid.u32;
	[smem:$0x7FF] =	sst s4  }
0x6: {  	s6 =	simm.s32 $0x1880;
	s5 =	simm.s32 $0x1;
	_ =	strace $0x80000053  }
0x7: {  	[tilespmem:s6], [sflag:$0x1] =	stream.linear.gather [hbm4b:s1+s4], $0x600, $0x38;
	[tilespmem:$0x2480] =	vst v63  }
0x8: {  	s7 =	srdreg.scid;
	s20 =	smul.u32 $0x600, s2;
	_ =	swait.ge [sflag:s5], $0x600  }
0x9: {  	s21 =	sand.u32 $0x1, s7;
	s28 =	sshll.u32 s2, $0x1;
	[sflag:s5] =	ssyncset.done $0x0  }
0xa: {  	s9 =	sor.u32 s21, s28;
	s7 =	sadd.s32 s20, s3;
	[sflag:s5] =	ssyncadd.s32 $0xFFFFFA00  }
0xb: {  	[spmem:s7] =	stream.linear.scatter [tilespmem:s6], [sflag:$0x1], $0x600, $0x38;
	[tilespmem:$0x2480] =	vst v63  }
0xc: {  	s11 =	smul.u32 $0x280, s9;
	_ =	swait.ge [sflag:s5], $0x600  }
0xd: {  	[sflag:s5] =	ssyncset.done $0x0  }
0xe: {  	s12 =	sadd.s32 $0x113000, s19;
	s8 =	sshrl.u32 s11, $0x3;
	[sflag:s5] =	ssyncadd.s32 $0xFFFFFA00  }
0xf: {  	s8 =	sadd.s32 s12, s8;
	[bflag:$0x0] =	sbarrier.arrive $0xFFFF  }
0x10: {  	[tilespmem:s4], [sflag:$0x1] =	stream.linear.gather [hbm4b:s8+s4], $0x80, $0x38;
	[tilespmem:$0x2480] =	vst v63  }
0x11: {  	s9 =	smul.u32 $0xF00, s9;
	_ =	swait.ge [sflag:s5], $0x80  }
0x12: {  	s13 =	sadd.s32 $0x5600, s19;
	[sflag:s5] =	ssyncset.done $0x0  }
0x13: {  	s10 =	simm.s32 $0x80;
	s9 =	sadd.s32 s13, s9;
	[sflag:s5] =	ssyncadd.s32 $0xFFFFFF80  }
0x14: {  	[tilespmem:s10], [sflag:$0x1] =	stream.linear.gather [hbm4b:s9+s4], $0x1800, $0x38;
	[tilespmem:$0x2480] =	vst v63  }
0x15: {  	_ =	swait.ge [sflag:s5], $0x1800  }
0x16: {  	[sflag:s5] =	ssyncset.done $0x0  }
0x17: {  	[sflag:s5] =	ssyncadd.s32 $0xFFFFE800  }
0x18: {  	[spmem:s3] =	stream.indirect.scatter.add.f32 [tilespmem:s10], [sflag:$0x1], $0x30, s4, s10, $0xb8;
	[tilespmem:$0x2480] =	vst v63  }
0x19: {  	s14 =	sadd.s32 $0x80, s11;
	_ =	swait.ge [sflag:s5], $0x1800  }
0x1a: {  	s11 =	sshrl.u32 s14, $0x3;
	[sflag:s5] =	ssyncset.done $0x0  }
0x1b: {  	s11 =	sadd.s32 s12, s11;
	[sflag:s5] =	ssyncadd.s32 $0xFFFFE800  }
0x1c: {  	[tilespmem:s4], [sflag:$0x1] =	stream.linear.gather [hbm4b:s11+s4], $0x80, $0x38;
	[tilespmem:$0x2480] =	vst v63  }
0x1d: {  	s29 =	smul.u32 $0x6, s14;
	_ =	swait.ge [sflag:s5], $0x80  }
0x1e: {  	[sflag:s5] =	ssyncset.done $0x0  }
0x1f: {  	s12 =	sadd.s32 s13, s29;
	[sflag:s5] =	ssyncadd.s32 $0xFFFFFF80  }
0x20: {  	[tilespmem:s10], [sflag:$0x1] =	stream.linear.gather [hbm4b:s12+s4], $0x1800, $0x38;
	[tilespmem:$0x2480] =	vst v63  }
0x21: {  	_ =	swait.ge [sflag:s5], $0x1800  }
0x22: {  	[sflag:s5] =	ssyncset.done $0x0  }
0x23: {  	[sflag:s5] =	ssyncadd.s32 $0xFFFFE800  }
0x24: {  	[spmem:s3] =	stream.indirect.scatter.add.f32 [tilespmem:s10], [sflag:$0x1], $0x30, s4, s10, $0xb8;
	[tilespmem:$0x2480] =	vst v63  }
0x25: {  	_ =	swait.ge [sflag:s5], $0x1800  }
0x26: {  	[sflag:s5] =	ssyncset.done $0x0  }
0x27: {  	s13 =	sadd.s32 $0x20, s8;
	[sflag:s5] =	ssyncadd.s32 $0xFFFFE800  }
0x28: {  	[tilespmem:s4], [sflag:$0x1] =	stream.linear.gather [hbm4b:s13+s4], $0x80, $0x38;
	[tilespmem:$0x2480] =	vst v63  }
0x29: {  	_ =	swait.ge [sflag:s5], $0x80  }
0x2a: {  	[sflag:s5] =	ssyncset.done $0x0  }
0x2b: {  	s14 =	sadd.s32 $0x600, s9;
	[sflag:s5] =	ssyncadd.s32 $0xFFFFFF80  }
0x2c: {  	[tilespmem:s10], [sflag:$0x1] =	stream.linear.gather [hbm4b:s14+s4], $0x1800, $0x38;
	[tilespmem:$0x2480] =	vst v63  }
0x2d: {  	_ =	swait.ge [sflag:s5], $0x1800  }
0x2e: {  	[sflag:s5] =	ssyncset.done $0x0  }
0x2f: {  	[sflag:s5] =	ssyncadd.s32 $0xFFFFE800  }
0x30: {  	[spmem:s3] =	stream.indirect.scatter.add.f32 [tilespmem:s10], [sflag:$0x1], $0x30, s4, s10, $0xb8;
	[tilespmem:$0x2480] =	vst v63  }
0x31: {  	_ =	swait.ge [sflag:s5], $0x1800  }
0x32: {  	[sflag:s5] =	ssyncset.done $0x0  }
0x33: {  	s15 =	sadd.s32 $0x30, s8;
	[sflag:s5] =	ssyncadd.s32 $0xFFFFE800  }
0x34: {  	[tilespmem:s4], [sflag:$0x1] =	stream.linear.gather [hbm4b:s15+s4], $0x80, $0x38;
	[tilespmem:$0x2480] =	vst v63  }
0x35: {  	_ =	swait.ge [sflag:s5], $0x80  }
0x36: {  	[sflag:s5] =	ssyncset.done $0x0  }
0x37: {  	s16 =	sadd.s32 $0x900, s9;
	[sflag:s5] =	ssyncadd.s32 $0xFFFFFF80  }
0x38: {  	[tilespmem:s10], [sflag:$0x1] =	stream.linear.gather [hbm4b:s16+s4], $0x1800, $0x38;
	[tilespmem:$0x2480] =	vst v63  }
0x39: {  	_ =	swait.ge [sflag:s5], $0x1800  }
0x3a: {  	[sflag:s5] =	ssyncset.done $0x0  }
0x3b: {  	[sflag:s5] =	ssyncadd.s32 $0xFFFFE800  }
0x3c: {  	[spmem:s3] =	stream.indirect.scatter.add.f32 [tilespmem:s10], [sflag:$0x1], $0x30, s4, s10, $0xb8;
	[tilespmem:$0x2480] =	vst v63  }
0x3d: {  	_ =	swait.ge [sflag:s5], $0x1800  }
0x3e: {  	[sflag:s5] =	ssyncset.done $0x0  }
0x3f: {  	s17 =	sadd.s32 $0x40, s8;
	[sflag:s5] =	ssyncadd.s32 $0xFFFFE800  }
0x40: {  	[tilespmem:s4], [sflag:$0x1] =	stream.linear.gather [hbm4b:s17+s4], $0x80, $0x38;
	[tilespmem:$0x2480] =	vst v63  }
0x41: {  	_ =	swait.ge [sflag:s5], $0x80  }
0x42: {  	[sflag:s5] =	ssyncset.done $0x0  }
0x43: {  	s18 =	sadd.s32 $0xC00, s9;
	[sflag:s5] =	ssyncadd.s32 $0xFFFFFF80  }
0x44: {  	[tilespmem:s10], [sflag:$0x1] =	stream.linear.gather [hbm4b:s18+s4], $0x1800, $0x38;
	[tilespmem:$0x2480] =	vst v63  }
0x45: {  	_ =	swait.ge [sflag:s5], $0x1800  }
0x46: {  	[sflag:s5] =	ssyncset.done $0x0  }
0x47: {  	s22 =	smul.u32 $0x6000, s21;
	[sflag:s5] =	ssyncadd.s32 $0xFFFFE800  }
0x48: {  	[spmem:s3] =	stream.indirect.scatter.add.f32 [tilespmem:s10], [sflag:$0x1], $0x30, s4, s10, $0xb8;
	[tilespmem:$0x2480] =	vst v63  }
0x49: {  	s21 =	ssub.s32 $0x2, s21;
	_ =	swait.ge [sflag:s5], $0x1800  }
0x4a: {  	s30 =	sshrl.u32 s21, $0x1;
	s20 =	sadd.s32 s20, s22;
	[sflag:s5] =	ssyncset.done $0x0  }
0x4b: {  	s31 =	ssub.s32 s21, s30;
	s20 =	sshrl.u32 s20, $0x3;
	[sflag:s5] =	ssyncadd.s32 $0xFFFFE800  }
0x4c: {  	s19 =	sadd.s32 s20, s19;
	s20 =	smax.u32 s31, $0x1;
	[bflag:$0x0] =	sbarrier.arrive $0xFFFF  }
0x4d: {  	[tilespmem:s6], [sflag:$0x1] =	stream.linear.gather [spmem:s7], $0x600, $0x38;
	[tilespmem:$0x2480] =	vst v63  }
0x4e: {  	p0 =	sne.s32 s20, $0x1;
	_ =	swait.ge [sflag:s5], $0x600  }
.Ltmp0:
0x4f: {  	[sflag:s5] =	ssyncset.done $0x0;
	(pc) =	sbr.rel @!p0 .LBB2_2-.Ltmp0, $4  }
0x50: {  	s19 =	sadd.s32 $0x23600, s19;
	[sflag:s5] =	ssyncadd.s32 $0xFFFFFA00  }
0x51: {  	[hbm4b:s19+s4] =	stream.linear.scatter [tilespmem:s6], [sflag:$0x1], $0x600, $0x38;
	[tilespmem:$0x2480] =	vst v63  }
0x52: {  	_ =	swait.ge [sflag:s5], $0x600  }
0x53: {  	s20 =	sadd.s32 $0xFFFFFFFF, s20;
	[sflag:s5] =	ssyncset.done $0x0  }
.LBB2_1:
0x54: {  	p0 =	sne.s32 s20, $0x1;
	s20 =	sadd.s32 $0xFFFFFFFF, s20;
	[sflag:s5] =	ssyncadd.s32 $0xFFFFFA00  }
0x55: {  	[tilespmem:s6], [sflag:$0x1] =	stream.linear.gather [hbm4b:s1+s4], $0x600, $0x38;
	[tilespmem:$0x2480] =	vst v63  }
0x56: {  	_ =	swait.ge [sflag:s5], $0x600  }
0x57: {  	[sflag:s5] =	ssyncset.done $0x0  }
0x58: {  	[sflag:s5] =	ssyncadd.s32 $0xFFFFFA00  }
0x59: {  	[spmem:s7] =	stream.linear.scatter [tilespmem:s6], [sflag:$0x1], $0x600, $0x38;
	[tilespmem:$0x2480] =	vst v63  }
0x5a: {  	_ =	swait.ge [sflag:s5], $0x600  }
0x5b: {  	[sflag:s5] =	ssyncset.done $0x0  }
0x5c: {  	[sflag:s5] =	ssyncadd.s32 $0xFFFFFA00  }
0x5d: {  	[bflag:$0x0] =	sbarrier.arrive $0xFFFF  }
0x5e: {  	[tilespmem:s4], [sflag:$0x1] =	stream.linear.gather [hbm4b:s8+s4], $0x80, $0x38;
	[tilespmem:$0x2480] =	vst v63  }
0x5f: {  	_ =	swait.ge [sflag:s5], $0x80  }
0x60: {  	[sflag:s5] =	ssyncset.done $0x0  }
0x61: {  	[sflag:s5] =	ssyncadd.s32 $0xFFFFFF80  }
0x62: {  	[tilespmem:s10], [sflag:$0x1] =	stream.linear.gather [hbm4b:s9+s4], $0x1800, $0x38;
	[tilespmem:$0x2480] =	vst v63  }
0x63: {  	_ =	swait.ge [sflag:s5], $0x1800  }
0x64: {  	[sflag:s5] =	ssyncset.done $0x0  }
0x65: {  	[sflag:s5] =	ssyncadd.s32 $0xFFFFE800  }
0x66: {  	[spmem:s3] =	stream.indirect.scatter.add.f32 [tilespmem:s10], [sflag:$0x1], $0x30, s4, s10, $0xb8;
	[tilespmem:$0x2480] =	vst v63  }
0x67: {  	_ =	swait.ge [sflag:s5], $0x1800  }
0x68: {  	[sflag:s5] =	ssyncset.done $0x0  }
0x69: {  	[sflag:s5] =	ssyncadd.s32 $0xFFFFE800  }
0x6a: {  	[tilespmem:s4], [sflag:$0x1] =	stream.linear.gather [hbm4b:s11+s4], $0x80, $0x38;
	[tilespmem:$0x2480] =	vst v63  }
0x6b: {  	_ =	swait.ge [sflag:s5], $0x80  }
0x6c: {  	[sflag:s5] =	ssyncset.done $0x0  }
0x6d: {  	[sflag:s5] =	ssyncadd.s32 $0xFFFFFF80  }
0x6e: {  	[tilespmem:s10], [sflag:$0x1] =	stream.linear.gather [hbm4b:s12+s4], $0x1800, $0x38;
	[tilespmem:$0x2480] =	vst v63  }
0x6f: {  	_ =	swait.ge [sflag:s5], $0x1800  }
0x70: {  	[sflag:s5] =	ssyncset.done $0x0  }
0x71: {  	[sflag:s5] =	ssyncadd.s32 $0xFFFFE800  }
0x72: {  	[spmem:s3] =	stream.indirect.scatter.add.f32 [tilespmem:s10], [sflag:$0x1], $0x30, s4, s10, $0xb8;
	[tilespmem:$0x2480] =	vst v63  }
0x73: {  	_ =	swait.ge [sflag:s5], $0x1800  }
0x74: {  	[sflag:s5] =	ssyncset.done $0x0  }
0x75: {  	[sflag:s5] =	ssyncadd.s32 $0xFFFFE800  }
0x76: {  	[tilespmem:s4], [sflag:$0x1] =	stream.linear.gather [hbm4b:s13+s4], $0x80, $0x38;
	[tilespmem:$0x2480] =	vst v63  }
0x77: {  	_ =	swait.ge [sflag:s5], $0x80  }
0x78: {  	[sflag:s5] =	ssyncset.done $0x0  }
0x79: {  	[sflag:s5] =	ssyncadd.s32 $0xFFFFFF80  }
0x7a: {  	[tilespmem:s10], [sflag:$0x1] =	stream.linear.gather [hbm4b:s14+s4], $0x1800, $0x38;
	[tilespmem:$0x2480] =	vst v63  }
0x7b: {  	_ =	swait.ge [sflag:s5], $0x1800  }
0x7c: {  	[sflag:s5] =	ssyncset.done $0x0  }
0x7d: {  	[sflag:s5] =	ssyncadd.s32 $0xFFFFE800  }
0x7e: {  	[spmem:s3] =	stream.indirect.scatter.add.f32 [tilespmem:s10], [sflag:$0x1], $0x30, s4, s10, $0xb8;
	[tilespmem:$0x2480] =	vst v63  }
0x7f: {  	_ =	swait.ge [sflag:s5], $0x1800  }
0x80: {  	[sflag:s5] =	ssyncset.done $0x0  }
0x81: {  	[sflag:s5] =	ssyncadd.s32 $0xFFFFE800  }
0x82: {  	[tilespmem:s4], [sflag:$0x1] =	stream.linear.gather [hbm4b:s15+s4], $0x80, $0x38;
	[tilespmem:$0x2480] =	vst v63  }
0x83: {  	_ =	swait.ge [sflag:s5], $0x80  }
0x84: {  	[sflag:s5] =	ssyncset.done $0x0  }
0x85: {  	[sflag:s5] =	ssyncadd.s32 $0xFFFFFF80  }
0x86: {  	[tilespmem:s10], [sflag:$0x1] =	stream.linear.gather [hbm4b:s16+s4], $0x1800, $0x38;
	[tilespmem:$0x2480] =	vst v63  }
0x87: {  	_ =	swait.ge [sflag:s5], $0x1800  }
0x88: {  	[sflag:s5] =	ssyncset.done $0x0  }
0x89: {  	[sflag:s5] =	ssyncadd.s32 $0xFFFFE800  }
0x8a: {  	[spmem:s3] =	stream.indirect.scatter.add.f32 [tilespmem:s10], [sflag:$0x1], $0x30, s4, s10, $0xb8;
	[tilespmem:$0x2480] =	vst v63  }
0x8b: {  	_ =	swait.ge [sflag:s5], $0x1800  }
0x8c: {  	[sflag:s5] =	ssyncset.done $0x0  }
0x8d: {  	[sflag:s5] =	ssyncadd.s32 $0xFFFFE800  }
0x8e: {  	[tilespmem:s4], [sflag:$0x1] =	stream.linear.gather [hbm4b:s17+s4], $0x80, $0x38;
	[tilespmem:$0x2480] =	vst v63  }
0x8f: {  	_ =	swait.ge [sflag:s5], $0x80  }
0x90: {  	[sflag:s5] =	ssyncset.done $0x0  }
0x91: {  	[sflag:s5] =	ssyncadd.s32 $0xFFFFFF80  }
0x92: {  	[tilespmem:s10], [sflag:$0x1] =	stream.linear.gather [hbm4b:s18+s4], $0x1800, $0x38;
	[tilespmem:$0x2480] =	vst v63  }
0x93: {  	_ =	swait.ge [sflag:s5], $0x1800  }
0x94: {  	[sflag:s5] =	ssyncset.done $0x0  }
0x95: {  	[sflag:s5] =	ssyncadd.s32 $0xFFFFE800  }
0x96: {  	[spmem:s3] =	stream.indirect.scatter.add.f32 [tilespmem:s10], [sflag:$0x1], $0x30, s4, s10, $0xb8;
	[tilespmem:$0x2480] =	vst v63  }
0x97: {  	_ =	swait.ge [sflag:s5], $0x1800  }
0x98: {  	[sflag:s5] =	ssyncset.done $0x0  }
0x99: {  	[sflag:s5] =	ssyncadd.s32 $0xFFFFE800  }
0x9a: {  	[bflag:$0x0] =	sbarrier.arrive $0xFFFF  }
0x9b: {  	[tilespmem:s6], [sflag:$0x1] =	stream.linear.gather [spmem:s7], $0x600, $0x38;
	[tilespmem:$0x2480] =	vst v63  }
0x9c: {  	_ =	swait.ge [sflag:s5], $0x600  }
.Ltmp1:
0x9d: {  	[sflag:s5] =	ssyncset.done $0x0;
	(pc) =	sbr.rel @p0 .LBB2_1-.Ltmp1, $4  }
0x9e: {  	[sflag:s5] =	ssyncadd.s32 $0xFFFFFA00  }
0x9f: {  	[hbm4b:s19+s4] =	stream.linear.scatter [tilespmem:s6], [sflag:$0x1], $0x600, $0x38;
	[tilespmem:$0x2480] =	vst v63  }
0xa0: {  	_ =	swait.ge [sflag:s5], $0x600  }
0xa1: {  	[sflag:s5] =	ssyncset.done $0x0  }
.LBB2_2:
0xa2: {  	[sflag:s5] =	ssyncadd.s32 $0xFFFFFA00  }
0xa3: {  	_ =	sfence.sel $0x180000  }
0xa4: {  	[bflag:$0x0] =	sbarrier.arrive $0xFFFF  }
0xa5: {  	p0 =	sne.s32 s2, $0x0;
	_ =	strace $0x90000053  }
0xa6: {  	s0 =	sadd.s32 @!p0 $0x100000, s0;
	[bflag:$0x2] =	sbarrier.arrive $0xFFFF  }
0xa7: {  	[sflag:s0] =	ssyncadd.tile.s32 @!p0 $0x1;
	_ =	shalt  }
.Lfunc_end2:
_tile_overlayer_lowered:
.L_overlay_start_2:
0xa8: {  	(tag) =	ssettag $0x2  }
0xa9: {  	s0 =	rddreg [dreg:$0x0];
	s2 =	stileid.u32  }
0xaa: {  	s1 =	rddreg [dreg:$0x1];
	p0 =	sne.s32 s2, $0x0  }
0xab: {  	s3 =	rddreg [dreg:$0x2];
	[bflag:$0x3] =	sbarrier.arrive $0xFFFF;
	s2 =	simm.s32 @!p0 $0x1C01  }
0xac: {  	[timem:s3], [sflag:s2] =	dma.local @!p0 [hbm:s0], s1  }
0xad: {  	s0 =	simm.s32 @!p0 $0x1  }
0xae: {  	_ =	swait.ge @!p0 [sflag:s0], s1  }
0xaf: {  	s1 =	ssub.s32 @!p0 $0x0, s1;
	[sflag:s0] =	ssyncset.done @!p0 $0x0  }
0xb0: {  	[sflag:s0] =	ssyncadd.s32 @!p0 s1  }
0xb1: {  	[bflag:$0x3] =	sbarrier.arrive $0xFFFF  }
0xb2: {  	_ =	shalt  }

</sc_bundles>
